<compile_context>
chip_gen: v7x
topology: tpu7x:2x2x1
jax: 0.10.2.dev20260603
libtpu: 0.0.44.dev20260713+nightly
codegen_flags: <defaults>
</compile_context>

<pallas_src>
import functools

import jax
import jax.numpy as jnp
from jax import lax
from jax.experimental import pallas as pl
from jax.experimental.pallas import tpu as pltpu
from jax.experimental.pallas import tpu_sc as plsc

N = 10000
N_PAD = 10240
E = 160000
E_PAD = 163840
CH = 256
HALF = 128
NG = 2
CB = CH // NG
NC = 2
NS = 16
ROWS_PER_TILE = N_PAD // NS
P_CHUNKS = 80
P_CHUNK = 128
D_CHUNKS = 10
D_CHUNK = 512
MB = 1024
MB2 = 1000

_mesh = plsc.VectorSubcoreMesh(core_axis_name="c", subcore_axis_name="s")



@functools.partial(
    pl.kernel,
    mesh=_mesh,
    out_type=jax.ShapeDtypeStruct((NC, N_PAD), jnp.float32),
    scratch_types=[
        pltpu.VMEM((D_CHUNK,), jnp.int32),
        pltpu.VMEM((D_CHUNK,), jnp.float32),
        pltpu.VMEM_SHARED((N_PAD,), jnp.float32),
    ],
)
def _sc_degree(dst_hbm, zeros_hbm, ones_hbm, out_hbm, idx_v, ones_v, acc_sh):
    c = lax.axis_index("c")
    s = lax.axis_index("s")
    wid = s * NC + c
    row = pl.ds(s * ROWS_PER_TILE, ROWS_PER_TILE)
    pltpu.sync_copy(ones_hbm, ones_v)
    pltpu.sync_copy(zeros_hbm.at[row], acc_sh.at[row])
    plsc.subcore_barrier()

    @pl.loop(0, D_CHUNKS)
    def _(j):
        pltpu.sync_copy(dst_hbm.at[wid].at[j], idx_v)
        pltpu.sync_copy(ones_v, acc_sh.at[idx_v], add=True)

    plsc.subcore_barrier()
    pltpu.sync_copy(acc_sh.at[row], out_hbm.at[c].at[row])



def _sc_propagate_body(y_hbm, src_hbm, dst_hbm, out_hbm,
                       s0, s1, s2, s3, d0, d1, d2, d3, r0, r1, acc_sh,
                       si0, si1, si2, si3, sg0, sg1, ss0, ss1):
    c = lax.axis_index("c")
    s = lax.axis_index("s")
    row = pl.ds(s * ROWS_PER_TILE, ROWS_PER_TILE)
    sv = (s0, s1, s2, s3)
    dv = (d0, d1, d2, d3)
    rv = (r0, r1)
    si = (si0, si1, si2, si3)
    sg = (sg0, sg1)
    ss = (ss0, ss1)

    pltpu.async_copy(src_hbm.at[s].at[0], s0, si0)
    pltpu.async_copy(dst_hbm.at[s].at[0], d0, si0)
    pltpu.async_copy(src_hbm.at[s].at[1], s1, si1)
    pltpu.async_copy(dst_hbm.at[s].at[1], d1, si1)
    pltpu.sync_copy(y_hbm.at[c].at[row], acc_sh.at[row])
    plsc.subcore_barrier()

    @pl.loop(0, P_CHUNKS, step=4)
    def _(j):
        for o in range(4):
            k = j + o
            ib, rb = o % 4, o % 2
            pb_r = (o + 1) % 2
            pb_i = (o + 3) % 4
            db_i = (o + 2) % 4

            def drain(rb=rb, db_i=db_i):
                pltpu.make_async_copy(rv[rb], acc_sh.at[dv[db_i]],
                                      ss[rb]).wait()

            if o < 2:
                pl.when(j > 0)(drain)
            else:
                drain()
            @pl.when(k + 2 < P_CHUNKS)
            def _():
                pltpu.async_copy(src_hbm.at[s].at[k + 2], sv[db_i], si[db_i])
                pltpu.async_copy(dst_hbm.at[s].at[k + 2], dv[db_i], si[db_i])
            pltpu.make_async_copy(src_hbm.at[s].at[k], sv[ib], si[ib]).wait()
            pltpu.make_async_copy(dst_hbm.at[s].at[k], dv[ib], si[ib]).wait()
            pltpu.async_copy(y_hbm.at[c].at[sv[ib]], rv[rb], sg[rb])

            def finish_prev(pb_r=pb_r, pb_i=pb_i):
                pltpu.make_async_copy(y_hbm.at[c].at[sv[pb_i]], rv[pb_r],
                                      sg[pb_r]).wait()
                pltpu.async_copy(rv[pb_r], acc_sh.at[dv[pb_i]], ss[pb_r],
                                 add=True)

            if o == 0:
                pl.when(j > 0)(finish_prev)
            else:
                finish_prev()

    pltpu.make_async_copy(y_hbm.at[c].at[sv[3]], rv[1], sg[1]).wait()
    pltpu.async_copy(rv[1], acc_sh.at[dv[3]], ss[1], add=True)
    pltpu.make_async_copy(rv[0], acc_sh.at[dv[2]], ss[0]).wait()
    pltpu.make_async_copy(rv[1], acc_sh.at[dv[3]], ss[1]).wait()
    plsc.subcore_barrier()
    pltpu.sync_copy(acc_sh.at[row], out_hbm.at[c].at[row])


_sc_propagate = functools.partial(
    pl.kernel,
    mesh=_mesh,
    out_type=jax.ShapeDtypeStruct((NG, N_PAD, CB), jnp.float32),
    scratch_types=[
        pltpu.VMEM((P_CHUNK,), jnp.int32),
        pltpu.VMEM((P_CHUNK,), jnp.int32),
        pltpu.VMEM((P_CHUNK,), jnp.int32),
        pltpu.VMEM((P_CHUNK,), jnp.int32),
        pltpu.VMEM((P_CHUNK,), jnp.int32),
        pltpu.VMEM((P_CHUNK,), jnp.int32),
        pltpu.VMEM((P_CHUNK,), jnp.int32),
        pltpu.VMEM((P_CHUNK,), jnp.int32),
        pltpu.VMEM((P_CHUNK, CB), jnp.float32),
        pltpu.VMEM((P_CHUNK, CB), jnp.float32),
        pltpu.VMEM_SHARED((N_PAD, CB), jnp.float32),
        pltpu.SemaphoreType.DMA,
        pltpu.SemaphoreType.DMA,
        pltpu.SemaphoreType.DMA,
        pltpu.SemaphoreType.DMA,
        pltpu.SemaphoreType.DMA,
        pltpu.SemaphoreType.DMA,
        pltpu.SemaphoreType.DMA,
        pltpu.SemaphoreType.DMA,
    ],
)(_sc_propagate_body)



def _tc_matmul_body(x_ref, wt_ref, o_ref):
    o_ref[0] = jnp.dot(x_ref[...], wt_ref[0],
                       preferred_element_type=jnp.float32)


def _tc_matmul(x, wt):
    return pl.pallas_call(
        _tc_matmul_body,
        grid=(NG, N_PAD // MB),
        in_specs=[
            pl.BlockSpec((MB, CH), lambda g, i: (i, 0)),
            pl.BlockSpec((1, CH, CB), lambda g, i: (g, 0, 0)),
        ],
        out_specs=pl.BlockSpec((1, MB, CB), lambda g, i: (g, i, 0)),
        out_shape=jax.ShapeDtypeStruct((NG, N_PAD, CB), jnp.float32),
    )(x, wt)


def _tc_deg_finalize_body(degp_ref, dis_ref, dinv_ref):
    deg = degp_ref[0, :] + degp_ref[1, :] + 1.0
    dis_ref[...] = lax.rsqrt(deg)
    dinv_ref[...] = 1.0 / deg


def _tc_deg_finalize(degp):
    return pl.pallas_call(
        _tc_deg_finalize_body,
        out_shape=(
            jax.ShapeDtypeStruct((N_PAD,), jnp.float32),
            jax.ShapeDtypeStruct((N_PAD,), jnp.float32),
        ),
    )(degp)


def _tc_scale_body(y_ref, sc_ref, o_ref):
    o_ref[0] = y_ref[0] * sc_ref[...]


def _tc_scale(y, scale):
    return pl.pallas_call(
        _tc_scale_body,
        grid=(NG, N_PAD // MB),
        in_specs=[
            pl.BlockSpec((1, MB, CB), lambda g, i: (g, i, 0)),
            pl.BlockSpec((MB, 1), lambda g, i: (i, 0)),
        ],
        out_specs=pl.BlockSpec((1, MB, CB), lambda g, i: (g, i, 0)),
        out_shape=jax.ShapeDtypeStruct((NG, N_PAD, CB), jnp.float32),
    )(y, scale)


def _tc_final_body(a_ref, dis_ref, b_ref, o_ref):
    d = dis_ref[...]
    logits = jnp.concatenate([a_ref[g] * d for g in range(NG)], axis=1)
    logits = logits + b_ref[...][None, :]
    m = jnp.max(logits, axis=1, keepdims=True)
    ex = jnp.exp(logits - m)
    lse = jnp.log(jnp.sum(ex, axis=1, keepdims=True)) + m
    o_ref[...] = logits - lse


def _tc_final(a2, dis, b):
    return pl.pallas_call(
        _tc_final_body,
        grid=(N // MB2,),
        in_specs=[
            pl.BlockSpec((NG, MB2, CB), lambda i: (0, i, 0)),
            pl.BlockSpec((MB2, 1), lambda i: (i, 0)),
            pl.BlockSpec((CH,), lambda i: (0,)),
        ],
        out_specs=pl.BlockSpec((MB2, CH), lambda i: (i, 0)),
        out_shape=jax.ShapeDtypeStruct((N, CH), jnp.float32),
    )(a2, dis, b)



def kernel(x, edge_index, W, b):
    src = edge_index[0].astype(jnp.int32)
    dst = edge_index[1].astype(jnp.int32)
    src = jnp.pad(src, (0, E_PAD - E), constant_values=N)
    dst = jnp.pad(dst, (0, E_PAD - E), constant_values=N)
    src_p = src.reshape(NS, P_CHUNKS, P_CHUNK)
    dst_p = dst.reshape(NS, P_CHUNKS, P_CHUNK)
    dst_d = dst.reshape(NC * NS, D_CHUNKS, D_CHUNK)
    zeros1 = jnp.zeros((N_PAD,), jnp.float32)
    ones1 = jnp.ones((D_CHUNK,), jnp.float32)
    wt = W.T.reshape(CH, NG, CB).transpose(1, 0, 2)
    xp = jnp.pad(x, ((0, N_PAD - N), (0, 0)))

    degp = _sc_degree(dst_d, zeros1, ones1)
    z = _tc_matmul(xp, wt)
    dis, dinv = _tc_deg_finalize(degp)
    dis2 = dis.reshape(N_PAD, 1)
    dinv2 = dinv.reshape(N_PAD, 1)
    y0 = _tc_scale(z, dis2)
    a1 = _sc_propagate(y0, src_p, dst_p)
    y1 = _tc_scale(a1, dinv2)
    a2 = _sc_propagate(y1, src_p, dst_p)
    return _tc_final(a2, dis2, b)

# --- scband reference (transcript-rebuilt; emitter-appended) ---
"""Pipeline reference for scband-sgc-68650757259906 (READ-ONLY COPY).

The authoritative reference and input builder live on the scoring server;
editing this copy changes nothing except your own understanding.
"""

import jax, jax.numpy as jnp
import numpy as np

N_NODES = 10000
N_EDGES = 160000
IN_CH = 256
OUT_CH = 256
K_HOPS = 2


def setup_inputs(seed: int = 0) -> dict:
    key = jax.random.key(seed)
    k1, k2, k3, k4 = jax.random.split(key, 4)
    x = jax.random.normal(k1, (N_NODES, IN_CH), dtype=jnp.float32)
    edge_index = jax.random.randint(k2, (2, N_EDGES), 0, N_NODES, dtype=jnp.int64)
    # torch Linear params: W [out, in], b [out]
    bound = 1.0 / np.sqrt(IN_CH)
    W = jax.random.uniform(k3, (OUT_CH, IN_CH), dtype=jnp.float32, minval=-bound, maxval=bound)
    b = jax.random.uniform(k4, (OUT_CH,), dtype=jnp.float32, minval=-bound, maxval=bound)
    return {"x": x, "edge_index": edge_index, "W": W, "b": b}


def reference(x, edge_index, W, b):
    N = x.shape[0]
    src = edge_index[0]
    dst = edge_index[1]
    # gcn_norm with added self-loops (PyG SGConv default)
    loop = jnp.arange(N, dtype=src.dtype)
    src = jnp.concatenate([src, loop])
    dst = jnp.concatenate([dst, loop])
    ew = jnp.ones(src.shape[0], dtype=x.dtype)
    deg = jnp.zeros((N,), dtype=x.dtype).at[dst].add(ew)
    deg_inv_sqrt = jnp.where(deg > 0, 1.0 / jnp.sqrt(deg), 0.0)
    norm = deg_inv_sqrt[src] * ew * deg_inv_sqrt[dst]
    h = x
    for _ in range(K_HOPS):
        msg = norm[:, None] * h[src]
        h = jnp.zeros((N, h.shape[1]), dtype=h.dtype).at[dst].add(msg)
    out = h @ W.T + b
    return jax.nn.log_softmax(out, axis=1)

if __name__ == "__main__":
    import jax
    _d = setup_inputs()
    print(jax.jit(kernel)(*tuple(_d.values())))

</pallas_src>

<mosaic_0001>
#map = affine_map<(d0, d1) -> (0, 0, 0)>
module attributes {stable_mosaic.version = 14 : i64} {
  func.func @_sc_propagate_body(%arg0: i32, %arg1: i32, %arg2: memref<2x10240x128xf32, #tpu.memory_space<hbm>>, %arg3: memref<16x80x128xi32, #tpu.memory_space<hbm>>, %arg4: memref<16x80x128xi32, #tpu.memory_space<hbm>>, %arg5: memref<2x10240x128xf32, #tpu.memory_space<hbm>>, %arg6: memref<128xi32, #tpu.memory_space<vmem>>, %arg7: memref<128xi32, #tpu.memory_space<vmem>>, %arg8: memref<128xi32, #tpu.memory_space<vmem>>, %arg9: memref<128xi32, #tpu.memory_space<vmem>>, %arg10: memref<128xi32, #tpu.memory_space<vmem>>, %arg11: memref<128xi32, #tpu.memory_space<vmem>>, %arg12: memref<128xi32, #tpu.memory_space<vmem>>, %arg13: memref<128xi32, #tpu.memory_space<vmem>>, %arg14: memref<128x128xf32, #tpu.memory_space<vmem>>, %arg15: memref<128x128xf32, #tpu.memory_space<vmem>>, %arg16: memref<10240x128xf32, #tpu.memory_space<vmem_shared>>, %arg17: memref<!tpu.dma_semaphore, #tpu.memory_space<semaphore_mem>>, %arg18: memref<!tpu.dma_semaphore, #tpu.memory_space<semaphore_mem>>, %arg19: memref<!tpu.dma_semaphore, #tpu.memory_space<semaphore_mem>>, %arg20: memref<!tpu.dma_semaphore, #tpu.memory_space<semaphore_mem>>, %arg21: memref<!tpu.dma_semaphore, #tpu.memory_space<semaphore_mem>>, %arg22: memref<!tpu.dma_semaphore, #tpu.memory_space<semaphore_mem>>, %arg23: memref<!tpu.dma_semaphore, #tpu.memory_space<semaphore_mem>>, %arg24: memref<!tpu.dma_semaphore, #tpu.memory_space<semaphore_mem>>) attributes {dimension_semantics = [#tpu.dimension_semantics<core_parallel>, #tpu.dimension_semantics<subcore_parallel>], iteration_bounds = array<i64: 2, 16>, scalar_prefetch = 0 : i64, scratch_operands = 19 : i64, tpu.core_type = #tpu.core_type<sc_vector_subcore>, window_params = [{transform_indices = #map}, {transform_indices = #map}, {transform_indices = #map}, {transform_indices = #map}]} {
    %mul3A = arith.constant 640 : i32
    %mul3A_0 = arith.muli %arg1, %mul3A : i32
    %dma_start3A = arith.constant 0 : i32
    %dma_start3A_1 = arith.constant 0 : i32
    %dma_start3A_2 = arith.constant 0 : i32
    %dma_start3A_3 = tpu.memref_slice %arg3[%arg1, %dma_start3A_1, %dma_start3A_2] : memref<16x80x128xi32, #tpu.memory_space<hbm>> -> memref<1x80x128xi32, #tpu.memory_space<hbm>>
    %dma_start3A_4 = tpu.memref_squeeze %dma_start3A_3 : memref<1x80x128xi32, #tpu.memory_space<hbm>> -> memref<80x128xi32, #tpu.memory_space<hbm>>
    %dma_start3A_5 = arith.constant 0 : i32
    %dma_start3A_6 = tpu.memref_slice %dma_start3A_4[%dma_start3A, %dma_start3A_5] : memref<80x128xi32, #tpu.memory_space<hbm>> -> memref<1x128xi32, #tpu.memory_space<hbm>>
    %dma_start3A_7 = tpu.memref_squeeze %dma_start3A_6 : memref<1x128xi32, #tpu.memory_space<hbm>> -> memref<128xi32, #tpu.memory_space<hbm>>
    %dma_start3A_8 = arith.constant 0 : i32
    %dma_start3A_9 = arith.constant 0 : i32
    %dma_start3A_10 = tpu.memref_slice %arg3[%arg1, %dma_start3A_8, %dma_start3A_9] : memref<16x80x128xi32, #tpu.memory_space<hbm>> -> memref<1x80x128xi32, #tpu.memory_space<hbm>>
    %dma_start3A_11 = tpu.memref_squeeze %dma_start3A_10 : memref<1x80x128xi32, #tpu.memory_space<hbm>> -> memref<80x128xi32, #tpu.memory_space<hbm>>
    %dma_start3A_12 = arith.constant 0 : i32
    %dma_start3A_13 = tpu.memref_slice %dma_start3A_11[%dma_start3A, %dma_start3A_12] : memref<80x128xi32, #tpu.memory_space<hbm>> -> memref<1x128xi32, #tpu.memory_space<hbm>>
    %dma_start3A_14 = tpu.memref_squeeze %dma_start3A_13 : memref<1x128xi32, #tpu.memory_space<hbm>> -> memref<128xi32, #tpu.memory_space<hbm>>
    tpu.enqueue_dma source(%dma_start3A_14 : memref<128xi32, #tpu.memory_space<hbm>>) target(%arg6 : memref<128xi32, #tpu.memory_space<vmem>>) target_semaphore(%arg17 : memref<!tpu.dma_semaphore, #tpu.memory_space<semaphore_mem>>)
    %dma_start3A_15 = arith.constant 0 : i32
    %dma_start3A_16 = arith.constant 0 : i32
    %dma_start3A_17 = arith.constant 0 : i32
    %dma_start3A_18 = tpu.memref_slice %arg4[%arg1, %dma_start3A_16, %dma_start3A_17] : memref<16x80x128xi32, #tpu.memory_space<hbm>> -> memref<1x80x128xi32, #tpu.memory_space<hbm>>
    %dma_start3A_19 = tpu.memref_squeeze %dma_start3A_18 : memref<1x80x128xi32, #tpu.memory_space<hbm>> -> memref<80x128xi32, #tpu.memory_space<hbm>>
    %dma_start3A_20 = arith.constant 0 : i32
    %dma_start3A_21 = tpu.memref_slice %dma_start3A_19[%dma_start3A_15, %dma_start3A_20] : memref<80x128xi32, #tpu.memory_space<hbm>> -> memref<1x128xi32, #tpu.memory_space<hbm>>
    %dma_start3A_22 = tpu.memref_squeeze %dma_start3A_21 : memref<1x128xi32, #tpu.memory_space<hbm>> -> memref<128xi32, #tpu.memory_space<hbm>>
    %dma_start3A_23 = arith.constant 0 : i32
    %dma_start3A_24 = arith.constant 0 : i32
    %dma_start3A_25 = tpu.memref_slice %arg4[%arg1, %dma_start3A_23, %dma_start3A_24] : memref<16x80x128xi32, #tpu.memory_space<hbm>> -> memref<1x80x128xi32, #tpu.memory_space<hbm>>
    %dma_start3A_26 = tpu.memref_squeeze %dma_start3A_25 : memref<1x80x128xi32, #tpu.memory_space<hbm>> -> memref<80x128xi32, #tpu.memory_space<hbm>>
    %dma_start3A_27 = arith.constant 0 : i32
    %dma_start3A_28 = tpu.memref_slice %dma_start3A_26[%dma_start3A_15, %dma_start3A_27] : memref<80x128xi32, #tpu.memory_space<hbm>> -> memref<1x128xi32, #tpu.memory_space<hbm>>
    %dma_start3A_29 = tpu.memref_squeeze %dma_start3A_28 : memref<1x128xi32, #tpu.memory_space<hbm>> -> memref<128xi32, #tpu.memory_space<hbm>>
    tpu.enqueue_dma source(%dma_start3A_29 : memref<128xi32, #tpu.memory_space<hbm>>) target(%arg10 : memref<128xi32, #tpu.memory_space<vmem>>) target_semaphore(%arg17 : memref<!tpu.dma_semaphore, #tpu.memory_space<semaphore_mem>>)
    %dma_start3A_30 = arith.constant 1 : i32
    %dma_start3A_31 = arith.constant 0 : i32
    %dma_start3A_32 = arith.constant 0 : i32
    %dma_start3A_33 = tpu.memref_slice %arg3[%arg1, %dma_start3A_31, %dma_start3A_32] : memref<16x80x128xi32, #tpu.memory_space<hbm>> -> memref<1x80x128xi32, #tpu.memory_space<hbm>>
    %dma_start3A_34 = tpu.memref_squeeze %dma_start3A_33 : memref<1x80x128xi32, #tpu.memory_space<hbm>> -> memref<80x128xi32, #tpu.memory_space<hbm>>
    %dma_start3A_35 = arith.constant 0 : i32
    %dma_start3A_36 = tpu.memref_slice %dma_start3A_34[%dma_start3A_30, %dma_start3A_35] : memref<80x128xi32, #tpu.memory_space<hbm>> -> memref<1x128xi32, #tpu.memory_space<hbm>>
    %dma_start3A_37 = tpu.memref_squeeze %dma_start3A_36 : memref<1x128xi32, #tpu.memory_space<hbm>> -> memref<128xi32, #tpu.memory_space<hbm>>
    %dma_start3A_38 = arith.constant 0 : i32
    %dma_start3A_39 = arith.constant 0 : i32
    %dma_start3A_40 = tpu.memref_slice %arg3[%arg1, %dma_start3A_38, %dma_start3A_39] : memref<16x80x128xi32, #tpu.memory_space<hbm>> -> memref<1x80x128xi32, #tpu.memory_space<hbm>>
    %dma_start3A_41 = tpu.memref_squeeze %dma_start3A_40 : memref<1x80x128xi32, #tpu.memory_space<hbm>> -> memref<80x128xi32, #tpu.memory_space<hbm>>
    %dma_start3A_42 = arith.constant 0 : i32
    %dma_start3A_43 = tpu.memref_slice %dma_start3A_41[%dma_start3A_30, %dma_start3A_42] : memref<80x128xi32, #tpu.memory_space<hbm>> -> memref<1x128xi32, #tpu.memory_space<hbm>>
    %dma_start3A_44 = tpu.memref_squeeze %dma_start3A_43 : memref<1x128xi32, #tpu.memory_space<hbm>> -> memref<128xi32, #tpu.memory_space<hbm>>
    tpu.enqueue_dma source(%dma_start3A_44 : memref<128xi32, #tpu.memory_space<hbm>>) target(%arg7 : memref<128xi32, #tpu.memory_space<vmem>>) target_semaphore(%arg18 : memref<!tpu.dma_semaphore, #tpu.memory_space<semaphore_mem>>)
    %dma_start3A_45 = arith.constant 1 : i32
    %dma_start3A_46 = arith.constant 0 : i32
    %dma_start3A_47 = arith.constant 0 : i32
    %dma_start3A_48 = tpu.memref_slice %arg4[%arg1, %dma_start3A_46, %dma_start3A_47] : memref<16x80x128xi32, #tpu.memory_space<hbm>> -> memref<1x80x128xi32, #tpu.memory_space<hbm>>
    %dma_start3A_49 = tpu.memref_squeeze %dma_start3A_48 : memref<1x80x128xi32, #tpu.memory_space<hbm>> -> memref<80x128xi32, #tpu.memory_space<hbm>>
    %dma_start3A_50 = arith.constant 0 : i32
    %dma_start3A_51 = tpu.memref_slice %dma_start3A_49[%dma_start3A_45, %dma_start3A_50] : memref<80x128xi32, #tpu.memory_space<hbm>> -> memref<1x128xi32, #tpu.memory_space<hbm>>
    %dma_start3A_52 = tpu.memref_squeeze %dma_start3A_51 : memref<1x128xi32, #tpu.memory_space<hbm>> -> memref<128xi32, #tpu.memory_space<hbm>>
    %dma_start3A_53 = arith.constant 0 : i32
    %dma_start3A_54 = arith.constant 0 : i32
    %dma_start3A_55 = tpu.memref_slice %arg4[%arg1, %dma_start3A_53, %dma_start3A_54] : memref<16x80x128xi32, #tpu.memory_space<hbm>> -> memref<1x80x128xi32, #tpu.memory_space<hbm>>
    %dma_start3A_56 = tpu.memref_squeeze %dma_start3A_55 : memref<1x80x128xi32, #tpu.memory_space<hbm>> -> memref<80x128xi32, #tpu.memory_space<hbm>>
    %dma_start3A_57 = arith.constant 0 : i32
    %dma_start3A_58 = tpu.memref_slice %dma_start3A_56[%dma_start3A_45, %dma_start3A_57] : memref<80x128xi32, #tpu.memory_space<hbm>> -> memref<1x128xi32, #tpu.memory_space<hbm>>
    %dma_start3A_59 = tpu.memref_squeeze %dma_start3A_58 : memref<1x128xi32, #tpu.memory_space<hbm>> -> memref<128xi32, #tpu.memory_space<hbm>>
    tpu.enqueue_dma source(%dma_start3A_59 : memref<128xi32, #tpu.memory_space<hbm>>) target(%arg11 : memref<128xi32, #tpu.memory_space<vmem>>) target_semaphore(%arg18 : memref<!tpu.dma_semaphore, #tpu.memory_space<semaphore_mem>>)
    "tpu.region"() ({
      %run_scoped3A = tpu.sem_alloc : memref<!tpu.dma_semaphore, #tpu.memory_space<semaphore_mem>>
      %dma_start3A_80 = arith.constant 0 : i32
      %dma_start3A_81 = tpu.memref_slice %arg16[%mul3A_0, %dma_start3A_80] : memref<10240x128xf32, #tpu.memory_space<vmem_shared>> -> memref<640x128xf32, #tpu.memory_space<vmem_shared>>
      %dma_start3A_82 = arith.constant 0 : i32
      %dma_start3A_83 = arith.constant 0 : i32
      %dma_start3A_84 = tpu.memref_slice %arg2[%arg0, %dma_start3A_82, %dma_start3A_83] : memref<2x10240x128xf32, #tpu.memory_space<hbm>> -> memref<1x10240x128xf32, #tpu.memory_space<hbm>>
      %dma_start3A_85 = tpu.memref_squeeze %dma_start3A_84 : memref<1x10240x128xf32, #tpu.memory_space<hbm>> -> memref<10240x128xf32, #tpu.memory_space<hbm>>
      %dma_start3A_86 = arith.constant 0 : i32
      %dma_start3A_87 = tpu.memref_slice %dma_start3A_85[%mul3A_0, %dma_start3A_86] : memref<10240x128xf32, #tpu.memory_space<hbm>> -> memref<640x128xf32, #tpu.memory_space<hbm>>
      tpu.enqueue_dma source(%dma_start3A_87 : memref<640x128xf32, #tpu.memory_space<hbm>>) target(%dma_start3A_81 : memref<640x128xf32, #tpu.memory_space<vmem_shared>>) target_semaphore(%run_scoped3A : memref<!tpu.dma_semaphore, #tpu.memory_space<semaphore_mem>>)
      %dma_wait3A_88 = arith.constant 0 : i32
      %dma_wait3A_89 = tpu.memref_slice %arg16[%mul3A_0, %dma_wait3A_88] : memref<10240x128xf32, #tpu.memory_space<vmem_shared>> -> memref<640x128xf32, #tpu.memory_space<vmem_shared>>
      %dma_wait3A_90 = arith.constant 0 : i32
      %dma_wait3A_91 = arith.constant 0 : i32
      %dma_wait3A_92 = tpu.memref_slice %arg2[%arg0, %dma_wait3A_90, %dma_wait3A_91] : memref<2x10240x128xf32, #tpu.memory_space<hbm>> -> memref<1x10240x128xf32, #tpu.memory_space<hbm>>
      %dma_wait3A_93 = tpu.memref_squeeze %dma_wait3A_92 : memref<1x10240x128xf32, #tpu.memory_space<hbm>> -> memref<10240x128xf32, #tpu.memory_space<hbm>>
      %dma_wait3A_94 = arith.constant 0 : i32
      %dma_wait3A_95 = tpu.memref_slice %dma_wait3A_93[%mul3A_0, %dma_wait3A_94] : memref<10240x128xf32, #tpu.memory_space<hbm>> -> memref<640x128xf32, #tpu.memory_space<hbm>>
      tpu.wait_dma2 semaphore(%run_scoped3A : memref<!tpu.dma_semaphore, #tpu.memory_space<semaphore_mem>>) src(%dma_wait3A_95 : memref<640x128xf32, #tpu.memory_space<hbm>>) dst(%dma_wait3A_89 : memref<640x128xf32, #tpu.memory_space<vmem_shared>>)
      tpu.yield
    }) : () -> ()
    %barrier3A = arith.constant 0 : index
    tpu.barrier barrier_id(%barrier3A)
    %scan3A = arith.constant 0 : i32
    %scan3A_60 = arith.constant 20 : i32
    %scan3A_61 = arith.addi %scan3A, %scan3A_60 : i32
    %scan3A_62 = arith.constant 1 : i32
    scf.for %scan3A_80 = %scan3A to %scan3A_61 step %scan3A_62  : i32 {
      %mul3A_81 = arith.constant 4 : i32
      %mul3A_82 = arith.muli %scan3A_80, %mul3A_81 : i32
      %add3A = arith.constant 0 : i32
      %add3A_83 = arith.addi %add3A, %mul3A_82 : i32
      %add3A_84 = arith.constant 0 : i32
      %add3A_85 = arith.addi %add3A_83, %add3A_84 : i32
      %gt3A = arith.constant 0 : i32
      %gt3A_86 = arith.cmpi sgt, %add3A_83, %gt3A : i32
      %convert_element_type3A = arith.extui %gt3A_86 : i1 to i32
      %cond3A = arith.constant 0 : i32
      %cond3A_87 = arith.cmpi ne, %convert_element_type3A, %cond3A : i32
      scf.if %cond3A_87 {
        %dma_wait3A_307 = arith.constant 0 : i32
        %dma_wait3A_308 = arith.constant 0 : i32
        %dma_wait3A_309 = tpu.memref_slice %arg16[%dma_wait3A_307, %dma_wait3A_308] : memref<10240x128xf32, #tpu.memory_space<vmem_shared>> -> memref<10240x128xf32, #tpu.memory_space<vmem_shared>>
        tpu.wait_indirect_dma semaphore(%arg23 : memref<!tpu.dma_semaphore, #tpu.memory_space<semaphore_mem>>) src(%arg14 : memref<128x128xf32, #tpu.memory_space<vmem>>) dst(%dma_wait3A_309 : memref<10240x128xf32, #tpu.memory_space<vmem_shared>>)
      } else {
      }
      %add3A_88 = arith.constant 2 : i32
      %add3A_89 = arith.addi %add3A_85, %add3A_88 : i32
      %lt3A = arith.constant 80 : i32
      %lt3A_90 = arith.cmpi slt, %add3A_89, %lt3A : i32
      %convert_element_type3A_91 = arith.extui %lt3A_90 : i1 to i32
      %cond3A_92 = arith.constant 0 : i32
      %cond3A_93 = arith.cmpi ne, %convert_element_type3A_91, %cond3A_92 : i32
      scf.if %cond3A_93 {
        %add3A_307 = arith.constant 2 : i32
        %add3A_308 = arith.addi %add3A_85, %add3A_307 : i32
        %dma_start3A_309 = arith.constant 0 : i32
        %dma_start3A_310 = arith.constant 0 : i32
        %dma_start3A_311 = tpu.memref_slice %arg3[%arg1, %dma_start3A_309, %dma_start3A_310] : memref<16x80x128xi32, #tpu.memory_space<hbm>> -> memref<1x80x128xi32, #tpu.memory_space<hbm>>
        %dma_start3A_312 = tpu.memref_squeeze %dma_start3A_311 : memref<1x80x128xi32, #tpu.memory_space<hbm>> -> memref<80x128xi32, #tpu.memory_space<hbm>>
        %dma_start3A_313 = arith.constant 0 : i32
        %dma_start3A_314 = tpu.memref_slice %dma_start3A_312[%add3A_308, %dma_start3A_313] : memref<80x128xi32, #tpu.memory_space<hbm>> -> memref<1x128xi32, #tpu.memory_space<hbm>>
        %dma_start3A_315 = tpu.memref_squeeze %dma_start3A_314 : memref<1x128xi32, #tpu.memory_space<hbm>> -> memref<128xi32, #tpu.memory_space<hbm>>
        %dma_start3A_316 = arith.constant 0 : i32
        %dma_start3A_317 = arith.constant 0 : i32
        %dma_start3A_318 = tpu.memref_slice %arg3[%arg1, %dma_start3A_316, %dma_start3A_317] : memref<16x80x128xi32, #tpu.memory_space<hbm>> -> memref<1x80x128xi32, #tpu.memory_space<hbm>>
        %dma_start3A_319 = tpu.memref_squeeze %dma_start3A_318 : memref<1x80x128xi32, #tpu.memory_space<hbm>> -> memref<80x128xi32, #tpu.memory_space<hbm>>
        %dma_start3A_320 = arith.constant 0 : i32
        %dma_start3A_321 = tpu.memref_slice %dma_start3A_319[%add3A_308, %dma_start3A_320] : memref<80x128xi32, #tpu.memory_space<hbm>> -> memref<1x128xi32, #tpu.memory_space<hbm>>
        %dma_start3A_322 = tpu.memref_squeeze %dma_start3A_321 : memref<1x128xi32, #tpu.memory_space<hbm>> -> memref<128xi32, #tpu.memory_space<hbm>>
        tpu.enqueue_dma source(%dma_start3A_322 : memref<128xi32, #tpu.memory_space<hbm>>) target(%arg8 : memref<128xi32, #tpu.memory_space<vmem>>) target_semaphore(%arg19 : memref<!tpu.dma_semaphore, #tpu.memory_space<semaphore_mem>>)
        %add3A_323 = arith.constant 2 : i32
        %add3A_324 = arith.addi %add3A_85, %add3A_323 : i32
        %dma_start3A_325 = arith.constant 0 : i32
        %dma_start3A_326 = arith.constant 0 : i32
        %dma_start3A_327 = tpu.memref_slice %arg4[%arg1, %dma_start3A_325, %dma_start3A_326] : memref<16x80x128xi32, #tpu.memory_space<hbm>> -> memref<1x80x128xi32, #tpu.memory_space<hbm>>
        %dma_start3A_328 = tpu.memref_squeeze %dma_start3A_327 : memref<1x80x128xi32, #tpu.memory_space<hbm>> -> memref<80x128xi32, #tpu.memory_space<hbm>>
        %dma_start3A_329 = arith.constant 0 : i32
        %dma_start3A_330 = tpu.memref_slice %dma_start3A_328[%add3A_324, %dma_start3A_329] : memref<80x128xi32, #tpu.memory_space<hbm>> -> memref<1x128xi32, #tpu.memory_space<hbm>>
        %dma_start3A_331 = tpu.memref_squeeze %dma_start3A_330 : memref<1x128xi32, #tpu.memory_space<hbm>> -> memref<128xi32, #tpu.memory_space<hbm>>
        %dma_start3A_332 = arith.constant 0 : i32
        %dma_start3A_333 = arith.constant 0 : i32
        %dma_start3A_334 = tpu.memref_slice %arg4[%arg1, %dma_start3A_332, %dma_start3A_333] : memref<16x80x128xi32, #tpu.memory_space<hbm>> -> memref<1x80x128xi32, #tpu.memory_space<hbm>>
        %dma_start3A_335 = tpu.memref_squeeze %dma_start3A_334 : memref<1x80x128xi32, #tpu.memory_space<hbm>> -> memref<80x128xi32, #tpu.memory_space<hbm>>
        %dma_start3A_336 = arith.constant 0 : i32
        %dma_start3A_337 = tpu.memref_slice %dma_start3A_335[%add3A_324, %dma_start3A_336] : memref<80x128xi32, #tpu.memory_space<hbm>> -> memref<1x128xi32, #tpu.memory_space<hbm>>
        %dma_start3A_338 = tpu.memref_squeeze %dma_start3A_337 : memref<1x128xi32, #tpu.memory_space<hbm>> -> memref<128xi32, #tpu.memory_space<hbm>>
        tpu.enqueue_dma source(%dma_start3A_338 : memref<128xi32, #tpu.memory_space<hbm>>) target(%arg12 : memref<128xi32, #tpu.memory_space<vmem>>) target_semaphore(%arg19 : memref<!tpu.dma_semaphore, #tpu.memory_space<semaphore_mem>>)
      } else {
      }
      %dma_wait3A_94 = arith.constant 0 : i32
      %dma_wait3A_95 = arith.constant 0 : i32
      %dma_wait3A_96 = tpu.memref_slice %arg3[%arg1, %dma_wait3A_94, %dma_wait3A_95] : memref<16x80x128xi32, #tpu.memory_space<hbm>> -> memref<1x80x128xi32, #tpu.memory_space<hbm>>
      %dma_wait3A_97 = tpu.memref_squeeze %dma_wait3A_96 : memref<1x80x128xi32, #tpu.memory_space<hbm>> -> memref<80x128xi32, #tpu.memory_space<hbm>>
      %dma_wait3A_98 = arith.constant 0 : i32
      %dma_wait3A_99 = tpu.memref_slice %dma_wait3A_97[%add3A_85, %dma_wait3A_98] : memref<80x128xi32, #tpu.memory_space<hbm>> -> memref<1x128xi32, #tpu.memory_space<hbm>>
      %dma_wait3A_100 = tpu.memref_squeeze %dma_wait3A_99 : memref<1x128xi32, #tpu.memory_space<hbm>> -> memref<128xi32, #tpu.memory_space<hbm>>
      %dma_wait3A_101 = arith.constant 0 : i32
      %dma_wait3A_102 = arith.constant 0 : i32
      %dma_wait3A_103 = tpu.memref_slice %arg3[%arg1, %dma_wait3A_101, %dma_wait3A_102] : memref<16x80x128xi32, #tpu.memory_space<hbm>> -> memref<1x80x128xi32, #tpu.memory_space<hbm>>
      %dma_wait3A_104 = tpu.memref_squeeze %dma_wait3A_103 : memref<1x80x128xi32, #tpu.memory_space<hbm>> -> memref<80x128xi32, #tpu.memory_space<hbm>>
      %dma_wait3A_105 = arith.constant 0 : i32
      %dma_wait3A_106 = tpu.memref_slice %dma_wait3A_104[%add3A_85, %dma_wait3A_105] : memref<80x128xi32, #tpu.memory_space<hbm>> -> memref<1x128xi32, #tpu.memory_space<hbm>>
      %dma_wait3A_107 = tpu.memref_squeeze %dma_wait3A_106 : memref<1x128xi32, #tpu.memory_space<hbm>> -> memref<128xi32, #tpu.memory_space<hbm>>
      tpu.wait_dma2 semaphore(%arg17 : memref<!tpu.dma_semaphore, #tpu.memory_space<semaphore_mem>>) src(%dma_wait3A_107 : memref<128xi32, #tpu.memory_space<hbm>>) dst(%arg6 : memref<128xi32, #tpu.memory_space<vmem>>)
      %dma_wait3A_108 = arith.constant 0 : i32
      %dma_wait3A_109 = arith.constant 0 : i32
      %dma_wait3A_110 = tpu.memref_slice %arg4[%arg1, %dma_wait3A_108, %dma_wait3A_109] : memref<16x80x128xi32, #tpu.memory_space<hbm>> -> memref<1x80x128xi32, #tpu.memory_space<hbm>>
      %dma_wait3A_111 = tpu.memref_squeeze %dma_wait3A_110 : memref<1x80x128xi32, #tpu.memory_space<hbm>> -> memref<80x128xi32, #tpu.memory_space<hbm>>
      %dma_wait3A_112 = arith.constant 0 : i32
      %dma_wait3A_113 = tpu.memref_slice %dma_wait3A_111[%add3A_85, %dma_wait3A_112] : memref<80x128xi32, #tpu.memory_space<hbm>> -> memref<1x128xi32, #tpu.memory_space<hbm>>
      %dma_wait3A_114 = tpu.memref_squeeze %dma_wait3A_113 : memref<1x128xi32, #tpu.memory_space<hbm>> -> memref<128xi32, #tpu.memory_space<hbm>>
      %dma_wait3A_115 = arith.constant 0 : i32
      %dma_wait3A_116 = arith.constant 0 : i32
      %dma_wait3A_117 = tpu.memref_slice %arg4[%arg1, %dma_wait3A_115, %dma_wait3A_116] : memref<16x80x128xi32, #tpu.memory_space<hbm>> -> memref<1x80x128xi32, #tpu.memory_space<hbm>>
      %dma_wait3A_118 = tpu.memref_squeeze %dma_wait3A_117 : memref<1x80x128xi32, #tpu.memory_space<hbm>> -> memref<80x128xi32, #tpu.memory_space<hbm>>
      %dma_wait3A_119 = arith.constant 0 : i32
      %dma_wait3A_120 = tpu.memref_slice %dma_wait3A_118[%add3A_85, %dma_wait3A_119] : memref<80x128xi32, #tpu.memory_space<hbm>> -> memref<1x128xi32, #tpu.memory_space<hbm>>
      %dma_wait3A_121 = tpu.memref_squeeze %dma_wait3A_120 : memref<1x128xi32, #tpu.memory_space<hbm>> -> memref<128xi32, #tpu.memory_space<hbm>>
      tpu.wait_dma2 semaphore(%arg17 : memref<!tpu.dma_semaphore, #tpu.memory_space<semaphore_mem>>) src(%dma_wait3A_121 : memref<128xi32, #tpu.memory_space<hbm>>) dst(%arg10 : memref<128xi32, #tpu.memory_space<vmem>>)
      %dma_start3A_122 = arith.constant 0 : i32
      %dma_start3A_123 = arith.constant 0 : i32
      %dma_start3A_124 = tpu.memref_slice %arg2[%arg0, %dma_start3A_122, %dma_start3A_123] : memref<2x10240x128xf32, #tpu.memory_space<hbm>> -> memref<1x10240x128xf32, #tpu.memory_space<hbm>>
      %dma_start3A_125 = tpu.memref_squeeze %dma_start3A_124 : memref<1x10240x128xf32, #tpu.memory_space<hbm>> -> memref<10240x128xf32, #tpu.memory_space<hbm>>
      %dma_start3A_126 = arith.constant 0 : i32
      %dma_start3A_127 = arith.constant 0 : i32
      %dma_start3A_128 = tpu.memref_slice %dma_start3A_125[%dma_start3A_126, %dma_start3A_127] : memref<10240x128xf32, #tpu.memory_space<hbm>> -> memref<10240x128xf32, #tpu.memory_space<hbm>>
      tpu.enqueue_indirect_dma source(%dma_start3A_128 : memref<10240x128xf32, #tpu.memory_space<hbm>>) target(%arg14 : memref<128x128xf32, #tpu.memory_space<vmem>>) offsets(%arg6 : memref<128xi32, #tpu.memory_space<vmem>>) semaphore(%arg21 : memref<!tpu.dma_semaphore, #tpu.memory_space<semaphore_mem>>)
      %gt3A_129 = arith.constant 0 : i32
      %gt3A_130 = arith.cmpi sgt, %add3A_83, %gt3A_129 : i32
      %convert_element_type3A_131 = arith.extui %gt3A_130 : i1 to i32
      %cond3A_132 = arith.constant 0 : i32
      %cond3A_133 = arith.cmpi ne, %convert_element_type3A_131, %cond3A_132 : i32
      scf.if %cond3A_133 {
        %dma_wait3A_307 = arith.constant 0 : i32
        %dma_wait3A_308 = arith.constant 0 : i32
        %dma_wait3A_309 = tpu.memref_slice %arg2[%arg0, %dma_wait3A_307, %dma_wait3A_308] : memref<2x10240x128xf32, #tpu.memory_space<hbm>> -> memref<1x10240x128xf32, #tpu.memory_space<hbm>>
        %dma_wait3A_310 = tpu.memref_squeeze %dma_wait3A_309 : memref<1x10240x128xf32, #tpu.memory_space<hbm>> -> memref<10240x128xf32, #tpu.memory_space<hbm>>
        %dma_wait3A_311 = arith.constant 0 : i32
        %dma_wait3A_312 = arith.constant 0 : i32
        %dma_wait3A_313 = tpu.memref_slice %dma_wait3A_310[%dma_wait3A_311, %dma_wait3A_312] : memref<10240x128xf32, #tpu.memory_space<hbm>> -> memref<10240x128xf32, #tpu.memory_space<hbm>>
        tpu.wait_indirect_dma semaphore(%arg22 : memref<!tpu.dma_semaphore, #tpu.memory_space<semaphore_mem>>) src(%dma_wait3A_313 : memref<10240x128xf32, #tpu.memory_space<hbm>>) dst(%arg15 : memref<128x128xf32, #tpu.memory_space<vmem>>)
        %dma_start3A_314 = arith.constant 0 : i32
        %dma_start3A_315 = arith.constant 0 : i32
        %dma_start3A_316 = tpu.memref_slice %arg16[%dma_start3A_314, %dma_start3A_315] : memref<10240x128xf32, #tpu.memory_space<vmem_shared>> -> memref<10240x128xf32, #tpu.memory_space<vmem_shared>>
        tpu.enqueue_indirect_dma source(%arg15 : memref<128x128xf32, #tpu.memory_space<vmem>>) target(%dma_start3A_316 : memref<10240x128xf32, #tpu.memory_space<vmem_shared>>) offsets(%arg13 : memref<128xi32, #tpu.memory_space<vmem>>) semaphore(%arg24 : memref<!tpu.dma_semaphore, #tpu.memory_space<semaphore_mem>>) {add = true}
      } else {
      }
      %add3A_134 = arith.constant 1 : i32
      %add3A_135 = arith.addi %add3A_83, %add3A_134 : i32
      %gt3A_136 = arith.constant 0 : i32
      %gt3A_137 = arith.cmpi sgt, %add3A_83, %gt3A_136 : i32
      %convert_element_type3A_138 = arith.extui %gt3A_137 : i1 to i32
      %cond3A_139 = arith.constant 0 : i32
      %cond3A_140 = arith.cmpi ne, %convert_element_type3A_138, %cond3A_139 : i32
      scf.if %cond3A_140 {
        %dma_wait3A_307 = arith.constant 0 : i32
        %dma_wait3A_308 = arith.constant 0 : i32
        %dma_wait3A_309 = tpu.memref_slice %arg16[%dma_wait3A_307, %dma_wait3A_308] : memref<10240x128xf32, #tpu.memory_space<vmem_shared>> -> memref<10240x128xf32, #tpu.memory_space<vmem_shared>>
        tpu.wait_indirect_dma semaphore(%arg24 : memref<!tpu.dma_semaphore, #tpu.memory_space<semaphore_mem>>) src(%arg15 : memref<128x128xf32, #tpu.memory_space<vmem>>) dst(%dma_wait3A_309 : memref<10240x128xf32, #tpu.memory_space<vmem_shared>>)
      } else {
      }
      %add3A_141 = arith.constant 2 : i32
      %add3A_142 = arith.addi %add3A_135, %add3A_141 : i32
      %lt3A_143 = arith.constant 80 : i32
      %lt3A_144 = arith.cmpi slt, %add3A_142, %lt3A_143 : i32
      %convert_element_type3A_145 = arith.extui %lt3A_144 : i1 to i32
      %cond3A_146 = arith.constant 0 : i32
      %cond3A_147 = arith.cmpi ne, %convert_element_type3A_145, %cond3A_146 : i32
      scf.if %cond3A_147 {
        %add3A_307 = arith.constant 2 : i32
        %add3A_308 = arith.addi %add3A_135, %add3A_307 : i32
        %dma_start3A_309 = arith.constant 0 : i32
        %dma_start3A_310 = arith.constant 0 : i32
        %dma_start3A_311 = tpu.memref_slice %arg3[%arg1, %dma_start3A_309, %dma_start3A_310] : memref<16x80x128xi32, #tpu.memory_space<hbm>> -> memref<1x80x128xi32, #tpu.memory_space<hbm>>
        %dma_start3A_312 = tpu.memref_squeeze %dma_start3A_311 : memref<1x80x128xi32, #tpu.memory_space<hbm>> -> memref<80x128xi32, #tpu.memory_space<hbm>>
        %dma_start3A_313 = arith.constant 0 : i32
        %dma_start3A_314 = tpu.memref_slice %dma_start3A_312[%add3A_308, %dma_start3A_313] : memref<80x128xi32, #tpu.memory_space<hbm>> -> memref<1x128xi32, #tpu.memory_space<hbm>>
        %dma_start3A_315 = tpu.memref_squeeze %dma_start3A_314 : memref<1x128xi32, #tpu.memory_space<hbm>> -> memref<128xi32, #tpu.memory_space<hbm>>
        %dma_start3A_316 = arith.constant 0 : i32
        %dma_start3A_317 = arith.constant 0 : i32
        %dma_start3A_318 = tpu.memref_slice %arg3[%arg1, %dma_start3A_316, %dma_start3A_317] : memref<16x80x128xi32, #tpu.memory_space<hbm>> -> memref<1x80x128xi32, #tpu.memory_space<hbm>>
        %dma_start3A_319 = tpu.memref_squeeze %dma_start3A_318 : memref<1x80x128xi32, #tpu.memory_space<hbm>> -> memref<80x128xi32, #tpu.memory_space<hbm>>
        %dma_start3A_320 = arith.constant 0 : i32
        %dma_start3A_321 = tpu.memref_slice %dma_start3A_319[%add3A_308, %dma_start3A_320] : memref<80x128xi32, #tpu.memory_space<hbm>> -> memref<1x128xi32, #tpu.memory_space<hbm>>
        %dma_start3A_322 = tpu.memref_squeeze %dma_start3A_321 : memref<1x128xi32, #tpu.memory_space<hbm>> -> memref<128xi32, #tpu.memory_space<hbm>>
        tpu.enqueue_dma source(%dma_start3A_322 : memref<128xi32, #tpu.memory_space<hbm>>) target(%arg9 : memref<128xi32, #tpu.memory_space<vmem>>) target_semaphore(%arg20 : memref<!tpu.dma_semaphore, #tpu.memory_space<semaphore_mem>>)
        %add3A_323 = arith.constant 2 : i32
        %add3A_324 = arith.addi %add3A_135, %add3A_323 : i32
        %dma_start3A_325 = arith.constant 0 : i32
        %dma_start3A_326 = arith.constant 0 : i32
        %dma_start3A_327 = tpu.memref_slice %arg4[%arg1, %dma_start3A_325, %dma_start3A_326] : memref<16x80x128xi32, #tpu.memory_space<hbm>> -> memref<1x80x128xi32, #tpu.memory_space<hbm>>
        %dma_start3A_328 = tpu.memref_squeeze %dma_start3A_327 : memref<1x80x128xi32, #tpu.memory_space<hbm>> -> memref<80x128xi32, #tpu.memory_space<hbm>>
        %dma_start3A_329 = arith.constant 0 : i32
        %dma_start3A_330 = tpu.memref_slice %dma_start3A_328[%add3A_324, %dma_start3A_329] : memref<80x128xi32, #tpu.memory_space<hbm>> -> memref<1x128xi32, #tpu.memory_space<hbm>>
        %dma_start3A_331 = tpu.memref_squeeze %dma_start3A_330 : memref<1x128xi32, #tpu.memory_space<hbm>> -> memref<128xi32, #tpu.memory_space<hbm>>
        %dma_start3A_332 = arith.constant 0 : i32
        %dma_start3A_333 = arith.constant 0 : i32
        %dma_start3A_334 = tpu.memref_slice %arg4[%arg1, %dma_start3A_332, %dma_start3A_333] : memref<16x80x128xi32, #tpu.memory_space<hbm>> -> memref<1x80x128xi32, #tpu.memory_space<hbm>>
        %dma_start3A_335 = tpu.memref_squeeze %dma_start3A_334 : memref<1x80x128xi32, #tpu.memory_space<hbm>> -> memref<80x128xi32, #tpu.memory_space<hbm>>
        %dma_start3A_336 = arith.constant 0 : i32
        %dma_start3A_337 = tpu.memref_slice %dma_start3A_335[%add3A_324, %dma_start3A_336] : memref<80x128xi32, #tpu.memory_space<hbm>> -> memref<1x128xi32, #tpu.memory_space<hbm>>
        %dma_start3A_338 = tpu.memref_squeeze %dma_start3A_337 : memref<1x128xi32, #tpu.memory_space<hbm>> -> memref<128xi32, #tpu.memory_space<hbm>>
        tpu.enqueue_dma source(%dma_start3A_338 : memref<128xi32, #tpu.memory_space<hbm>>) target(%arg13 : memref<128xi32, #tpu.memory_space<vmem>>) target_semaphore(%arg20 : memref<!tpu.dma_semaphore, #tpu.memory_space<semaphore_mem>>)
      } else {
      }
      %dma_wait3A_148 = arith.constant 0 : i32
      %dma_wait3A_149 = arith.constant 0 : i32
      %dma_wait3A_150 = tpu.memref_slice %arg3[%arg1, %dma_wait3A_148, %dma_wait3A_149] : memref<16x80x128xi32, #tpu.memory_space<hbm>> -> memref<1x80x128xi32, #tpu.memory_space<hbm>>
      %dma_wait3A_151 = tpu.memref_squeeze %dma_wait3A_150 : memref<1x80x128xi32, #tpu.memory_space<hbm>> -> memref<80x128xi32, #tpu.memory_space<hbm>>
      %dma_wait3A_152 = arith.constant 0 : i32
      %dma_wait3A_153 = tpu.memref_slice %dma_wait3A_151[%add3A_135, %dma_wait3A_152] : memref<80x128xi32, #tpu.memory_space<hbm>> -> memref<1x128xi32, #tpu.memory_space<hbm>>
      %dma_wait3A_154 = tpu.memref_squeeze %dma_wait3A_153 : memref<1x128xi32, #tpu.memory_space<hbm>> -> memref<128xi32, #tpu.memory_space<hbm>>
      %dma_wait3A_155 = arith.constant 0 : i32
      %dma_wait3A_156 = arith.constant 0 : i32
      %dma_wait3A_157 = tpu.memref_slice %arg3[%arg1, %dma_wait3A_155, %dma_wait3A_156] : memref<16x80x128xi32, #tpu.memory_space<hbm>> -> memref<1x80x128xi32, #tpu.memory_space<hbm>>
      %dma_wait3A_158 = tpu.memref_squeeze %dma_wait3A_157 : memref<1x80x128xi32, #tpu.memory_space<hbm>> -> memref<80x128xi32, #tpu.memory_space<hbm>>
      %dma_wait3A_159 = arith.constant 0 : i32
      %dma_wait3A_160 = tpu.memref_slice %dma_wait3A_158[%add3A_135, %dma_wait3A_159] : memref<80x128xi32, #tpu.memory_space<hbm>> -> memref<1x128xi32, #tpu.memory_space<hbm>>
      %dma_wait3A_161 = tpu.memref_squeeze %dma_wait3A_160 : memref<1x128xi32, #tpu.memory_space<hbm>> -> memref<128xi32, #tpu.memory_space<hbm>>
      tpu.wait_dma2 semaphore(%arg18 : memref<!tpu.dma_semaphore, #tpu.memory_space<semaphore_mem>>) src(%dma_wait3A_161 : memref<128xi32, #tpu.memory_space<hbm>>) dst(%arg7 : memref<128xi32, #tpu.memory_space<vmem>>)
      %dma_wait3A_162 = arith.constant 0 : i32
      %dma_wait3A_163 = arith.constant 0 : i32
      %dma_wait3A_164 = tpu.memref_slice %arg4[%arg1, %dma_wait3A_162, %dma_wait3A_163] : memref<16x80x128xi32, #tpu.memory_space<hbm>> -> memref<1x80x128xi32, #tpu.memory_space<hbm>>
      %dma_wait3A_165 = tpu.memref_squeeze %dma_wait3A_164 : memref<1x80x128xi32, #tpu.memory_space<hbm>> -> memref<80x128xi32, #tpu.memory_space<hbm>>
      %dma_wait3A_166 = arith.constant 0 : i32
      %dma_wait3A_167 = tpu.memref_slice %dma_wait3A_165[%add3A_135, %dma_wait3A_166] : memref<80x128xi32, #tpu.memory_space<hbm>> -> memref<1x128xi32, #tpu.memory_space<hbm>>
      %dma_wait3A_168 = tpu.memref_squeeze %dma_wait3A_167 : memref<1x128xi32, #tpu.memory_space<hbm>> -> memref<128xi32, #tpu.memory_space<hbm>>
      %dma_wait3A_169 = arith.constant 0 : i32
      %dma_wait3A_170 = arith.constant 0 : i32
      %dma_wait3A_171 = tpu.memref_slice %arg4[%arg1, %dma_wait3A_169, %dma_wait3A_170] : memref<16x80x128xi32, #tpu.memory_space<hbm>> -> memref<1x80x128xi32, #tpu.memory_space<hbm>>
      %dma_wait3A_172 = tpu.memref_squeeze %dma_wait3A_171 : memref<1x80x128xi32, #tpu.memory_space<hbm>> -> memref<80x128xi32, #tpu.memory_space<hbm>>
      %dma_wait3A_173 = arith.constant 0 : i32
      %dma_wait3A_174 = tpu.memref_slice %dma_wait3A_172[%add3A_135, %dma_wait3A_173] : memref<80x128xi32, #tpu.memory_space<hbm>> -> memref<1x128xi32, #tpu.memory_space<hbm>>
      %dma_wait3A_175 = tpu.memref_squeeze %dma_wait3A_174 : memref<1x128xi32, #tpu.memory_space<hbm>> -> memref<128xi32, #tpu.memory_space<hbm>>
      tpu.wait_dma2 semaphore(%arg18 : memref<!tpu.dma_semaphore, #tpu.memory_space<semaphore_mem>>) src(%dma_wait3A_175 : memref<128xi32, #tpu.memory_space<hbm>>) dst(%arg11 : memref<128xi32, #tpu.memory_space<vmem>>)
      %dma_start3A_176 = arith.constant 0 : i32
      %dma_start3A_177 = arith.constant 0 : i32
      %dma_start3A_178 = tpu.memref_slice %arg2[%arg0, %dma_start3A_176, %dma_start3A_177] : memref<2x10240x128xf32, #tpu.memory_space<hbm>> -> memref<1x10240x128xf32, #tpu.memory_space<hbm>>
      %dma_start3A_179 = tpu.memref_squeeze %dma_start3A_178 : memref<1x10240x128xf32, #tpu.memory_space<hbm>> -> memref<10240x128xf32, #tpu.memory_space<hbm>>
      %dma_start3A_180 = arith.constant 0 : i32
      %dma_start3A_181 = arith.constant 0 : i32
      %dma_start3A_182 = tpu.memref_slice %dma_start3A_179[%dma_start3A_180, %dma_start3A_181] : memref<10240x128xf32, #tpu.memory_space<hbm>> -> memref<10240x128xf32, #tpu.memory_space<hbm>>
      tpu.enqueue_indirect_dma source(%dma_start3A_182 : memref<10240x128xf32, #tpu.memory_space<hbm>>) target(%arg15 : memref<128x128xf32, #tpu.memory_space<vmem>>) offsets(%arg7 : memref<128xi32, #tpu.memory_space<vmem>>) semaphore(%arg22 : memref<!tpu.dma_semaphore, #tpu.memory_space<semaphore_mem>>)
      %dma_wait3A_183 = arith.constant 0 : i32
      %dma_wait3A_184 = arith.constant 0 : i32
      %dma_wait3A_185 = tpu.memref_slice %arg2[%arg0, %dma_wait3A_183, %dma_wait3A_184] : memref<2x10240x128xf32, #tpu.memory_space<hbm>> -> memref<1x10240x128xf32, #tpu.memory_space<hbm>>
      %dma_wait3A_186 = tpu.memref_squeeze %dma_wait3A_185 : memref<1x10240x128xf32, #tpu.memory_space<hbm>> -> memref<10240x128xf32, #tpu.memory_space<hbm>>
      %dma_wait3A_187 = arith.constant 0 : i32
      %dma_wait3A_188 = arith.constant 0 : i32
      %dma_wait3A_189 = tpu.memref_slice %dma_wait3A_186[%dma_wait3A_187, %dma_wait3A_188] : memref<10240x128xf32, #tpu.memory_space<hbm>> -> memref<10240x128xf32, #tpu.memory_space<hbm>>
      tpu.wait_indirect_dma semaphore(%arg21 : memref<!tpu.dma_semaphore, #tpu.memory_space<semaphore_mem>>) src(%dma_wait3A_189 : memref<10240x128xf32, #tpu.memory_space<hbm>>) dst(%arg14 : memref<128x128xf32, #tpu.memory_space<vmem>>)
      %dma_start3A_190 = arith.constant 0 : i32
      %dma_start3A_191 = arith.constant 0 : i32
      %dma_start3A_192 = tpu.memref_slice %arg16[%dma_start3A_190, %dma_start3A_191] : memref<10240x128xf32, #tpu.memory_space<vmem_shared>> -> memref<10240x128xf32, #tpu.memory_space<vmem_shared>>
      tpu.enqueue_indirect_dma source(%arg14 : memref<128x128xf32, #tpu.memory_space<vmem>>) target(%dma_start3A_192 : memref<10240x128xf32, #tpu.memory_space<vmem_shared>>) offsets(%arg10 : memref<128xi32, #tpu.memory_space<vmem>>) semaphore(%arg23 : memref<!tpu.dma_semaphore, #tpu.memory_space<semaphore_mem>>) {add = true}
      %add3A_193 = arith.constant 2 : i32
      %add3A_194 = arith.addi %add3A_83, %add3A_193 : i32
      %dma_wait3A_195 = arith.constant 0 : i32
      %dma_wait3A_196 = arith.constant 0 : i32
      %dma_wait3A_197 = tpu.memref_slice %arg16[%dma_wait3A_195, %dma_wait3A_196] : memref<10240x128xf32, #tpu.memory_space<vmem_shared>> -> memref<10240x128xf32, #tpu.memory_space<vmem_shared>>
      tpu.wait_indirect_dma semaphore(%arg23 : memref<!tpu.dma_semaphore, #tpu.memory_space<semaphore_mem>>) src(%arg14 : memref<128x128xf32, #tpu.memory_space<vmem>>) dst(%dma_wait3A_197 : memref<10240x128xf32, #tpu.memory_space<vmem_shared>>)
      %add3A_198 = arith.constant 2 : i32
      %add3A_199 = arith.addi %add3A_194, %add3A_198 : i32
      %lt3A_200 = arith.constant 80 : i32
      %lt3A_201 = arith.cmpi slt, %add3A_199, %lt3A_200 : i32
      %convert_element_type3A_202 = arith.extui %lt3A_201 : i1 to i32
      %cond3A_203 = arith.constant 0 : i32
      %cond3A_204 = arith.cmpi ne, %convert_element_type3A_202, %cond3A_203 : i32
      scf.if %cond3A_204 {
        %add3A_307 = arith.constant 2 : i32
        %add3A_308 = arith.addi %add3A_194, %add3A_307 : i32
        %dma_start3A_309 = arith.constant 0 : i32
        %dma_start3A_310 = arith.constant 0 : i32
        %dma_start3A_311 = tpu.memref_slice %arg3[%arg1, %dma_start3A_309, %dma_start3A_310] : memref<16x80x128xi32, #tpu.memory_space<hbm>> -> memref<1x80x128xi32, #tpu.memory_space<hbm>>
        %dma_start3A_312 = tpu.memref_squeeze %dma_start3A_311 : memref<1x80x128xi32, #tpu.memory_space<hbm>> -> memref<80x128xi32, #tpu.memory_space<hbm>>
        %dma_start3A_313 = arith.constant 0 : i32
        %dma_start3A_314 = tpu.memref_slice %dma_start3A_312[%add3A_308, %dma_start3A_313] : memref<80x128xi32, #tpu.memory_space<hbm>> -> memref<1x128xi32, #tpu.memory_space<hbm>>
        %dma_start3A_315 = tpu.memref_squeeze %dma_start3A_314 : memref<1x128xi32, #tpu.memory_space<hbm>> -> memref<128xi32, #tpu.memory_space<hbm>>
        %dma_start3A_316 = arith.constant 0 : i32
        %dma_start3A_317 = arith.constant 0 : i32
        %dma_start3A_318 = tpu.memref_slice %arg3[%arg1, %dma_start3A_316, %dma_start3A_317] : memref<16x80x128xi32, #tpu.memory_space<hbm>> -> memref<1x80x128xi32, #tpu.memory_space<hbm>>
        %dma_start3A_319 = tpu.memref_squeeze %dma_start3A_318 : memref<1x80x128xi32, #tpu.memory_space<hbm>> -> memref<80x128xi32, #tpu.memory_space<hbm>>
        %dma_start3A_320 = arith.constant 0 : i32
        %dma_start3A_321 = tpu.memref_slice %dma_start3A_319[%add3A_308, %dma_start3A_320] : memref<80x128xi32, #tpu.memory_space<hbm>> -> memref<1x128xi32, #tpu.memory_space<hbm>>
        %dma_start3A_322 = tpu.memref_squeeze %dma_start3A_321 : memref<1x128xi32, #tpu.memory_space<hbm>> -> memref<128xi32, #tpu.memory_space<hbm>>
        tpu.enqueue_dma source(%dma_start3A_322 : memref<128xi32, #tpu.memory_space<hbm>>) target(%arg6 : memref<128xi32, #tpu.memory_space<vmem>>) target_semaphore(%arg17 : memref<!tpu.dma_semaphore, #tpu.memory_space<semaphore_mem>>)
        %add3A_323 = arith.constant 2 : i32
        %add3A_324 = arith.addi %add3A_194, %add3A_323 : i32
        %dma_start3A_325 = arith.constant 0 : i32
        %dma_start3A_326 = arith.constant 0 : i32
        %dma_start3A_327 = tpu.memref_slice %arg4[%arg1, %dma_start3A_325, %dma_start3A_326] : memref<16x80x128xi32, #tpu.memory_space<hbm>> -> memref<1x80x128xi32, #tpu.memory_space<hbm>>
        %dma_start3A_328 = tpu.memref_squeeze %dma_start3A_327 : memref<1x80x128xi32, #tpu.memory_space<hbm>> -> memref<80x128xi32, #tpu.memory_space<hbm>>
        %dma_start3A_329 = arith.constant 0 : i32
        %dma_start3A_330 = tpu.memref_slice %dma_start3A_328[%add3A_324, %dma_start3A_329] : memref<80x128xi32, #tpu.memory_space<hbm>> -> memref<1x128xi32, #tpu.memory_space<hbm>>
        %dma_start3A_331 = tpu.memref_squeeze %dma_start3A_330 : memref<1x128xi32, #tpu.memory_space<hbm>> -> memref<128xi32, #tpu.memory_space<hbm>>
        %dma_start3A_332 = arith.constant 0 : i32
        %dma_start3A_333 = arith.constant 0 : i32
        %dma_start3A_334 = tpu.memref_slice %arg4[%arg1, %dma_start3A_332, %dma_start3A_333] : memref<16x80x128xi32, #tpu.memory_space<hbm>> -> memref<1x80x128xi32, #tpu.memory_space<hbm>>
        %dma_start3A_335 = tpu.memref_squeeze %dma_start3A_334 : memref<1x80x128xi32, #tpu.memory_space<hbm>> -> memref<80x128xi32, #tpu.memory_space<hbm>>
        %dma_start3A_336 = arith.constant 0 : i32
        %dma_start3A_337 = tpu.memref_slice %dma_start3A_335[%add3A_324, %dma_start3A_336] : memref<80x128xi32, #tpu.memory_space<hbm>> -> memref<1x128xi32, #tpu.memory_space<hbm>>
        %dma_start3A_338 = tpu.memref_squeeze %dma_start3A_337 : memref<1x128xi32, #tpu.memory_space<hbm>> -> memref<128xi32, #tpu.memory_space<hbm>>
        tpu.enqueue_dma source(%dma_start3A_338 : memref<128xi32, #tpu.memory_space<hbm>>) target(%arg10 : memref<128xi32, #tpu.memory_space<vmem>>) target_semaphore(%arg17 : memref<!tpu.dma_semaphore, #tpu.memory_space<semaphore_mem>>)
      } else {
      }
      %dma_wait3A_205 = arith.constant 0 : i32
      %dma_wait3A_206 = arith.constant 0 : i32
      %dma_wait3A_207 = tpu.memref_slice %arg3[%arg1, %dma_wait3A_205, %dma_wait3A_206] : memref<16x80x128xi32, #tpu.memory_space<hbm>> -> memref<1x80x128xi32, #tpu.memory_space<hbm>>
      %dma_wait3A_208 = tpu.memref_squeeze %dma_wait3A_207 : memref<1x80x128xi32, #tpu.memory_space<hbm>> -> memref<80x128xi32, #tpu.memory_space<hbm>>
      %dma_wait3A_209 = arith.constant 0 : i32
      %dma_wait3A_210 = tpu.memref_slice %dma_wait3A_208[%add3A_194, %dma_wait3A_209] : memref<80x128xi32, #tpu.memory_space<hbm>> -> memref<1x128xi32, #tpu.memory_space<hbm>>
      %dma_wait3A_211 = tpu.memref_squeeze %dma_wait3A_210 : memref<1x128xi32, #tpu.memory_space<hbm>> -> memref<128xi32, #tpu.memory_space<hbm>>
      %dma_wait3A_212 = arith.constant 0 : i32
      %dma_wait3A_213 = arith.constant 0 : i32
      %dma_wait3A_214 = tpu.memref_slice %arg3[%arg1, %dma_wait3A_212, %dma_wait3A_213] : memref<16x80x128xi32, #tpu.memory_space<hbm>> -> memref<1x80x128xi32, #tpu.memory_space<hbm>>
      %dma_wait3A_215 = tpu.memref_squeeze %dma_wait3A_214 : memref<1x80x128xi32, #tpu.memory_space<hbm>> -> memref<80x128xi32, #tpu.memory_space<hbm>>
      %dma_wait3A_216 = arith.constant 0 : i32
      %dma_wait3A_217 = tpu.memref_slice %dma_wait3A_215[%add3A_194, %dma_wait3A_216] : memref<80x128xi32, #tpu.memory_space<hbm>> -> memref<1x128xi32, #tpu.memory_space<hbm>>
      %dma_wait3A_218 = tpu.memref_squeeze %dma_wait3A_217 : memref<1x128xi32, #tpu.memory_space<hbm>> -> memref<128xi32, #tpu.memory_space<hbm>>
      tpu.wait_dma2 semaphore(%arg19 : memref<!tpu.dma_semaphore, #tpu.memory_space<semaphore_mem>>) src(%dma_wait3A_218 : memref<128xi32, #tpu.memory_space<hbm>>) dst(%arg8 : memref<128xi32, #tpu.memory_space<vmem>>)
      %dma_wait3A_219 = arith.constant 0 : i32
      %dma_wait3A_220 = arith.constant 0 : i32
      %dma_wait3A_221 = tpu.memref_slice %arg4[%arg1, %dma_wait3A_219, %dma_wait3A_220] : memref<16x80x128xi32, #tpu.memory_space<hbm>> -> memref<1x80x128xi32, #tpu.memory_space<hbm>>
      %dma_wait3A_222 = tpu.memref_squeeze %dma_wait3A_221 : memref<1x80x128xi32, #tpu.memory_space<hbm>> -> memref<80x128xi32, #tpu.memory_space<hbm>>
      %dma_wait3A_223 = arith.constant 0 : i32
      %dma_wait3A_224 = tpu.memref_slice %dma_wait3A_222[%add3A_194, %dma_wait3A_223] : memref<80x128xi32, #tpu.memory_space<hbm>> -> memref<1x128xi32, #tpu.memory_space<hbm>>
      %dma_wait3A_225 = tpu.memref_squeeze %dma_wait3A_224 : memref<1x128xi32, #tpu.memory_space<hbm>> -> memref<128xi32, #tpu.memory_space<hbm>>
      %dma_wait3A_226 = arith.constant 0 : i32
      %dma_wait3A_227 = arith.constant 0 : i32
      %dma_wait3A_228 = tpu.memref_slice %arg4[%arg1, %dma_wait3A_226, %dma_wait3A_227] : memref<16x80x128xi32, #tpu.memory_space<hbm>> -> memref<1x80x128xi32, #tpu.memory_space<hbm>>
      %dma_wait3A_229 = tpu.memref_squeeze %dma_wait3A_228 : memref<1x80x128xi32, #tpu.memory_space<hbm>> -> memref<80x128xi32, #tpu.memory_space<hbm>>
      %dma_wait3A_230 = arith.constant 0 : i32
      %dma_wait3A_231 = tpu.memref_slice %dma_wait3A_229[%add3A_194, %dma_wait3A_230] : memref<80x128xi32, #tpu.memory_space<hbm>> -> memref<1x128xi32, #tpu.memory_space<hbm>>
      %dma_wait3A_232 = tpu.memref_squeeze %dma_wait3A_231 : memref<1x128xi32, #tpu.memory_space<hbm>> -> memref<128xi32, #tpu.memory_space<hbm>>
      tpu.wait_dma2 semaphore(%arg19 : memref<!tpu.dma_semaphore, #tpu.memory_space<semaphore_mem>>) src(%dma_wait3A_232 : memref<128xi32, #tpu.memory_space<hbm>>) dst(%arg12 : memref<128xi32, #tpu.memory_space<vmem>>)
      %dma_start3A_233 = arith.constant 0 : i32
      %dma_start3A_234 = arith.constant 0 : i32
      %dma_start3A_235 = tpu.memref_slice %arg2[%arg0, %dma_start3A_233, %dma_start3A_234] : memref<2x10240x128xf32, #tpu.memory_space<hbm>> -> memref<1x10240x128xf32, #tpu.memory_space<hbm>>
      %dma_start3A_236 = tpu.memref_squeeze %dma_start3A_235 : memref<1x10240x128xf32, #tpu.memory_space<hbm>> -> memref<10240x128xf32, #tpu.memory_space<hbm>>
      %dma_start3A_237 = arith.constant 0 : i32
      %dma_start3A_238 = arith.constant 0 : i32
      %dma_start3A_239 = tpu.memref_slice %dma_start3A_236[%dma_start3A_237, %dma_start3A_238] : memref<10240x128xf32, #tpu.memory_space<hbm>> -> memref<10240x128xf32, #tpu.memory_space<hbm>>
      tpu.enqueue_indirect_dma source(%dma_start3A_239 : memref<10240x128xf32, #tpu.memory_space<hbm>>) target(%arg14 : memref<128x128xf32, #tpu.memory_space<vmem>>) offsets(%arg8 : memref<128xi32, #tpu.memory_space<vmem>>) semaphore(%arg21 : memref<!tpu.dma_semaphore, #tpu.memory_space<semaphore_mem>>)
      %dma_wait3A_240 = arith.constant 0 : i32
      %dma_wait3A_241 = arith.constant 0 : i32
      %dma_wait3A_242 = tpu.memref_slice %arg2[%arg0, %dma_wait3A_240, %dma_wait3A_241] : memref<2x10240x128xf32, #tpu.memory_space<hbm>> -> memref<1x10240x128xf32, #tpu.memory_space<hbm>>
      %dma_wait3A_243 = tpu.memref_squeeze %dma_wait3A_242 : memref<1x10240x128xf32, #tpu.memory_space<hbm>> -> memref<10240x128xf32, #tpu.memory_space<hbm>>
      %dma_wait3A_244 = arith.constant 0 : i32
      %dma_wait3A_245 = arith.constant 0 : i32
      %dma_wait3A_246 = tpu.memref_slice %dma_wait3A_243[%dma_wait3A_244, %dma_wait3A_245] : memref<10240x128xf32, #tpu.memory_space<hbm>> -> memref<10240x128xf32, #tpu.memory_space<hbm>>
      tpu.wait_indirect_dma semaphore(%arg22 : memref<!tpu.dma_semaphore, #tpu.memory_space<semaphore_mem>>) src(%dma_wait3A_246 : memref<10240x128xf32, #tpu.memory_space<hbm>>) dst(%arg15 : memref<128x128xf32, #tpu.memory_space<vmem>>)
      %dma_start3A_247 = arith.constant 0 : i32
      %dma_start3A_248 = arith.constant 0 : i32
      %dma_start3A_249 = tpu.memref_slice %arg16[%dma_start3A_247, %dma_start3A_248] : memref<10240x128xf32, #tpu.memory_space<vmem_shared>> -> memref<10240x128xf32, #tpu.memory_space<vmem_shared>>
      tpu.enqueue_indirect_dma source(%arg15 : memref<128x128xf32, #tpu.memory_space<vmem>>) target(%dma_start3A_249 : memref<10240x128xf32, #tpu.memory_space<vmem_shared>>) offsets(%arg11 : memref<128xi32, #tpu.memory_space<vmem>>) semaphore(%arg24 : memref<!tpu.dma_semaphore, #tpu.memory_space<semaphore_mem>>) {add = true}
      %add3A_250 = arith.constant 3 : i32
      %add3A_251 = arith.addi %add3A_83, %add3A_250 : i32
      %dma_wait3A_252 = arith.constant 0 : i32
      %dma_wait3A_253 = arith.constant 0 : i32
      %dma_wait3A_254 = tpu.memref_slice %arg16[%dma_wait3A_252, %dma_wait3A_253] : memref<10240x128xf32, #tpu.memory_space<vmem_shared>> -> memref<10240x128xf32, #tpu.memory_space<vmem_shared>>
      tpu.wait_indirect_dma semaphore(%arg24 : memref<!tpu.dma_semaphore, #tpu.memory_space<semaphore_mem>>) src(%arg15 : memref<128x128xf32, #tpu.memory_space<vmem>>) dst(%dma_wait3A_254 : memref<10240x128xf32, #tpu.memory_space<vmem_shared>>)
      %add3A_255 = arith.constant 2 : i32
      %add3A_256 = arith.addi %add3A_251, %add3A_255 : i32
      %lt3A_257 = arith.constant 80 : i32
      %lt3A_258 = arith.cmpi slt, %add3A_256, %lt3A_257 : i32
      %convert_element_type3A_259 = arith.extui %lt3A_258 : i1 to i32
      %cond3A_260 = arith.constant 0 : i32
      %cond3A_261 = arith.cmpi ne, %convert_element_type3A_259, %cond3A_260 : i32
      scf.if %cond3A_261 {
        %add3A_307 = arith.constant 2 : i32
        %add3A_308 = arith.addi %add3A_251, %add3A_307 : i32
        %dma_start3A_309 = arith.constant 0 : i32
        %dma_start3A_310 = arith.constant 0 : i32
        %dma_start3A_311 = tpu.memref_slice %arg3[%arg1, %dma_start3A_309, %dma_start3A_310] : memref<16x80x128xi32, #tpu.memory_space<hbm>> -> memref<1x80x128xi32, #tpu.memory_space<hbm>>
        %dma_start3A_312 = tpu.memref_squeeze %dma_start3A_311 : memref<1x80x128xi32, #tpu.memory_space<hbm>> -> memref<80x128xi32, #tpu.memory_space<hbm>>
        %dma_start3A_313 = arith.constant 0 : i32
        %dma_start3A_314 = tpu.memref_slice %dma_start3A_312[%add3A_308, %dma_start3A_313] : memref<80x128xi32, #tpu.memory_space<hbm>> -> memref<1x128xi32, #tpu.memory_space<hbm>>
        %dma_start3A_315 = tpu.memref_squeeze %dma_start3A_314 : memref<1x128xi32, #tpu.memory_space<hbm>> -> memref<128xi32, #tpu.memory_space<hbm>>
        %dma_start3A_316 = arith.constant 0 : i32
        %dma_start3A_317 = arith.constant 0 : i32
        %dma_start3A_318 = tpu.memref_slice %arg3[%arg1, %dma_start3A_316, %dma_start3A_317] : memref<16x80x128xi32, #tpu.memory_space<hbm>> -> memref<1x80x128xi32, #tpu.memory_space<hbm>>
        %dma_start3A_319 = tpu.memref_squeeze %dma_start3A_318 : memref<1x80x128xi32, #tpu.memory_space<hbm>> -> memref<80x128xi32, #tpu.memory_space<hbm>>
        %dma_start3A_320 = arith.constant 0 : i32
        %dma_start3A_321 = tpu.memref_slice %dma_start3A_319[%add3A_308, %dma_start3A_320] : memref<80x128xi32, #tpu.memory_space<hbm>> -> memref<1x128xi32, #tpu.memory_space<hbm>>
        %dma_start3A_322 = tpu.memref_squeeze %dma_start3A_321 : memref<1x128xi32, #tpu.memory_space<hbm>> -> memref<128xi32, #tpu.memory_space<hbm>>
        tpu.enqueue_dma source(%dma_start3A_322 : memref<128xi32, #tpu.memory_space<hbm>>) target(%arg7 : memref<128xi32, #tpu.memory_space<vmem>>) target_semaphore(%arg18 : memref<!tpu.dma_semaphore, #tpu.memory_space<semaphore_mem>>)
        %add3A_323 = arith.constant 2 : i32
        %add3A_324 = arith.addi %add3A_251, %add3A_323 : i32
        %dma_start3A_325 = arith.constant 0 : i32
        %dma_start3A_326 = arith.constant 0 : i32
        %dma_start3A_327 = tpu.memref_slice %arg4[%arg1, %dma_start3A_325, %dma_start3A_326] : memref<16x80x128xi32, #tpu.memory_space<hbm>> -> memref<1x80x128xi32, #tpu.memory_space<hbm>>
        %dma_start3A_328 = tpu.memref_squeeze %dma_start3A_327 : memref<1x80x128xi32, #tpu.memory_space<hbm>> -> memref<80x128xi32, #tpu.memory_space<hbm>>
        %dma_start3A_329 = arith.constant 0 : i32
        %dma_start3A_330 = tpu.memref_slice %dma_start3A_328[%add3A_324, %dma_start3A_329] : memref<80x128xi32, #tpu.memory_space<hbm>> -> memref<1x128xi32, #tpu.memory_space<hbm>>
        %dma_start3A_331 = tpu.memref_squeeze %dma_start3A_330 : memref<1x128xi32, #tpu.memory_space<hbm>> -> memref<128xi32, #tpu.memory_space<hbm>>
        %dma_start3A_332 = arith.constant 0 : i32
        %dma_start3A_333 = arith.constant 0 : i32
        %dma_start3A_334 = tpu.memref_slice %arg4[%arg1, %dma_start3A_332, %dma_start3A_333] : memref<16x80x128xi32, #tpu.memory_space<hbm>> -> memref<1x80x128xi32, #tpu.memory_space<hbm>>
        %dma_start3A_335 = tpu.memref_squeeze %dma_start3A_334 : memref<1x80x128xi32, #tpu.memory_space<hbm>> -> memref<80x128xi32, #tpu.memory_space<hbm>>
        %dma_start3A_336 = arith.constant 0 : i32
        %dma_start3A_337 = tpu.memref_slice %dma_start3A_335[%add3A_324, %dma_start3A_336] : memref<80x128xi32, #tpu.memory_space<hbm>> -> memref<1x128xi32, #tpu.memory_space<hbm>>
        %dma_start3A_338 = tpu.memref_squeeze %dma_start3A_337 : memref<1x128xi32, #tpu.memory_space<hbm>> -> memref<128xi32, #tpu.memory_space<hbm>>
        tpu.enqueue_dma source(%dma_start3A_338 : memref<128xi32, #tpu.memory_space<hbm>>) target(%arg11 : memref<128xi32, #tpu.memory_space<vmem>>) target_semaphore(%arg18 : memref<!tpu.dma_semaphore, #tpu.memory_space<semaphore_mem>>)
      } else {
      }
      %dma_wait3A_262 = arith.constant 0 : i32
      %dma_wait3A_263 = arith.constant 0 : i32
      %dma_wait3A_264 = tpu.memref_slice %arg3[%arg1, %dma_wait3A_262, %dma_wait3A_263] : memref<16x80x128xi32, #tpu.memory_space<hbm>> -> memref<1x80x128xi32, #tpu.memory_space<hbm>>
      %dma_wait3A_265 = tpu.memref_squeeze %dma_wait3A_264 : memref<1x80x128xi32, #tpu.memory_space<hbm>> -> memref<80x128xi32, #tpu.memory_space<hbm>>
      %dma_wait3A_266 = arith.constant 0 : i32
      %dma_wait3A_267 = tpu.memref_slice %dma_wait3A_265[%add3A_251, %dma_wait3A_266] : memref<80x128xi32, #tpu.memory_space<hbm>> -> memref<1x128xi32, #tpu.memory_space<hbm>>
      %dma_wait3A_268 = tpu.memref_squeeze %dma_wait3A_267 : memref<1x128xi32, #tpu.memory_space<hbm>> -> memref<128xi32, #tpu.memory_space<hbm>>
      %dma_wait3A_269 = arith.constant 0 : i32
      %dma_wait3A_270 = arith.constant 0 : i32
      %dma_wait3A_271 = tpu.memref_slice %arg3[%arg1, %dma_wait3A_269, %dma_wait3A_270] : memref<16x80x128xi32, #tpu.memory_space<hbm>> -> memref<1x80x128xi32, #tpu.memory_space<hbm>>
      %dma_wait3A_272 = tpu.memref_squeeze %dma_wait3A_271 : memref<1x80x128xi32, #tpu.memory_space<hbm>> -> memref<80x128xi32, #tpu.memory_space<hbm>>
      %dma_wait3A_273 = arith.constant 0 : i32
      %dma_wait3A_274 = tpu.memref_slice %dma_wait3A_272[%add3A_251, %dma_wait3A_273] : memref<80x128xi32, #tpu.memory_space<hbm>> -> memref<1x128xi32, #tpu.memory_space<hbm>>
      %dma_wait3A_275 = tpu.memref_squeeze %dma_wait3A_274 : memref<1x128xi32, #tpu.memory_space<hbm>> -> memref<128xi32, #tpu.memory_space<hbm>>
      tpu.wait_dma2 semaphore(%arg20 : memref<!tpu.dma_semaphore, #tpu.memory_space<semaphore_mem>>) src(%dma_wait3A_275 : memref<128xi32, #tpu.memory_space<hbm>>) dst(%arg9 : memref<128xi32, #tpu.memory_space<vmem>>)
      %dma_wait3A_276 = arith.constant 0 : i32
      %dma_wait3A_277 = arith.constant 0 : i32
      %dma_wait3A_278 = tpu.memref_slice %arg4[%arg1, %dma_wait3A_276, %dma_wait3A_277] : memref<16x80x128xi32, #tpu.memory_space<hbm>> -> memref<1x80x128xi32, #tpu.memory_space<hbm>>
      %dma_wait3A_279 = tpu.memref_squeeze %dma_wait3A_278 : memref<1x80x128xi32, #tpu.memory_space<hbm>> -> memref<80x128xi32, #tpu.memory_space<hbm>>
      %dma_wait3A_280 = arith.constant 0 : i32
      %dma_wait3A_281 = tpu.memref_slice %dma_wait3A_279[%add3A_251, %dma_wait3A_280] : memref<80x128xi32, #tpu.memory_space<hbm>> -> memref<1x128xi32, #tpu.memory_space<hbm>>
      %dma_wait3A_282 = tpu.memref_squeeze %dma_wait3A_281 : memref<1x128xi32, #tpu.memory_space<hbm>> -> memref<128xi32, #tpu.memory_space<hbm>>
      %dma_wait3A_283 = arith.constant 0 : i32
      %dma_wait3A_284 = arith.constant 0 : i32
      %dma_wait3A_285 = tpu.memref_slice %arg4[%arg1, %dma_wait3A_283, %dma_wait3A_284] : memref<16x80x128xi32, #tpu.memory_space<hbm>> -> memref<1x80x128xi32, #tpu.memory_space<hbm>>
      %dma_wait3A_286 = tpu.memref_squeeze %dma_wait3A_285 : memref<1x80x128xi32, #tpu.memory_space<hbm>> -> memref<80x128xi32, #tpu.memory_space<hbm>>
      %dma_wait3A_287 = arith.constant 0 : i32
      %dma_wait3A_288 = tpu.memref_slice %dma_wait3A_286[%add3A_251, %dma_wait3A_287] : memref<80x128xi32, #tpu.memory_space<hbm>> -> memref<1x128xi32, #tpu.memory_space<hbm>>
      %dma_wait3A_289 = tpu.memref_squeeze %dma_wait3A_288 : memref<1x128xi32, #tpu.memory_space<hbm>> -> memref<128xi32, #tpu.memory_space<hbm>>
      tpu.wait_dma2 semaphore(%arg20 : memref<!tpu.dma_semaphore, #tpu.memory_space<semaphore_mem>>) src(%dma_wait3A_289 : memref<128xi32, #tpu.memory_space<hbm>>) dst(%arg13 : memref<128xi32, #tpu.memory_space<vmem>>)
      %dma_start3A_290 = arith.constant 0 : i32
      %dma_start3A_291 = arith.constant 0 : i32
      %dma_start3A_292 = tpu.memref_slice %arg2[%arg0, %dma_start3A_290, %dma_start3A_291] : memref<2x10240x128xf32, #tpu.memory_space<hbm>> -> memref<1x10240x128xf32, #tpu.memory_space<hbm>>
      %dma_start3A_293 = tpu.memref_squeeze %dma_start3A_292 : memref<1x10240x128xf32, #tpu.memory_space<hbm>> -> memref<10240x128xf32, #tpu.memory_space<hbm>>
      %dma_start3A_294 = arith.constant 0 : i32
      %dma_start3A_295 = arith.constant 0 : i32
      %dma_start3A_296 = tpu.memref_slice %dma_start3A_293[%dma_start3A_294, %dma_start3A_295] : memref<10240x128xf32, #tpu.memory_space<hbm>> -> memref<10240x128xf32, #tpu.memory_space<hbm>>
      tpu.enqueue_indirect_dma source(%dma_start3A_296 : memref<10240x128xf32, #tpu.memory_space<hbm>>) target(%arg15 : memref<128x128xf32, #tpu.memory_space<vmem>>) offsets(%arg9 : memref<128xi32, #tpu.memory_space<vmem>>) semaphore(%arg22 : memref<!tpu.dma_semaphore, #tpu.memory_space<semaphore_mem>>)
      %dma_wait3A_297 = arith.constant 0 : i32
      %dma_wait3A_298 = arith.constant 0 : i32
      %dma_wait3A_299 = tpu.memref_slice %arg2[%arg0, %dma_wait3A_297, %dma_wait3A_298] : memref<2x10240x128xf32, #tpu.memory_space<hbm>> -> memref<1x10240x128xf32, #tpu.memory_space<hbm>>
      %dma_wait3A_300 = tpu.memref_squeeze %dma_wait3A_299 : memref<1x10240x128xf32, #tpu.memory_space<hbm>> -> memref<10240x128xf32, #tpu.memory_space<hbm>>
      %dma_wait3A_301 = arith.constant 0 : i32
      %dma_wait3A_302 = arith.constant 0 : i32
      %dma_wait3A_303 = tpu.memref_slice %dma_wait3A_300[%dma_wait3A_301, %dma_wait3A_302] : memref<10240x128xf32, #tpu.memory_space<hbm>> -> memref<10240x128xf32, #tpu.memory_space<hbm>>
      tpu.wait_indirect_dma semaphore(%arg21 : memref<!tpu.dma_semaphore, #tpu.memory_space<semaphore_mem>>) src(%dma_wait3A_303 : memref<10240x128xf32, #tpu.memory_space<hbm>>) dst(%arg14 : memref<128x128xf32, #tpu.memory_space<vmem>>)
      %dma_start3A_304 = arith.constant 0 : i32
      %dma_start3A_305 = arith.constant 0 : i32
      %dma_start3A_306 = tpu.memref_slice %arg16[%dma_start3A_304, %dma_start3A_305] : memref<10240x128xf32, #tpu.memory_space<vmem_shared>> -> memref<10240x128xf32, #tpu.memory_space<vmem_shared>>
      tpu.enqueue_indirect_dma source(%arg14 : memref<128x128xf32, #tpu.memory_space<vmem>>) target(%dma_start3A_306 : memref<10240x128xf32, #tpu.memory_space<vmem_shared>>) offsets(%arg12 : memref<128xi32, #tpu.memory_space<vmem>>) semaphore(%arg23 : memref<!tpu.dma_semaphore, #tpu.memory_space<semaphore_mem>>) {add = true}
    }
    %scan3A_63 = arith.constant 20 : i32
    %dma_wait3A = arith.constant 0 : i32
    %dma_wait3A_64 = arith.constant 0 : i32
    %dma_wait3A_65 = tpu.memref_slice %arg2[%arg0, %dma_wait3A, %dma_wait3A_64] : memref<2x10240x128xf32, #tpu.memory_space<hbm>> -> memref<1x10240x128xf32, #tpu.memory_space<hbm>>
    %dma_wait3A_66 = tpu.memref_squeeze %dma_wait3A_65 : memref<1x10240x128xf32, #tpu.memory_space<hbm>> -> memref<10240x128xf32, #tpu.memory_space<hbm>>
    %dma_wait3A_67 = arith.constant 0 : i32
    %dma_wait3A_68 = arith.constant 0 : i32
    %dma_wait3A_69 = tpu.memref_slice %dma_wait3A_66[%dma_wait3A_67, %dma_wait3A_68] : memref<10240x128xf32, #tpu.memory_space<hbm>> -> memref<10240x128xf32, #tpu.memory_space<hbm>>
    tpu.wait_indirect_dma semaphore(%arg22 : memref<!tpu.dma_semaphore, #tpu.memory_space<semaphore_mem>>) src(%dma_wait3A_69 : memref<10240x128xf32, #tpu.memory_space<hbm>>) dst(%arg15 : memref<128x128xf32, #tpu.memory_space<vmem>>)
    %dma_start3A_70 = arith.constant 0 : i32
    %dma_start3A_71 = arith.constant 0 : i32
    %dma_start3A_72 = tpu.memref_slice %arg16[%dma_start3A_70, %dma_start3A_71] : memref<10240x128xf32, #tpu.memory_space<vmem_shared>> -> memref<10240x128xf32, #tpu.memory_space<vmem_shared>>
    tpu.enqueue_indirect_dma source(%arg15 : memref<128x128xf32, #tpu.memory_space<vmem>>) target(%dma_start3A_72 : memref<10240x128xf32, #tpu.memory_space<vmem_shared>>) offsets(%arg13 : memref<128xi32, #tpu.memory_space<vmem>>) semaphore(%arg24 : memref<!tpu.dma_semaphore, #tpu.memory_space<semaphore_mem>>) {add = true}
    %dma_wait3A_73 = arith.constant 0 : i32
    %dma_wait3A_74 = arith.constant 0 : i32
    %dma_wait3A_75 = tpu.memref_slice %arg16[%dma_wait3A_73, %dma_wait3A_74] : memref<10240x128xf32, #tpu.memory_space<vmem_shared>> -> memref<10240x128xf32, #tpu.memory_space<vmem_shared>>
    tpu.wait_indirect_dma semaphore(%arg23 : memref<!tpu.dma_semaphore, #tpu.memory_space<semaphore_mem>>) src(%arg14 : memref<128x128xf32, #tpu.memory_space<vmem>>) dst(%dma_wait3A_75 : memref<10240x128xf32, #tpu.memory_space<vmem_shared>>)
    %dma_wait3A_76 = arith.constant 0 : i32
    %dma_wait3A_77 = arith.constant 0 : i32
    %dma_wait3A_78 = tpu.memref_slice %arg16[%dma_wait3A_76, %dma_wait3A_77] : memref<10240x128xf32, #tpu.memory_space<vmem_shared>> -> memref<10240x128xf32, #tpu.memory_space<vmem_shared>>
    tpu.wait_indirect_dma semaphore(%arg24 : memref<!tpu.dma_semaphore, #tpu.memory_space<semaphore_mem>>) src(%arg15 : memref<128x128xf32, #tpu.memory_space<vmem>>) dst(%dma_wait3A_78 : memref<10240x128xf32, #tpu.memory_space<vmem_shared>>)
    %barrier3A_79 = arith.constant 0 : index
    tpu.barrier barrier_id(%barrier3A_79)
    "tpu.region"() ({
      %run_scoped3A = tpu.sem_alloc : memref<!tpu.dma_semaphore, #tpu.memory_space<semaphore_mem>>
      %dma_start3A_80 = arith.constant 0 : i32
      %dma_start3A_81 = arith.constant 0 : i32
      %dma_start3A_82 = tpu.memref_slice %arg5[%arg0, %dma_start3A_80, %dma_start3A_81] : memref<2x10240x128xf32, #tpu.memory_space<hbm>> -> memref<1x10240x128xf32, #tpu.memory_space<hbm>>
      %dma_start3A_83 = tpu.memref_squeeze %dma_start3A_82 : memref<1x10240x128xf32, #tpu.memory_space<hbm>> -> memref<10240x128xf32, #tpu.memory_space<hbm>>
      %dma_start3A_84 = arith.constant 0 : i32
      %dma_start3A_85 = tpu.memref_slice %dma_start3A_83[%mul3A_0, %dma_start3A_84] : memref<10240x128xf32, #tpu.memory_space<hbm>> -> memref<640x128xf32, #tpu.memory_space<hbm>>
      %dma_start3A_86 = arith.constant 0 : i32
      %dma_start3A_87 = tpu.memref_slice %arg16[%mul3A_0, %dma_start3A_86] : memref<10240x128xf32, #tpu.memory_space<vmem_shared>> -> memref<640x128xf32, #tpu.memory_space<vmem_shared>>
      tpu.enqueue_dma source(%dma_start3A_87 : memref<640x128xf32, #tpu.memory_space<vmem_shared>>) target(%dma_start3A_85 : memref<640x128xf32, #tpu.memory_space<hbm>>) target_semaphore(%run_scoped3A : memref<!tpu.dma_semaphore, #tpu.memory_space<semaphore_mem>>)
      %dma_wait3A_88 = arith.constant 0 : i32
      %dma_wait3A_89 = arith.constant 0 : i32
      %dma_wait3A_90 = tpu.memref_slice %arg5[%arg0, %dma_wait3A_88, %dma_wait3A_89] : memref<2x10240x128xf32, #tpu.memory_space<hbm>> -> memref<1x10240x128xf32, #tpu.memory_space<hbm>>
      %dma_wait3A_91 = tpu.memref_squeeze %dma_wait3A_90 : memref<1x10240x128xf32, #tpu.memory_space<hbm>> -> memref<10240x128xf32, #tpu.memory_space<hbm>>
      %dma_wait3A_92 = arith.constant 0 : i32
      %dma_wait3A_93 = tpu.memref_slice %dma_wait3A_91[%mul3A_0, %dma_wait3A_92] : memref<10240x128xf32, #tpu.memory_space<hbm>> -> memref<640x128xf32, #tpu.memory_space<hbm>>
      %dma_wait3A_94 = arith.constant 0 : i32
      %dma_wait3A_95 = tpu.memref_slice %arg16[%mul3A_0, %dma_wait3A_94] : memref<10240x128xf32, #tpu.memory_space<vmem_shared>> -> memref<640x128xf32, #tpu.memory_space<vmem_shared>>
      tpu.wait_dma2 semaphore(%run_scoped3A : memref<!tpu.dma_semaphore, #tpu.memory_space<semaphore_mem>>) src(%dma_wait3A_95 : memref<640x128xf32, #tpu.memory_space<vmem_shared>>) dst(%dma_wait3A_93 : memref<640x128xf32, #tpu.memory_space<hbm>>)
      tpu.yield
    }) : () -> ()
    return
  }
}

#map = affine_map<(d0, d1) -> (0, 0, 0)>
#map1 = affine_map<(d0, d1) -> (0)>
#map2 = affine_map<(d0, d1) -> (0, 0)>
module attributes {stable_mosaic.version = 14 : i64} {
  func.func @_sc_degree(%arg0: i32, %arg1: i32, %arg2: memref<32x10x512xi32, #tpu.memory_space<hbm>>, %arg3: memref<10240xf32, #tpu.memory_space<hbm>>, %arg4: memref<512xf32, #tpu.memory_space<hbm>>, %arg5: memref<2x10240xf32, #tpu.memory_space<hbm>>, %arg6: memref<512xi32, #tpu.memory_space<vmem>>, %arg7: memref<512xf32, #tpu.memory_space<vmem>>, %arg8: memref<10240xf32, #tpu.memory_space<vmem_shared>>) attributes {dimension_semantics = [#tpu.dimension_semantics<core_parallel>, #tpu.dimension_semantics<subcore_parallel>], iteration_bounds = array<i64: 2, 16>, scalar_prefetch = 0 : i64, scratch_operands = 3 : i64, tpu.core_type = #tpu.core_type<sc_vector_subcore>, window_params = [{transform_indices = #map}, {transform_indices = #map1}, {transform_indices = #map1}, {transform_indices = #map2}]} {
    %mul3A = arith.constant 2 : i32
    %mul3A_0 = arith.muli %arg1, %mul3A : i32
    %add3A = arith.addi %mul3A_0, %arg0 : i32
    %mul3A_1 = arith.constant 640 : i32
    %mul3A_2 = arith.muli %arg1, %mul3A_1 : i32
    "tpu.region"() ({
      %run_scoped3A = tpu.sem_alloc : memref<!tpu.dma_semaphore, #tpu.memory_space<semaphore_mem>>
      tpu.enqueue_dma source(%arg4 : memref<512xf32, #tpu.memory_space<hbm>>) target(%arg7 : memref<512xf32, #tpu.memory_space<vmem>>) target_semaphore(%run_scoped3A : memref<!tpu.dma_semaphore, #tpu.memory_space<semaphore_mem>>)
      tpu.wait_dma2 semaphore(%run_scoped3A : memref<!tpu.dma_semaphore, #tpu.memory_space<semaphore_mem>>) src(%arg4 : memref<512xf32, #tpu.memory_space<hbm>>) dst(%arg7 : memref<512xf32, #tpu.memory_space<vmem>>)
      tpu.yield
    }) : () -> ()
    "tpu.region"() ({
      %run_scoped3A = tpu.sem_alloc : memref<!tpu.dma_semaphore, #tpu.memory_space<semaphore_mem>>
      %dma_start3A = tpu.memref_slice %arg8[%mul3A_2] : memref<10240xf32, #tpu.memory_space<vmem_shared>> -> memref<640xf32, #tpu.memory_space<vmem_shared>>
      %dma_start3A_8 = tpu.memref_slice %arg3[%mul3A_2] : memref<10240xf32, #tpu.memory_space<hbm>> -> memref<640xf32, #tpu.memory_space<hbm>>
      tpu.enqueue_dma source(%dma_start3A_8 : memref<640xf32, #tpu.memory_space<hbm>>) target(%dma_start3A : memref<640xf32, #tpu.memory_space<vmem_shared>>) target_semaphore(%run_scoped3A : memref<!tpu.dma_semaphore, #tpu.memory_space<semaphore_mem>>)
      %dma_wait3A = tpu.memref_slice %arg8[%mul3A_2] : memref<10240xf32, #tpu.memory_space<vmem_shared>> -> memref<640xf32, #tpu.memory_space<vmem_shared>>
      %dma_wait3A_9 = tpu.memref_slice %arg3[%mul3A_2] : memref<10240xf32, #tpu.memory_space<hbm>> -> memref<640xf32, #tpu.memory_space<hbm>>
      tpu.wait_dma2 semaphore(%run_scoped3A : memref<!tpu.dma_semaphore, #tpu.memory_space<semaphore_mem>>) src(%dma_wait3A_9 : memref<640xf32, #tpu.memory_space<hbm>>) dst(%dma_wait3A : memref<640xf32, #tpu.memory_space<vmem_shared>>)
      tpu.yield
    }) : () -> ()
    %barrier3A = arith.constant 0 : index
    tpu.barrier barrier_id(%barrier3A)
    %scan3A = arith.constant 0 : i32
    %scan3A_3 = arith.constant 10 : i32
    %scan3A_4 = arith.addi %scan3A, %scan3A_3 : i32
    %scan3A_5 = arith.constant 1 : i32
    scf.for %scan3A_8 = %scan3A to %scan3A_4 step %scan3A_5  : i32 {
      %mul3A_9 = arith.constant 1 : i32
      %mul3A_10 = arith.muli %scan3A_8, %mul3A_9 : i32
      %add3A_11 = arith.constant 0 : i32
      %add3A_12 = arith.addi %add3A_11, %mul3A_10 : i32
      "tpu.region"() ({
        %run_scoped3A = tpu.sem_alloc : memref<!tpu.dma_semaphore, #tpu.memory_space<semaphore_mem>>
        %dma_start3A = arith.constant 0 : i32
        %dma_start3A_13 = arith.constant 0 : i32
        %dma_start3A_14 = tpu.memref_slice %arg2[%add3A, %dma_start3A, %dma_start3A_13] : memref<32x10x512xi32, #tpu.memory_space<hbm>> -> memref<1x10x512xi32, #tpu.memory_space<hbm>>
        %dma_start3A_15 = tpu.memref_squeeze %dma_start3A_14 : memref<1x10x512xi32, #tpu.memory_space<hbm>> -> memref<10x512xi32, #tpu.memory_space<hbm>>
        %dma_start3A_16 = arith.constant 0 : i32
        %dma_start3A_17 = tpu.memref_slice %dma_start3A_15[%add3A_12, %dma_start3A_16] : memref<10x512xi32, #tpu.memory_space<hbm>> -> memref<1x512xi32, #tpu.memory_space<hbm>>
        %dma_start3A_18 = tpu.memref_squeeze %dma_start3A_17 : memref<1x512xi32, #tpu.memory_space<hbm>> -> memref<512xi32, #tpu.memory_space<hbm>>
        %dma_start3A_19 = arith.constant 0 : i32
        %dma_start3A_20 = arith.constant 0 : i32
        %dma_start3A_21 = tpu.memref_slice %arg2[%add3A, %dma_start3A_19, %dma_start3A_20] : memref<32x10x512xi32, #tpu.memory_space<hbm>> -> memref<1x10x512xi32, #tpu.memory_space<hbm>>
        %dma_start3A_22 = tpu.memref_squeeze %dma_start3A_21 : memref<1x10x512xi32, #tpu.memory_space<hbm>> -> memref<10x512xi32, #tpu.memory_space<hbm>>
        %dma_start3A_23 = arith.constant 0 : i32
        %dma_start3A_24 = tpu.memref_slice %dma_start3A_22[%add3A_12, %dma_start3A_23] : memref<10x512xi32, #tpu.memory_space<hbm>> -> memref<1x512xi32, #tpu.memory_space<hbm>>
        %dma_start3A_25 = tpu.memref_squeeze %dma_start3A_24 : memref<1x512xi32, #tpu.memory_space<hbm>> -> memref<512xi32, #tpu.memory_space<hbm>>
        tpu.enqueue_dma source(%dma_start3A_25 : memref<512xi32, #tpu.memory_space<hbm>>) target(%arg6 : memref<512xi32, #tpu.memory_space<vmem>>) target_semaphore(%run_scoped3A : memref<!tpu.dma_semaphore, #tpu.memory_space<semaphore_mem>>)
        %dma_wait3A = arith.constant 0 : i32
        %dma_wait3A_26 = arith.constant 0 : i32
        %dma_wait3A_27 = tpu.memref_slice %arg2[%add3A, %dma_wait3A, %dma_wait3A_26] : memref<32x10x512xi32, #tpu.memory_space<hbm>> -> memref<1x10x512xi32, #tpu.memory_space<hbm>>
        %dma_wait3A_28 = tpu.memref_squeeze %dma_wait3A_27 : memref<1x10x512xi32, #tpu.memory_space<hbm>> -> memref<10x512xi32, #tpu.memory_space<hbm>>
        %dma_wait3A_29 = arith.constant 0 : i32
        %dma_wait3A_30 = tpu.memref_slice %dma_wait3A_28[%add3A_12, %dma_wait3A_29] : memref<10x512xi32, #tpu.memory_space<hbm>> -> memref<1x512xi32, #tpu.memory_space<hbm>>
        %dma_wait3A_31 = tpu.memref_squeeze %dma_wait3A_30 : memref<1x512xi32, #tpu.memory_space<hbm>> -> memref<512xi32, #tpu.memory_space<hbm>>
        %dma_wait3A_32 = arith.constant 0 : i32
        %dma_wait3A_33 = arith.constant 0 : i32
        %dma_wait3A_34 = tpu.memref_slice %arg2[%add3A, %dma_wait3A_32, %dma_wait3A_33] : memref<32x10x512xi32, #tpu.memory_space<hbm>> -> memref<1x10x512xi32, #tpu.memory_space<hbm>>
        %dma_wait3A_35 = tpu.memref_squeeze %dma_wait3A_34 : memref<1x10x512xi32, #tpu.memory_space<hbm>> -> memref<10x512xi32, #tpu.memory_space<hbm>>
        %dma_wait3A_36 = arith.constant 0 : i32
        %dma_wait3A_37 = tpu.memref_slice %dma_wait3A_35[%add3A_12, %dma_wait3A_36] : memref<10x512xi32, #tpu.memory_space<hbm>> -> memref<1x512xi32, #tpu.memory_space<hbm>>
        %dma_wait3A_38 = tpu.memref_squeeze %dma_wait3A_37 : memref<1x512xi32, #tpu.memory_space<hbm>> -> memref<512xi32, #tpu.memory_space<hbm>>
        tpu.wait_dma2 semaphore(%run_scoped3A : memref<!tpu.dma_semaphore, #tpu.memory_space<semaphore_mem>>) src(%dma_wait3A_38 : memref<512xi32, #tpu.memory_space<hbm>>) dst(%arg6 : memref<512xi32, #tpu.memory_space<vmem>>)
        tpu.yield
      }) : () -> ()
      "tpu.region"() ({
        %run_scoped3A = tpu.sem_alloc : memref<!tpu.dma_semaphore, #tpu.memory_space<semaphore_mem>>
        %dma_start3A = arith.constant 0 : i32
        %dma_start3A_13 = tpu.memref_slice %arg8[%dma_start3A] : memref<10240xf32, #tpu.memory_space<vmem_shared>> -> memref<10240xf32, #tpu.memory_space<vmem_shared>>
        tpu.enqueue_indirect_dma source(%arg7 : memref<512xf32, #tpu.memory_space<vmem>>) target(%dma_start3A_13 : memref<10240xf32, #tpu.memory_space<vmem_shared>>) offsets(%arg6 : memref<512xi32, #tpu.memory_space<vmem>>) semaphore(%run_scoped3A : memref<!tpu.dma_semaphore, #tpu.memory_space<semaphore_mem>>) {add = true}
        %dma_wait3A = arith.constant 0 : i32
        %dma_wait3A_14 = tpu.memref_slice %arg8[%dma_wait3A] : memref<10240xf32, #tpu.memory_space<vmem_shared>> -> memref<10240xf32, #tpu.memory_space<vmem_shared>>
        tpu.wait_indirect_dma semaphore(%run_scoped3A : memref<!tpu.dma_semaphore, #tpu.memory_space<semaphore_mem>>) src(%arg7 : memref<512xf32, #tpu.memory_space<vmem>>) dst(%dma_wait3A_14 : memref<10240xf32, #tpu.memory_space<vmem_shared>>)
        tpu.yield
      }) : () -> ()
    }
    %scan3A_6 = arith.constant 10 : i32
    %barrier3A_7 = arith.constant 0 : index
    tpu.barrier barrier_id(%barrier3A_7)
    "tpu.region"() ({
      %run_scoped3A = tpu.sem_alloc : memref<!tpu.dma_semaphore, #tpu.memory_space<semaphore_mem>>
      %dma_start3A = arith.constant 0 : i32
      %dma_start3A_8 = tpu.memref_slice %arg5[%arg0, %dma_start3A] : memref<2x10240xf32, #tpu.memory_space<hbm>> -> memref<1x10240xf32, #tpu.memory_space<hbm>>
      %dma_start3A_9 = tpu.memref_squeeze %dma_start3A_8 : memref<1x10240xf32, #tpu.memory_space<hbm>> -> memref<10240xf32, #tpu.memory_space<hbm>>
      %dma_start3A_10 = tpu.memref_slice %dma_start3A_9[%mul3A_2] : memref<10240xf32, #tpu.memory_space<hbm>> -> memref<640xf32, #tpu.memory_space<hbm>>
      %dma_start3A_11 = tpu.memref_slice %arg8[%mul3A_2] : memref<10240xf32, #tpu.memory_space<vmem_shared>> -> memref<640xf32, #tpu.memory_space<vmem_shared>>
      tpu.enqueue_dma source(%dma_start3A_11 : memref<640xf32, #tpu.memory_space<vmem_shared>>) target(%dma_start3A_10 : memref<640xf32, #tpu.memory_space<hbm>>) target_semaphore(%run_scoped3A : memref<!tpu.dma_semaphore, #tpu.memory_space<semaphore_mem>>)
      %dma_wait3A = arith.constant 0 : i32
      %dma_wait3A_12 = tpu.memref_slice %arg5[%arg0, %dma_wait3A] : memref<2x10240xf32, #tpu.memory_space<hbm>> -> memref<1x10240xf32, #tpu.memory_space<hbm>>
      %dma_wait3A_13 = tpu.memref_squeeze %dma_wait3A_12 : memref<1x10240xf32, #tpu.memory_space<hbm>> -> memref<10240xf32, #tpu.memory_space<hbm>>
      %dma_wait3A_14 = tpu.memref_slice %dma_wait3A_13[%mul3A_2] : memref<10240xf32, #tpu.memory_space<hbm>> -> memref<640xf32, #tpu.memory_space<hbm>>
      %dma_wait3A_15 = tpu.memref_slice %arg8[%mul3A_2] : memref<10240xf32, #tpu.memory_space<vmem_shared>> -> memref<640xf32, #tpu.memory_space<vmem_shared>>
      tpu.wait_dma2 semaphore(%run_scoped3A : memref<!tpu.dma_semaphore, #tpu.memory_space<semaphore_mem>>) src(%dma_wait3A_15 : memref<640xf32, #tpu.memory_space<vmem_shared>>) dst(%dma_wait3A_14 : memref<640xf32, #tpu.memory_space<hbm>>)
      tpu.yield
    }) : () -> ()
    return
  }
}

#map = affine_map<(d0, d1) -> (0, 0, 0)>
module attributes {stable_mosaic.version = 14 : i64} {
  func.func @_sc_propagate_body(%arg0: i32, %arg1: i32, %arg2: memref<2x10240x128xf32, #tpu.memory_space<hbm>>, %arg3: memref<16x80x128xi32, #tpu.memory_space<hbm>>, %arg4: memref<16x80x128xi32, #tpu.memory_space<hbm>>, %arg5: memref<2x10240x128xf32, #tpu.memory_space<hbm>>, %arg6: memref<128xi32, #tpu.memory_space<vmem>>, %arg7: memref<128xi32, #tpu.memory_space<vmem>>, %arg8: memref<128xi32, #tpu.memory_space<vmem>>, %arg9: memref<128xi32, #tpu.memory_space<vmem>>, %arg10: memref<128xi32, #tpu.memory_space<vmem>>, %arg11: memref<128xi32, #tpu.memory_space<vmem>>, %arg12: memref<128xi32, #tpu.memory_space<vmem>>, %arg13: memref<128xi32, #tpu.memory_space<vmem>>, %arg14: memref<128x128xf32, #tpu.memory_space<vmem>>, %arg15: memref<128x128xf32, #tpu.memory_space<vmem>>, %arg16: memref<10240x128xf32, #tpu.memory_space<vmem_shared>>, %arg17: memref<!tpu.dma_semaphore, #tpu.memory_space<semaphore_mem>>, %arg18: memref<!tpu.dma_semaphore, #tpu.memory_space<semaphore_mem>>, %arg19: memref<!tpu.dma_semaphore, #tpu.memory_space<semaphore_mem>>, %arg20: memref<!tpu.dma_semaphore, #tpu.memory_space<semaphore_mem>>, %arg21: memref<!tpu.dma_semaphore, #tpu.memory_space<semaphore_mem>>, %arg22: memref<!tpu.dma_semaphore, #tpu.memory_space<semaphore_mem>>, %arg23: memref<!tpu.dma_semaphore, #tpu.memory_space<semaphore_mem>>, %arg24: memref<!tpu.dma_semaphore, #tpu.memory_space<semaphore_mem>>) attributes {dimension_semantics = [#tpu.dimension_semantics<core_parallel>, #tpu.dimension_semantics<subcore_parallel>], iteration_bounds = array<i64: 2, 16>, scalar_prefetch = 0 : i64, scratch_operands = 19 : i64, tpu.core_type = #tpu.core_type<sc_vector_subcore>, window_params = [{transform_indices = #map}, {transform_indices = #map}, {transform_indices = #map}, {transform_indices = #map}]} {
    %mul3A = arith.constant 640 : i32
    %mul3A_0 = arith.muli %arg1, %mul3A : i32
    %dma_start3A = arith.constant 0 : i32
    %dma_start3A_1 = arith.constant 0 : i32
    %dma_start3A_2 = arith.constant 0 : i32
    %dma_start3A_3 = tpu.memref_slice %arg3[%arg1, %dma_start3A_1, %dma_start3A_2] : memref<16x80x128xi32, #tpu.memory_space<hbm>> -> memref<1x80x128xi32, #tpu.memory_space<hbm>>
    %dma_start3A_4 = tpu.memref_squeeze %dma_start3A_3 : memref<1x80x128xi32, #tpu.memory_space<hbm>> -> memref<80x128xi32, #tpu.memory_space<hbm>>
    %dma_start3A_5 = arith.constant 0 : i32
    %dma_start3A_6 = tpu.memref_slice %dma_start3A_4[%dma_start3A, %dma_start3A_5] : memref<80x128xi32, #tpu.memory_space<hbm>> -> memref<1x128xi32, #tpu.memory_space<hbm>>
    %dma_start3A_7 = tpu.memref_squeeze %dma_start3A_6 : memref<1x128xi32, #tpu.memory_space<hbm>> -> memref<128xi32, #tpu.memory_space<hbm>>
    %dma_start3A_8 = arith.constant 0 : i32
    %dma_start3A_9 = arith.constant 0 : i32
    %dma_start3A_10 = tpu.memref_slice %arg3[%arg1, %dma_start3A_8, %dma_start3A_9] : memref<16x80x128xi32, #tpu.memory_space<hbm>> -> memref<1x80x128xi32, #tpu.memory_space<hbm>>
    %dma_start3A_11 = tpu.memref_squeeze %dma_start3A_10 : memref<1x80x128xi32, #tpu.memory_space<hbm>> -> memref<80x128xi32, #tpu.memory_space<hbm>>
    %dma_start3A_12 = arith.constant 0 : i32
    %dma_start3A_13 = tpu.memref_slice %dma_start3A_11[%dma_start3A, %dma_start3A_12] : memref<80x128xi32, #tpu.memory_space<hbm>> -> memref<1x128xi32, #tpu.memory_space<hbm>>
    %dma_start3A_14 = tpu.memref_squeeze %dma_start3A_13 : memref<1x128xi32, #tpu.memory_space<hbm>> -> memref<128xi32, #tpu.memory_space<hbm>>
    tpu.enqueue_dma source(%dma_start3A_14 : memref<128xi32, #tpu.memory_space<hbm>>) target(%arg6 : memref<128xi32, #tpu.memory_space<vmem>>) target_semaphore(%arg17 : memref<!tpu.dma_semaphore, #tpu.memory_space<semaphore_mem>>)
    %dma_start3A_15 = arith.constant 0 : i32
    %dma_start3A_16 = arith.constant 0 : i32
    %dma_start3A_17 = arith.constant 0 : i32
    %dma_start3A_18 = tpu.memref_slice %arg4[%arg1, %dma_start3A_16, %dma_start3A_17] : memref<16x80x128xi32, #tpu.memory_space<hbm>> -> memref<1x80x128xi32, #tpu.memory_space<hbm>>
    %dma_start3A_19 = tpu.memref_squeeze %dma_start3A_18 : memref<1x80x128xi32, #tpu.memory_space<hbm>> -> memref<80x128xi32, #tpu.memory_space<hbm>>
    %dma_start3A_20 = arith.constant 0 : i32
    %dma_start3A_21 = tpu.memref_slice %dma_start3A_19[%dma_start3A_15, %dma_start3A_20] : memref<80x128xi32, #tpu.memory_space<hbm>> -> memref<1x128xi32, #tpu.memory_space<hbm>>
    %dma_start3A_22 = tpu.memref_squeeze %dma_start3A_21 : memref<1x128xi32, #tpu.memory_space<hbm>> -> memref<128xi32, #tpu.memory_space<hbm>>
    %dma_start3A_23 = arith.constant 0 : i32
    %dma_start3A_24 = arith.constant 0 : i32
    %dma_start3A_25 = tpu.memref_slice %arg4[%arg1, %dma_start3A_23, %dma_start3A_24] : memref<16x80x128xi32, #tpu.memory_space<hbm>> -> memref<1x80x128xi32, #tpu.memory_space<hbm>>
    %dma_start3A_26 = tpu.memref_squeeze %dma_start3A_25 : memref<1x80x128xi32, #tpu.memory_space<hbm>> -> memref<80x128xi32, #tpu.memory_space<hbm>>
    %dma_start3A_27 = arith.constant 0 : i32
    %dma_start3A_28 = tpu.memref_slice %dma_start3A_26[%dma_start3A_15, %dma_start3A_27] : memref<80x128xi32, #tpu.memory_space<hbm>> -> memref<1x128xi32, #tpu.memory_space<hbm>>
    %dma_start3A_29 = tpu.memref_squeeze %dma_start3A_28 : memref<1x128xi32, #tpu.memory_space<hbm>> -> memref<128xi32, #tpu.memory_space<hbm>>
    tpu.enqueue_dma source(%dma_start3A_29 : memref<128xi32, #tpu.memory_space<hbm>>) target(%arg10 : memref<128xi32, #tpu.memory_space<vmem>>) target_semaphore(%arg17 : memref<!tpu.dma_semaphore, #tpu.memory_space<semaphore_mem>>)
    %dma_start3A_30 = arith.constant 1 : i32
    %dma_start3A_31 = arith.constant 0 : i32
    %dma_start3A_32 = arith.constant 0 : i32
    %dma_start3A_33 = tpu.memref_slice %arg3[%arg1, %dma_start3A_31, %dma_start3A_32] : memref<16x80x128xi32, #tpu.memory_space<hbm>> -> memref<1x80x128xi32, #tpu.memory_space<hbm>>
    %dma_start3A_34 = tpu.memref_squeeze %dma_start3A_33 : memref<1x80x128xi32, #tpu.memory_space<hbm>> -> memref<80x128xi32, #tpu.memory_space<hbm>>
    %dma_start3A_35 = arith.constant 0 : i32
    %dma_start3A_36 = tpu.memref_slice %dma_start3A_34[%dma_start3A_30, %dma_start3A_35] : memref<80x128xi32, #tpu.memory_space<hbm>> -> memref<1x128xi32, #tpu.memory_space<hbm>>
    %dma_start3A_37 = tpu.memref_squeeze %dma_start3A_36 : memref<1x128xi32, #tpu.memory_space<hbm>> -> memref<128xi32, #tpu.memory_space<hbm>>
    %dma_start3A_38 = arith.constant 0 : i32
    %dma_start3A_39 = arith.constant 0 : i32
    %dma_start3A_40 = tpu.memref_slice %arg3[%arg1, %dma_start3A_38, %dma_start3A_39] : memref<16x80x128xi32, #tpu.memory_space<hbm>> -> memref<1x80x128xi32, #tpu.memory_space<hbm>>
    %dma_start3A_41 = tpu.memref_squeeze %dma_start3A_40 : memref<1x80x128xi32, #tpu.memory_space<hbm>> -> memref<80x128xi32, #tpu.memory_space<hbm>>
    %dma_start3A_42 = arith.constant 0 : i32
    %dma_start3A_43 = tpu.memref_slice %dma_start3A_41[%dma_start3A_30, %dma_start3A_42] : memref<80x128xi32, #tpu.memory_space<hbm>> -> memref<1x128xi32, #tpu.memory_space<hbm>>
    %dma_start3A_44 = tpu.memref_squeeze %dma_start3A_43 : memref<1x128xi32, #tpu.memory_space<hbm>> -> memref<128xi32, #tpu.memory_space<hbm>>
    tpu.enqueue_dma source(%dma_start3A_44 : memref<128xi32, #tpu.memory_space<hbm>>) target(%arg7 : memref<128xi32, #tpu.memory_space<vmem>>) target_semaphore(%arg18 : memref<!tpu.dma_semaphore, #tpu.memory_space<semaphore_mem>>)
    %dma_start3A_45 = arith.constant 1 : i32
    %dma_start3A_46 = arith.constant 0 : i32
    %dma_start3A_47 = arith.constant 0 : i32
    %dma_start3A_48 = tpu.memref_slice %arg4[%arg1, %dma_start3A_46, %dma_start3A_47] : memref<16x80x128xi32, #tpu.memory_space<hbm>> -> memref<1x80x128xi32, #tpu.memory_space<hbm>>
    %dma_start3A_49 = tpu.memref_squeeze %dma_start3A_48 : memref<1x80x128xi32, #tpu.memory_space<hbm>> -> memref<80x128xi32, #tpu.memory_space<hbm>>
    %dma_start3A_50 = arith.constant 0 : i32
    %dma_start3A_51 = tpu.memref_slice %dma_start3A_49[%dma_start3A_45, %dma_start3A_50] : memref<80x128xi32, #tpu.memory_space<hbm>> -> memref<1x128xi32, #tpu.memory_space<hbm>>
    %dma_start3A_52 = tpu.memref_squeeze %dma_start3A_51 : memref<1x128xi32, #tpu.memory_space<hbm>> -> memref<128xi32, #tpu.memory_space<hbm>>
    %dma_start3A_53 = arith.constant 0 : i32
    %dma_start3A_54 = arith.constant 0 : i32
    %dma_start3A_55 = tpu.memref_slice %arg4[%arg1, %dma_start3A_53, %dma_start3A_54] : memref<16x80x128xi32, #tpu.memory_space<hbm>> -> memref<1x80x128xi32, #tpu.memory_space<hbm>>
    %dma_start3A_56 = tpu.memref_squeeze %dma_start3A_55 : memref<1x80x128xi32, #tpu.memory_space<hbm>> -> memref<80x128xi32, #tpu.memory_space<hbm>>
    %dma_start3A_57 = arith.constant 0 : i32
    %dma_start3A_58 = tpu.memref_slice %dma_start3A_56[%dma_start3A_45, %dma_start3A_57] : memref<80x128xi32, #tpu.memory_space<hbm>> -> memref<1x128xi32, #tpu.memory_space<hbm>>
    %dma_start3A_59 = tpu.memref_squeeze %dma_start3A_58 : memref<1x128xi32, #tpu.memory_space<hbm>> -> memref<128xi32, #tpu.memory_space<hbm>>
    tpu.enqueue_dma source(%dma_start3A_59 : memref<128xi32, #tpu.memory_space<hbm>>) target(%arg11 : memref<128xi32, #tpu.memory_space<vmem>>) target_semaphore(%arg18 : memref<!tpu.dma_semaphore, #tpu.memory_space<semaphore_mem>>)
    "tpu.region"() ({
      %run_scoped3A = tpu.sem_alloc : memref<!tpu.dma_semaphore, #tpu.memory_space<semaphore_mem>>
      %dma_start3A_80 = arith.constant 0 : i32
      %dma_start3A_81 = tpu.memref_slice %arg16[%mul3A_0, %dma_start3A_80] : memref<10240x128xf32, #tpu.memory_space<vmem_shared>> -> memref<640x128xf32, #tpu.memory_space<vmem_shared>>
      %dma_start3A_82 = arith.constant 0 : i32
      %dma_start3A_83 = arith.constant 0 : i32
      %dma_start3A_84 = tpu.memref_slice %arg2[%arg0, %dma_start3A_82, %dma_start3A_83] : memref<2x10240x128xf32, #tpu.memory_space<hbm>> -> memref<1x10240x128xf32, #tpu.memory_space<hbm>>
      %dma_start3A_85 = tpu.memref_squeeze %dma_start3A_84 : memref<1x10240x128xf32, #tpu.memory_space<hbm>> -> memref<10240x128xf32, #tpu.memory_space<hbm>>
      %dma_start3A_86 = arith.constant 0 : i32
      %dma_start3A_87 = tpu.memref_slice %dma_start3A_85[%mul3A_0, %dma_start3A_86] : memref<10240x128xf32, #tpu.memory_space<hbm>> -> memref<640x128xf32, #tpu.memory_space<hbm>>
      tpu.enqueue_dma source(%dma_start3A_87 : memref<640x128xf32, #tpu.memory_space<hbm>>) target(%dma_start3A_81 : memref<640x128xf32, #tpu.memory_space<vmem_shared>>) target_semaphore(%run_scoped3A : memref<!tpu.dma_semaphore, #tpu.memory_space<semaphore_mem>>)
      %dma_wait3A_88 = arith.constant 0 : i32
      %dma_wait3A_89 = tpu.memref_slice %arg16[%mul3A_0, %dma_wait3A_88] : memref<10240x128xf32, #tpu.memory_space<vmem_shared>> -> memref<640x128xf32, #tpu.memory_space<vmem_shared>>
      %dma_wait3A_90 = arith.constant 0 : i32
      %dma_wait3A_91 = arith.constant 0 : i32
      %dma_wait3A_92 = tpu.memref_slice %arg2[%arg0, %dma_wait3A_90, %dma_wait3A_91] : memref<2x10240x128xf32, #tpu.memory_space<hbm>> -> memref<1x10240x128xf32, #tpu.memory_space<hbm>>
      %dma_wait3A_93 = tpu.memref_squeeze %dma_wait3A_92 : memref<1x10240x128xf32, #tpu.memory_space<hbm>> -> memref<10240x128xf32, #tpu.memory_space<hbm>>
      %dma_wait3A_94 = arith.constant 0 : i32
      %dma_wait3A_95 = tpu.memref_slice %dma_wait3A_93[%mul3A_0, %dma_wait3A_94] : memref<10240x128xf32, #tpu.memory_space<hbm>> -> memref<640x128xf32, #tpu.memory_space<hbm>>
      tpu.wait_dma2 semaphore(%run_scoped3A : memref<!tpu.dma_semaphore, #tpu.memory_space<semaphore_mem>>) src(%dma_wait3A_95 : memref<640x128xf32, #tpu.memory_space<hbm>>) dst(%dma_wait3A_89 : memref<640x128xf32, #tpu.memory_space<vmem_shared>>)
      tpu.yield
    }) : () -> ()
    %barrier3A = arith.constant 0 : index
    tpu.barrier barrier_id(%barrier3A)
    %scan3A = arith.constant 0 : i32
    %scan3A_60 = arith.constant 20 : i32
    %scan3A_61 = arith.addi %scan3A, %scan3A_60 : i32
    %scan3A_62 = arith.constant 1 : i32
    scf.for %scan3A_80 = %scan3A to %scan3A_61 step %scan3A_62  : i32 {
      %mul3A_81 = arith.constant 4 : i32
      %mul3A_82 = arith.muli %scan3A_80, %mul3A_81 : i32
      %add3A = arith.constant 0 : i32
      %add3A_83 = arith.addi %add3A, %mul3A_82 : i32
      %add3A_84 = arith.constant 0 : i32
      %add3A_85 = arith.addi %add3A_83, %add3A_84 : i32
      %gt3A = arith.constant 0 : i32
      %gt3A_86 = arith.cmpi sgt, %add3A_83, %gt3A : i32
      %convert_element_type3A = arith.extui %gt3A_86 : i1 to i32
      %cond3A = arith.constant 0 : i32
      %cond3A_87 = arith.cmpi ne, %convert_element_type3A, %cond3A : i32
      scf.if %cond3A_87 {
        %dma_wait3A_307 = arith.constant 0 : i32
        %dma_wait3A_308 = arith.constant 0 : i32
        %dma_wait3A_309 = tpu.memref_slice %arg16[%dma_wait3A_307, %dma_wait3A_308] : memref<10240x128xf32, #tpu.memory_space<vmem_shared>> -> memref<10240x128xf32, #tpu.memory_space<vmem_shared>>
        tpu.wait_indirect_dma semaphore(%arg23 : memref<!tpu.dma_semaphore, #tpu.memory_space<semaphore_mem>>) src(%arg14 : memref<128x128xf32, #tpu.memory_space<vmem>>) dst(%dma_wait3A_309 : memref<10240x128xf32, #tpu.memory_space<vmem_shared>>)
      } else {
      }
      %add3A_88 = arith.constant 2 : i32
      %add3A_89 = arith.addi %add3A_85, %add3A_88 : i32
      %lt3A = arith.constant 80 : i32
      %lt3A_90 = arith.cmpi slt, %add3A_89, %lt3A : i32
      %convert_element_type3A_91 = arith.extui %lt3A_90 : i1 to i32
      %cond3A_92 = arith.constant 0 : i32
      %cond3A_93 = arith.cmpi ne, %convert_element_type3A_91, %cond3A_92 : i32
      scf.if %cond3A_93 {
        %add3A_307 = arith.constant 2 : i32
        %add3A_308 = arith.addi %add3A_85, %add3A_307 : i32
        %dma_start3A_309 = arith.constant 0 : i32
        %dma_start3A_310 = arith.constant 0 : i32
        %dma_start3A_311 = tpu.memref_slice %arg3[%arg1, %dma_start3A_309, %dma_start3A_310] : memref<16x80x128xi32, #tpu.memory_space<hbm>> -> memref<1x80x128xi32, #tpu.memory_space<hbm>>
        %dma_start3A_312 = tpu.memref_squeeze %dma_start3A_311 : memref<1x80x128xi32, #tpu.memory_space<hbm>> -> memref<80x128xi32, #tpu.memory_space<hbm>>
        %dma_start3A_313 = arith.constant 0 : i32
        %dma_start3A_314 = tpu.memref_slice %dma_start3A_312[%add3A_308, %dma_start3A_313] : memref<80x128xi32, #tpu.memory_space<hbm>> -> memref<1x128xi32, #tpu.memory_space<hbm>>
        %dma_start3A_315 = tpu.memref_squeeze %dma_start3A_314 : memref<1x128xi32, #tpu.memory_space<hbm>> -> memref<128xi32, #tpu.memory_space<hbm>>
        %dma_start3A_316 = arith.constant 0 : i32
        %dma_start3A_317 = arith.constant 0 : i32
        %dma_start3A_318 = tpu.memref_slice %arg3[%arg1, %dma_start3A_316, %dma_start3A_317] : memref<16x80x128xi32, #tpu.memory_space<hbm>> -> memref<1x80x128xi32, #tpu.memory_space<hbm>>
        %dma_start3A_319 = tpu.memref_squeeze %dma_start3A_318 : memref<1x80x128xi32, #tpu.memory_space<hbm>> -> memref<80x128xi32, #tpu.memory_space<hbm>>
        %dma_start3A_320 = arith.constant 0 : i32
        %dma_start3A_321 = tpu.memref_slice %dma_start3A_319[%add3A_308, %dma_start3A_320] : memref<80x128xi32, #tpu.memory_space<hbm>> -> memref<1x128xi32, #tpu.memory_space<hbm>>
        %dma_start3A_322 = tpu.memref_squeeze %dma_start3A_321 : memref<1x128xi32, #tpu.memory_space<hbm>> -> memref<128xi32, #tpu.memory_space<hbm>>
        tpu.enqueue_dma source(%dma_start3A_322 : memref<128xi32, #tpu.memory_space<hbm>>) target(%arg8 : memref<128xi32, #tpu.memory_space<vmem>>) target_semaphore(%arg19 : memref<!tpu.dma_semaphore, #tpu.memory_space<semaphore_mem>>)
        %add3A_323 = arith.constant 2 : i32
        %add3A_324 = arith.addi %add3A_85, %add3A_323 : i32
        %dma_start3A_325 = arith.constant 0 : i32
        %dma_start3A_326 = arith.constant 0 : i32
        %dma_start3A_327 = tpu.memref_slice %arg4[%arg1, %dma_start3A_325, %dma_start3A_326] : memref<16x80x128xi32, #tpu.memory_space<hbm>> -> memref<1x80x128xi32, #tpu.memory_space<hbm>>
        %dma_start3A_328 = tpu.memref_squeeze %dma_start3A_327 : memref<1x80x128xi32, #tpu.memory_space<hbm>> -> memref<80x128xi32, #tpu.memory_space<hbm>>
        %dma_start3A_329 = arith.constant 0 : i32
        %dma_start3A_330 = tpu.memref_slice %dma_start3A_328[%add3A_324, %dma_start3A_329] : memref<80x128xi32, #tpu.memory_space<hbm>> -> memref<1x128xi32, #tpu.memory_space<hbm>>
        %dma_start3A_331 = tpu.memref_squeeze %dma_start3A_330 : memref<1x128xi32, #tpu.memory_space<hbm>> -> memref<128xi32, #tpu.memory_space<hbm>>
        %dma_start3A_332 = arith.constant 0 : i32
        %dma_start3A_333 = arith.constant 0 : i32
        %dma_start3A_334 = tpu.memref_slice %arg4[%arg1, %dma_start3A_332, %dma_start3A_333] : memref<16x80x128xi32, #tpu.memory_space<hbm>> -> memref<1x80x128xi32, #tpu.memory_space<hbm>>
        %dma_start3A_335 = tpu.memref_squeeze %dma_start3A_334 : memref<1x80x128xi32, #tpu.memory_space<hbm>> -> memref<80x128xi32, #tpu.memory_space<hbm>>
        %dma_start3A_336 = arith.constant 0 : i32
        %dma_start3A_337 = tpu.memref_slice %dma_start3A_335[%add3A_324, %dma_start3A_336] : memref<80x128xi32, #tpu.memory_space<hbm>> -> memref<1x128xi32, #tpu.memory_space<hbm>>
        %dma_start3A_338 = tpu.memref_squeeze %dma_start3A_337 : memref<1x128xi32, #tpu.memory_space<hbm>> -> memref<128xi32, #tpu.memory_space<hbm>>
        tpu.enqueue_dma source(%dma_start3A_338 : memref<128xi32, #tpu.memory_space<hbm>>) target(%arg12 : memref<128xi32, #tpu.memory_space<vmem>>) target_semaphore(%arg19 : memref<!tpu.dma_semaphore, #tpu.memory_space<semaphore_mem>>)
      } else {
      }
      %dma_wait3A_94 = arith.constant 0 : i32
      %dma_wait3A_95 = arith.constant 0 : i32
      %dma_wait3A_96 = tpu.memref_slice %arg3[%arg1, %dma_wait3A_94, %dma_wait3A_95] : memref<16x80x128xi32, #tpu.memory_space<hbm>> -> memref<1x80x128xi32, #tpu.memory_space<hbm>>
      %dma_wait3A_97 = tpu.memref_squeeze %dma_wait3A_96 : memref<1x80x128xi32, #tpu.memory_space<hbm>> -> memref<80x128xi32, #tpu.memory_space<hbm>>
      %dma_wait3A_98 = arith.constant 0 : i32
      %dma_wait3A_99 = tpu.memref_slice %dma_wait3A_97[%add3A_85, %dma_wait3A_98] : memref<80x128xi32, #tpu.memory_space<hbm>> -> memref<1x128xi32, #tpu.memory_space<hbm>>
      %dma_wait3A_100 = tpu.memref_squeeze %dma_wait3A_99 : memref<1x128xi32, #tpu.memory_space<hbm>> -> memref<128xi32, #tpu.memory_space<hbm>>
      %dma_wait3A_101 = arith.constant 0 : i32
      %dma_wait3A_102 = arith.constant 0 : i32
      %dma_wait3A_103 = tpu.memref_slice %arg3[%arg1, %dma_wait3A_101, %dma_wait3A_102] : memref<16x80x128xi32, #tpu.memory_space<hbm>> -> memref<1x80x128xi32, #tpu.memory_space<hbm>>
      %dma_wait3A_104 = tpu.memref_squeeze %dma_wait3A_103 : memref<1x80x128xi32, #tpu.memory_space<hbm>> -> memref<80x128xi32, #tpu.memory_space<hbm>>
      %dma_wait3A_105 = arith.constant 0 : i32
      %dma_wait3A_106 = tpu.memref_slice %dma_wait3A_104[%add3A_85, %dma_wait3A_105] : memref<80x128xi32, #tpu.memory_space<hbm>> -> memref<1x128xi32, #tpu.memory_space<hbm>>
      %dma_wait3A_107 = tpu.memref_squeeze %dma_wait3A_106 : memref<1x128xi32, #tpu.memory_space<hbm>> -> memref<128xi32, #tpu.memory_space<hbm>>
      tpu.wait_dma2 semaphore(%arg17 : memref<!tpu.dma_semaphore, #tpu.memory_space<semaphore_mem>>) src(%dma_wait3A_107 : memref<128xi32, #tpu.memory_space<hbm>>) dst(%arg6 : memref<128xi32, #tpu.memory_space<vmem>>)
      %dma_wait3A_108 = arith.constant 0 : i32
      %dma_wait3A_109 = arith.constant 0 : i32
      %dma_wait3A_110 = tpu.memref_slice %arg4[%arg1, %dma_wait3A_108, %dma_wait3A_109] : memref<16x80x128xi32, #tpu.memory_space<hbm>> -> memref<1x80x128xi32, #tpu.memory_space<hbm>>
      %dma_wait3A_111 = tpu.memref_squeeze %dma_wait3A_110 : memref<1x80x128xi32, #tpu.memory_space<hbm>> -> memref<80x128xi32, #tpu.memory_space<hbm>>
      %dma_wait3A_112 = arith.constant 0 : i32
      %dma_wait3A_113 = tpu.memref_slice %dma_wait3A_111[%add3A_85, %dma_wait3A_112] : memref<80x128xi32, #tpu.memory_space<hbm>> -> memref<1x128xi32, #tpu.memory_space<hbm>>
      %dma_wait3A_114 = tpu.memref_squeeze %dma_wait3A_113 : memref<1x128xi32, #tpu.memory_space<hbm>> -> memref<128xi32, #tpu.memory_space<hbm>>
      %dma_wait3A_115 = arith.constant 0 : i32
      %dma_wait3A_116 = arith.constant 0 : i32
      %dma_wait3A_117 = tpu.memref_slice %arg4[%arg1, %dma_wait3A_115, %dma_wait3A_116] : memref<16x80x128xi32, #tpu.memory_space<hbm>> -> memref<1x80x128xi32, #tpu.memory_space<hbm>>
      %dma_wait3A_118 = tpu.memref_squeeze %dma_wait3A_117 : memref<1x80x128xi32, #tpu.memory_space<hbm>> -> memref<80x128xi32, #tpu.memory_space<hbm>>
      %dma_wait3A_119 = arith.constant 0 : i32
      %dma_wait3A_120 = tpu.memref_slice %dma_wait3A_118[%add3A_85, %dma_wait3A_119] : memref<80x128xi32, #tpu.memory_space<hbm>> -> memref<1x128xi32, #tpu.memory_space<hbm>>
      %dma_wait3A_121 = tpu.memref_squeeze %dma_wait3A_120 : memref<1x128xi32, #tpu.memory_space<hbm>> -> memref<128xi32, #tpu.memory_space<hbm>>
      tpu.wait_dma2 semaphore(%arg17 : memref<!tpu.dma_semaphore, #tpu.memory_space<semaphore_mem>>) src(%dma_wait3A_121 : memref<128xi32, #tpu.memory_space<hbm>>) dst(%arg10 : memref<128xi32, #tpu.memory_space<vmem>>)
      %dma_start3A_122 = arith.constant 0 : i32
      %dma_start3A_123 = arith.constant 0 : i32
      %dma_start3A_124 = tpu.memref_slice %arg2[%arg0, %dma_start3A_122, %dma_start3A_123] : memref<2x10240x128xf32, #tpu.memory_space<hbm>> -> memref<1x10240x128xf32, #tpu.memory_space<hbm>>
      %dma_start3A_125 = tpu.memref_squeeze %dma_start3A_124 : memref<1x10240x128xf32, #tpu.memory_space<hbm>> -> memref<10240x128xf32, #tpu.memory_space<hbm>>
      %dma_start3A_126 = arith.constant 0 : i32
      %dma_start3A_127 = arith.constant 0 : i32
      %dma_start3A_128 = tpu.memref_slice %dma_start3A_125[%dma_start3A_126, %dma_start3A_127] : memref<10240x128xf32, #tpu.memory_space<hbm>> -> memref<10240x128xf32, #tpu.memory_space<hbm>>
      tpu.enqueue_indirect_dma source(%dma_start3A_128 : memref<10240x128xf32, #tpu.memory_space<hbm>>) target(%arg14 : memref<128x128xf32, #tpu.memory_space<vmem>>) offsets(%arg6 : memref<128xi32, #tpu.memory_space<vmem>>) semaphore(%arg21 : memref<!tpu.dma_semaphore, #tpu.memory_space<semaphore_mem>>)
      %gt3A_129 = arith.constant 0 : i32
      %gt3A_130 = arith.cmpi sgt, %add3A_83, %gt3A_129 : i32
      %convert_element_type3A_131 = arith.extui %gt3A_130 : i1 to i32
      %cond3A_132 = arith.constant 0 : i32
      %cond3A_133 = arith.cmpi ne, %convert_element_type3A_131, %cond3A_132 : i32
      scf.if %cond3A_133 {
        %dma_wait3A_307 = arith.constant 0 : i32
        %dma_wait3A_308 = arith.constant 0 : i32
        %dma_wait3A_309 = tpu.memref_slice %arg2[%arg0, %dma_wait3A_307, %dma_wait3A_308] : memref<2x10240x128xf32, #tpu.memory_space<hbm>> -> memref<1x10240x128xf32, #tpu.memory_space<hbm>>
        %dma_wait3A_310 = tpu.memref_squeeze %dma_wait3A_309 : memref<1x10240x128xf32, #tpu.memory_space<hbm>> -> memref<10240x128xf32, #tpu.memory_space<hbm>>
        %dma_wait3A_311 = arith.constant 0 : i32
        %dma_wait3A_312 = arith.constant 0 : i32
        %dma_wait3A_313 = tpu.memref_slice %dma_wait3A_310[%dma_wait3A_311, %dma_wait3A_312] : memref<10240x128xf32, #tpu.memory_space<hbm>> -> memref<10240x128xf32, #tpu.memory_space<hbm>>
        tpu.wait_indirect_dma semaphore(%arg22 : memref<!tpu.dma_semaphore, #tpu.memory_space<semaphore_mem>>) src(%dma_wait3A_313 : memref<10240x128xf32, #tpu.memory_space<hbm>>) dst(%arg15 : memref<128x128xf32, #tpu.memory_space<vmem>>)
        %dma_start3A_314 = arith.constant 0 : i32
        %dma_start3A_315 = arith.constant 0 : i32
        %dma_start3A_316 = tpu.memref_slice %arg16[%dma_start3A_314, %dma_start3A_315] : memref<10240x128xf32, #tpu.memory_space<vmem_shared>> -> memref<10240x128xf32, #tpu.memory_space<vmem_shared>>
        tpu.enqueue_indirect_dma source(%arg15 : memref<128x128xf32, #tpu.memory_space<vmem>>) target(%dma_start3A_316 : memref<10240x128xf32, #tpu.memory_space<vmem_shared>>) offsets(%arg13 : memref<128xi32, #tpu.memory_space<vmem>>) semaphore(%arg24 : memref<!tpu.dma_semaphore, #tpu.memory_space<semaphore_mem>>) {add = true}
      } else {
      }
      %add3A_134 = arith.constant 1 : i32
      %add3A_135 = arith.addi %add3A_83, %add3A_134 : i32
      %gt3A_136 = arith.constant 0 : i32
      %gt3A_137 = arith.cmpi sgt, %add3A_83, %gt3A_136 : i32
      %convert_element_type3A_138 = arith.extui %gt3A_137 : i1 to i32
      %cond3A_139 = arith.constant 0 : i32
      %cond3A_140 = arith.cmpi ne, %convert_element_type3A_138, %cond3A_139 : i32
      scf.if %cond3A_140 {
        %dma_wait3A_307 = arith.constant 0 : i32
        %dma_wait3A_308 = arith.constant 0 : i32
        %dma_wait3A_309 = tpu.memref_slice %arg16[%dma_wait3A_307, %dma_wait3A_308] : memref<10240x128xf32, #tpu.memory_space<vmem_shared>> -> memref<10240x128xf32, #tpu.memory_space<vmem_shared>>
        tpu.wait_indirect_dma semaphore(%arg24 : memref<!tpu.dma_semaphore, #tpu.memory_space<semaphore_mem>>) src(%arg15 : memref<128x128xf32, #tpu.memory_space<vmem>>) dst(%dma_wait3A_309 : memref<10240x128xf32, #tpu.memory_space<vmem_shared>>)
      } else {
      }
      %add3A_141 = arith.constant 2 : i32
      %add3A_142 = arith.addi %add3A_135, %add3A_141 : i32
      %lt3A_143 = arith.constant 80 : i32
      %lt3A_144 = arith.cmpi slt, %add3A_142, %lt3A_143 : i32
      %convert_element_type3A_145 = arith.extui %lt3A_144 : i1 to i32
      %cond3A_146 = arith.constant 0 : i32
      %cond3A_147 = arith.cmpi ne, %convert_element_type3A_145, %cond3A_146 : i32
      scf.if %cond3A_147 {
        %add3A_307 = arith.constant 2 : i32
        %add3A_308 = arith.addi %add3A_135, %add3A_307 : i32
        %dma_start3A_309 = arith.constant 0 : i32
        %dma_start3A_310 = arith.constant 0 : i32
        %dma_start3A_311 = tpu.memref_slice %arg3[%arg1, %dma_start3A_309, %dma_start3A_310] : memref<16x80x128xi32, #tpu.memory_space<hbm>> -> memref<1x80x128xi32, #tpu.memory_space<hbm>>
        %dma_start3A_312 = tpu.memref_squeeze %dma_start3A_311 : memref<1x80x128xi32, #tpu.memory_space<hbm>> -> memref<80x128xi32, #tpu.memory_space<hbm>>
        %dma_start3A_313 = arith.constant 0 : i32
        %dma_start3A_314 = tpu.memref_slice %dma_start3A_312[%add3A_308, %dma_start3A_313] : memref<80x128xi32, #tpu.memory_space<hbm>> -> memref<1x128xi32, #tpu.memory_space<hbm>>
        %dma_start3A_315 = tpu.memref_squeeze %dma_start3A_314 : memref<1x128xi32, #tpu.memory_space<hbm>> -> memref<128xi32, #tpu.memory_space<hbm>>
        %dma_start3A_316 = arith.constant 0 : i32
        %dma_start3A_317 = arith.constant 0 : i32
        %dma_start3A_318 = tpu.memref_slice %arg3[%arg1, %dma_start3A_316, %dma_start3A_317] : memref<16x80x128xi32, #tpu.memory_space<hbm>> -> memref<1x80x128xi32, #tpu.memory_space<hbm>>
        %dma_start3A_319 = tpu.memref_squeeze %dma_start3A_318 : memref<1x80x128xi32, #tpu.memory_space<hbm>> -> memref<80x128xi32, #tpu.memory_space<hbm>>
        %dma_start3A_320 = arith.constant 0 : i32
        %dma_start3A_321 = tpu.memref_slice %dma_start3A_319[%add3A_308, %dma_start3A_320] : memref<80x128xi32, #tpu.memory_space<hbm>> -> memref<1x128xi32, #tpu.memory_space<hbm>>
        %dma_start3A_322 = tpu.memref_squeeze %dma_start3A_321 : memref<1x128xi32, #tpu.memory_space<hbm>> -> memref<128xi32, #tpu.memory_space<hbm>>
        tpu.enqueue_dma source(%dma_start3A_322 : memref<128xi32, #tpu.memory_space<hbm>>) target(%arg9 : memref<128xi32, #tpu.memory_space<vmem>>) target_semaphore(%arg20 : memref<!tpu.dma_semaphore, #tpu.memory_space<semaphore_mem>>)
        %add3A_323 = arith.constant 2 : i32
        %add3A_324 = arith.addi %add3A_135, %add3A_323 : i32
        %dma_start3A_325 = arith.constant 0 : i32
        %dma_start3A_326 = arith.constant 0 : i32
        %dma_start3A_327 = tpu.memref_slice %arg4[%arg1, %dma_start3A_325, %dma_start3A_326] : memref<16x80x128xi32, #tpu.memory_space<hbm>> -> memref<1x80x128xi32, #tpu.memory_space<hbm>>
        %dma_start3A_328 = tpu.memref_squeeze %dma_start3A_327 : memref<1x80x128xi32, #tpu.memory_space<hbm>> -> memref<80x128xi32, #tpu.memory_space<hbm>>
        %dma_start3A_329 = arith.constant 0 : i32
        %dma_start3A_330 = tpu.memref_slice %dma_start3A_328[%add3A_324, %dma_start3A_329] : memref<80x128xi32, #tpu.memory_space<hbm>> -> memref<1x128xi32, #tpu.memory_space<hbm>>
        %dma_start3A_331 = tpu.memref_squeeze %dma_start3A_330 : memref<1x128xi32, #tpu.memory_space<hbm>> -> memref<128xi32, #tpu.memory_space<hbm>>
        %dma_start3A_332 = arith.constant 0 : i32
        %dma_start3A_333 = arith.constant 0 : i32
        %dma_start3A_334 = tpu.memref_slice %arg4[%arg1, %dma_start3A_332, %dma_start3A_333] : memref<16x80x128xi32, #tpu.memory_space<hbm>> -> memref<1x80x128xi32, #tpu.memory_space<hbm>>
        %dma_start3A_335 = tpu.memref_squeeze %dma_start3A_334 : memref<1x80x128xi32, #tpu.memory_space<hbm>> -> memref<80x128xi32, #tpu.memory_space<hbm>>
        %dma_start3A_336 = arith.constant 0 : i32
        %dma_start3A_337 = tpu.memref_slice %dma_start3A_335[%add3A_324, %dma_start3A_336] : memref<80x128xi32, #tpu.memory_space<hbm>> -> memref<1x128xi32, #tpu.memory_space<hbm>>
        %dma_start3A_338 = tpu.memref_squeeze %dma_start3A_337 : memref<1x128xi32, #tpu.memory_space<hbm>> -> memref<128xi32, #tpu.memory_space<hbm>>
        tpu.enqueue_dma source(%dma_start3A_338 : memref<128xi32, #tpu.memory_space<hbm>>) target(%arg13 : memref<128xi32, #tpu.memory_space<vmem>>) target_semaphore(%arg20 : memref<!tpu.dma_semaphore, #tpu.memory_space<semaphore_mem>>)
      } else {
      }
      %dma_wait3A_148 = arith.constant 0 : i32
      %dma_wait3A_149 = arith.constant 0 : i32
      %dma_wait3A_150 = tpu.memref_slice %arg3[%arg1, %dma_wait3A_148, %dma_wait3A_149] : memref<16x80x128xi32, #tpu.memory_space<hbm>> -> memref<1x80x128xi32, #tpu.memory_space<hbm>>
      %dma_wait3A_151 = tpu.memref_squeeze %dma_wait3A_150 : memref<1x80x128xi32, #tpu.memory_space<hbm>> -> memref<80x128xi32, #tpu.memory_space<hbm>>
      %dma_wait3A_152 = arith.constant 0 : i32
      %dma_wait3A_153 = tpu.memref_slice %dma_wait3A_151[%add3A_135, %dma_wait3A_152] : memref<80x128xi32, #tpu.memory_space<hbm>> -> memref<1x128xi32, #tpu.memory_space<hbm>>
      %dma_wait3A_154 = tpu.memref_squeeze %dma_wait3A_153 : memref<1x128xi32, #tpu.memory_space<hbm>> -> memref<128xi32, #tpu.memory_space<hbm>>
      %dma_wait3A_155 = arith.constant 0 : i32
      %dma_wait3A_156 = arith.constant 0 : i32
      %dma_wait3A_157 = tpu.memref_slice %arg3[%arg1, %dma_wait3A_155, %dma_wait3A_156] : memref<16x80x128xi32, #tpu.memory_space<hbm>> -> memref<1x80x128xi32, #tpu.memory_space<hbm>>
      %dma_wait3A_158 = tpu.memref_squeeze %dma_wait3A_157 : memref<1x80x128xi32, #tpu.memory_space<hbm>> -> memref<80x128xi32, #tpu.memory_space<hbm>>
      %dma_wait3A_159 = arith.constant 0 : i32
      %dma_wait3A_160 = tpu.memref_slice %dma_wait3A_158[%add3A_135, %dma_wait3A_159] : memref<80x128xi32, #tpu.memory_space<hbm>> -> memref<1x128xi32, #tpu.memory_space<hbm>>
      %dma_wait3A_161 = tpu.memref_squeeze %dma_wait3A_160 : memref<1x128xi32, #tpu.memory_space<hbm>> -> memref<128xi32, #tpu.memory_space<hbm>>
      tpu.wait_dma2 semaphore(%arg18 : memref<!tpu.dma_semaphore, #tpu.memory_space<semaphore_mem>>) src(%dma_wait3A_161 : memref<128xi32, #tpu.memory_space<hbm>>) dst(%arg7 : memref<128xi32, #tpu.memory_space<vmem>>)
      %dma_wait3A_162 = arith.constant 0 : i32
      %dma_wait3A_163 = arith.constant 0 : i32
      %dma_wait3A_164 = tpu.memref_slice %arg4[%arg1, %dma_wait3A_162, %dma_wait3A_163] : memref<16x80x128xi32, #tpu.memory_space<hbm>> -> memref<1x80x128xi32, #tpu.memory_space<hbm>>
      %dma_wait3A_165 = tpu.memref_squeeze %dma_wait3A_164 : memref<1x80x128xi32, #tpu.memory_space<hbm>> -> memref<80x128xi32, #tpu.memory_space<hbm>>
      %dma_wait3A_166 = arith.constant 0 : i32
      %dma_wait3A_167 = tpu.memref_slice %dma_wait3A_165[%add3A_135, %dma_wait3A_166] : memref<80x128xi32, #tpu.memory_space<hbm>> -> memref<1x128xi32, #tpu.memory_space<hbm>>
      %dma_wait3A_168 = tpu.memref_squeeze %dma_wait3A_167 : memref<1x128xi32, #tpu.memory_space<hbm>> -> memref<128xi32, #tpu.memory_space<hbm>>
      %dma_wait3A_169 = arith.constant 0 : i32
      %dma_wait3A_170 = arith.constant 0 : i32
      %dma_wait3A_171 = tpu.memref_slice %arg4[%arg1, %dma_wait3A_169, %dma_wait3A_170] : memref<16x80x128xi32, #tpu.memory_space<hbm>> -> memref<1x80x128xi32, #tpu.memory_space<hbm>>
      %dma_wait3A_172 = tpu.memref_squeeze %dma_wait3A_171 : memref<1x80x128xi32, #tpu.memory_space<hbm>> -> memref<80x128xi32, #tpu.memory_space<hbm>>
      %dma_wait3A_173 = arith.constant 0 : i32
      %dma_wait3A_174 = tpu.memref_slice %dma_wait3A_172[%add3A_135, %dma_wait3A_173] : memref<80x128xi32, #tpu.memory_space<hbm>> -> memref<1x128xi32, #tpu.memory_space<hbm>>
      %dma_wait3A_175 = tpu.memref_squeeze %dma_wait3A_174 : memref<1x128xi32, #tpu.memory_space<hbm>> -> memref<128xi32, #tpu.memory_space<hbm>>
      tpu.wait_dma2 semaphore(%arg18 : memref<!tpu.dma_semaphore, #tpu.memory_space<semaphore_mem>>) src(%dma_wait3A_175 : memref<128xi32, #tpu.memory_space<hbm>>) dst(%arg11 : memref<128xi32, #tpu.memory_space<vmem>>)
      %dma_start3A_176 = arith.constant 0 : i32
      %dma_start3A_177 = arith.constant 0 : i32
      %dma_start3A_178 = tpu.memref_slice %arg2[%arg0, %dma_start3A_176, %dma_start3A_177] : memref<2x10240x128xf32, #tpu.memory_space<hbm>> -> memref<1x10240x128xf32, #tpu.memory_space<hbm>>
      %dma_start3A_179 = tpu.memref_squeeze %dma_start3A_178 : memref<1x10240x128xf32, #tpu.memory_space<hbm>> -> memref<10240x128xf32, #tpu.memory_space<hbm>>
      %dma_start3A_180 = arith.constant 0 : i32
      %dma_start3A_181 = arith.constant 0 : i32
      %dma_start3A_182 = tpu.memref_slice %dma_start3A_179[%dma_start3A_180, %dma_start3A_181] : memref<10240x128xf32, #tpu.memory_space<hbm>> -> memref<10240x128xf32, #tpu.memory_space<hbm>>
      tpu.enqueue_indirect_dma source(%dma_start3A_182 : memref<10240x128xf32, #tpu.memory_space<hbm>>) target(%arg15 : memref<128x128xf32, #tpu.memory_space<vmem>>) offsets(%arg7 : memref<128xi32, #tpu.memory_space<vmem>>) semaphore(%arg22 : memref<!tpu.dma_semaphore, #tpu.memory_space<semaphore_mem>>)
      %dma_wait3A_183 = arith.constant 0 : i32
      %dma_wait3A_184 = arith.constant 0 : i32
      %dma_wait3A_185 = tpu.memref_slice %arg2[%arg0, %dma_wait3A_183, %dma_wait3A_184] : memref<2x10240x128xf32, #tpu.memory_space<hbm>> -> memref<1x10240x128xf32, #tpu.memory_space<hbm>>
      %dma_wait3A_186 = tpu.memref_squeeze %dma_wait3A_185 : memref<1x10240x128xf32, #tpu.memory_space<hbm>> -> memref<10240x128xf32, #tpu.memory_space<hbm>>
      %dma_wait3A_187 = arith.constant 0 : i32
      %dma_wait3A_188 = arith.constant 0 : i32
      %dma_wait3A_189 = tpu.memref_slice %dma_wait3A_186[%dma_wait3A_187, %dma_wait3A_188] : memref<10240x128xf32, #tpu.memory_space<hbm>> -> memref<10240x128xf32, #tpu.memory_space<hbm>>
      tpu.wait_indirect_dma semaphore(%arg21 : memref<!tpu.dma_semaphore, #tpu.memory_space<semaphore_mem>>) src(%dma_wait3A_189 : memref<10240x128xf32, #tpu.memory_space<hbm>>) dst(%arg14 : memref<128x128xf32, #tpu.memory_space<vmem>>)
      %dma_start3A_190 = arith.constant 0 : i32
      %dma_start3A_191 = arith.constant 0 : i32
      %dma_start3A_192 = tpu.memref_slice %arg16[%dma_start3A_190, %dma_start3A_191] : memref<10240x128xf32, #tpu.memory_space<vmem_shared>> -> memref<10240x128xf32, #tpu.memory_space<vmem_shared>>
      tpu.enqueue_indirect_dma source(%arg14 : memref<128x128xf32, #tpu.memory_space<vmem>>) target(%dma_start3A_192 : memref<10240x128xf32, #tpu.memory_space<vmem_shared>>) offsets(%arg10 : memref<128xi32, #tpu.memory_space<vmem>>) semaphore(%arg23 : memref<!tpu.dma_semaphore, #tpu.memory_space<semaphore_mem>>) {add = true}
      %add3A_193 = arith.constant 2 : i32
      %add3A_194 = arith.addi %add3A_83, %add3A_193 : i32
      %dma_wait3A_195 = arith.constant 0 : i32
      %dma_wait3A_196 = arith.constant 0 : i32
      %dma_wait3A_197 = tpu.memref_slice %arg16[%dma_wait3A_195, %dma_wait3A_196] : memref<10240x128xf32, #tpu.memory_space<vmem_shared>> -> memref<10240x128xf32, #tpu.memory_space<vmem_shared>>
      tpu.wait_indirect_dma semaphore(%arg23 : memref<!tpu.dma_semaphore, #tpu.memory_space<semaphore_mem>>) src(%arg14 : memref<128x128xf32, #tpu.memory_space<vmem>>) dst(%dma_wait3A_197 : memref<10240x128xf32, #tpu.memory_space<vmem_shared>>)
      %add3A_198 = arith.constant 2 : i32
      %add3A_199 = arith.addi %add3A_194, %add3A_198 : i32
      %lt3A_200 = arith.constant 80 : i32
      %lt3A_201 = arith.cmpi slt, %add3A_199, %lt3A_200 : i32
      %convert_element_type3A_202 = arith.extui %lt3A_201 : i1 to i32
      %cond3A_203 = arith.constant 0 : i32
      %cond3A_204 = arith.cmpi ne, %convert_element_type3A_202, %cond3A_203 : i32
      scf.if %cond3A_204 {
        %add3A_307 = arith.constant 2 : i32
        %add3A_308 = arith.addi %add3A_194, %add3A_307 : i32
        %dma_start3A_309 = arith.constant 0 : i32
        %dma_start3A_310 = arith.constant 0 : i32
        %dma_start3A_311 = tpu.memref_slice %arg3[%arg1, %dma_start3A_309, %dma_start3A_310] : memref<16x80x128xi32, #tpu.memory_space<hbm>> -> memref<1x80x128xi32, #tpu.memory_space<hbm>>
        %dma_start3A_312 = tpu.memref_squeeze %dma_start3A_311 : memref<1x80x128xi32, #tpu.memory_space<hbm>> -> memref<80x128xi32, #tpu.memory_space<hbm>>
        %dma_start3A_313 = arith.constant 0 : i32
        %dma_start3A_314 = tpu.memref_slice %dma_start3A_312[%add3A_308, %dma_start3A_313] : memref<80x128xi32, #tpu.memory_space<hbm>> -> memref<1x128xi32, #tpu.memory_space<hbm>>
        %dma_start3A_315 = tpu.memref_squeeze %dma_start3A_314 : memref<1x128xi32, #tpu.memory_space<hbm>> -> memref<128xi32, #tpu.memory_space<hbm>>
        %dma_start3A_316 = arith.constant 0 : i32
        %dma_start3A_317 = arith.constant 0 : i32
        %dma_start3A_318 = tpu.memref_slice %arg3[%arg1, %dma_start3A_316, %dma_start3A_317] : memref<16x80x128xi32, #tpu.memory_space<hbm>> -> memref<1x80x128xi32, #tpu.memory_space<hbm>>
        %dma_start3A_319 = tpu.memref_squeeze %dma_start3A_318 : memref<1x80x128xi32, #tpu.memory_space<hbm>> -> memref<80x128xi32, #tpu.memory_space<hbm>>
        %dma_start3A_320 = arith.constant 0 : i32
        %dma_start3A_321 = tpu.memref_slice %dma_start3A_319[%add3A_308, %dma_start3A_320] : memref<80x128xi32, #tpu.memory_space<hbm>> -> memref<1x128xi32, #tpu.memory_space<hbm>>
        %dma_start3A_322 = tpu.memref_squeeze %dma_start3A_321 : memref<1x128xi32, #tpu.memory_space<hbm>> -> memref<128xi32, #tpu.memory_space<hbm>>
        tpu.enqueue_dma source(%dma_start3A_322 : memref<128xi32, #tpu.memory_space<hbm>>) target(%arg6 : memref<128xi32, #tpu.memory_space<vmem>>) target_semaphore(%arg17 : memref<!tpu.dma_semaphore, #tpu.memory_space<semaphore_mem>>)
        %add3A_323 = arith.constant 2 : i32
        %add3A_324 = arith.addi %add3A_194, %add3A_323 : i32
        %dma_start3A_325 = arith.constant 0 : i32
        %dma_start3A_326 = arith.constant 0 : i32
        %dma_start3A_327 = tpu.memref_slice %arg4[%arg1, %dma_start3A_325, %dma_start3A_326] : memref<16x80x128xi32, #tpu.memory_space<hbm>> -> memref<1x80x128xi32, #tpu.memory_space<hbm>>
        %dma_start3A_328 = tpu.memref_squeeze %dma_start3A_327 : memref<1x80x128xi32, #tpu.memory_space<hbm>> -> memref<80x128xi32, #tpu.memory_space<hbm>>
        %dma_start3A_329 = arith.constant 0 : i32
        %dma_start3A_330 = tpu.memref_slice %dma_start3A_328[%add3A_324, %dma_start3A_329] : memref<80x128xi32, #tpu.memory_space<hbm>> -> memref<1x128xi32, #tpu.memory_space<hbm>>
        %dma_start3A_331 = tpu.memref_squeeze %dma_start3A_330 : memref<1x128xi32, #tpu.memory_space<hbm>> -> memref<128xi32, #tpu.memory_space<hbm>>
        %dma_start3A_332 = arith.constant 0 : i32
        %dma_start3A_333 = arith.constant 0 : i32
        %dma_start3A_334 = tpu.memref_slice %arg4[%arg1, %dma_start3A_332, %dma_start3A_333] : memref<16x80x128xi32, #tpu.memory_space<hbm>> -> memref<1x80x128xi32, #tpu.memory_space<hbm>>
        %dma_start3A_335 = tpu.memref_squeeze %dma_start3A_334 : memref<1x80x128xi32, #tpu.memory_space<hbm>> -> memref<80x128xi32, #tpu.memory_space<hbm>>
        %dma_start3A_336 = arith.constant 0 : i32
        %dma_start3A_337 = tpu.memref_slice %dma_start3A_335[%add3A_324, %dma_start3A_336] : memref<80x128xi32, #tpu.memory_space<hbm>> -> memref<1x128xi32, #tpu.memory_space<hbm>>
        %dma_start3A_338 = tpu.memref_squeeze %dma_start3A_337 : memref<1x128xi32, #tpu.memory_space<hbm>> -> memref<128xi32, #tpu.memory_space<hbm>>
        tpu.enqueue_dma source(%dma_start3A_338 : memref<128xi32, #tpu.memory_space<hbm>>) target(%arg10 : memref<128xi32, #tpu.memory_space<vmem>>) target_semaphore(%arg17 : memref<!tpu.dma_semaphore, #tpu.memory_space<semaphore_mem>>)
      } else {
      }
      %dma_wait3A_205 = arith.constant 0 : i32
      %dma_wait3A_206 = arith.constant 0 : i32
      %dma_wait3A_207 = tpu.memref_slice %arg3[%arg1, %dma_wait3A_205, %dma_wait3A_206] : memref<16x80x128xi32, #tpu.memory_space<hbm>> -> memref<1x80x128xi32, #tpu.memory_space<hbm>>
      %dma_wait3A_208 = tpu.memref_squeeze %dma_wait3A_207 : memref<1x80x128xi32, #tpu.memory_space<hbm>> -> memref<80x128xi32, #tpu.memory_space<hbm>>
      %dma_wait3A_209 = arith.constant 0 : i32
      %dma_wait3A_210 = tpu.memref_slice %dma_wait3A_208[%add3A_194, %dma_wait3A_209] : memref<80x128xi32, #tpu.memory_space<hbm>> -> memref<1x128xi32, #tpu.memory_space<hbm>>
      %dma_wait3A_211 = tpu.memref_squeeze %dma_wait3A_210 : memref<1x128xi32, #tpu.memory_space<hbm>> -> memref<128xi32, #tpu.memory_space<hbm>>
      %dma_wait3A_212 = arith.constant 0 : i32
      %dma_wait3A_213 = arith.constant 0 : i32
      %dma_wait3A_214 = tpu.memref_slice %arg3[%arg1, %dma_wait3A_212, %dma_wait3A_213] : memref<16x80x128xi32, #tpu.memory_space<hbm>> -> memref<1x80x128xi32, #tpu.memory_space<hbm>>
      %dma_wait3A_215 = tpu.memref_squeeze %dma_wait3A_214 : memref<1x80x128xi32, #tpu.memory_space<hbm>> -> memref<80x128xi32, #tpu.memory_space<hbm>>
      %dma_wait3A_216 = arith.constant 0 : i32
      %dma_wait3A_217 = tpu.memref_slice %dma_wait3A_215[%add3A_194, %dma_wait3A_216] : memref<80x128xi32, #tpu.memory_space<hbm>> -> memref<1x128xi32, #tpu.memory_space<hbm>>
      %dma_wait3A_218 = tpu.memref_squeeze %dma_wait3A_217 : memref<1x128xi32, #tpu.memory_space<hbm>> -> memref<128xi32, #tpu.memory_space<hbm>>
      tpu.wait_dma2 semaphore(%arg19 : memref<!tpu.dma_semaphore, #tpu.memory_space<semaphore_mem>>) src(%dma_wait3A_218 : memref<128xi32, #tpu.memory_space<hbm>>) dst(%arg8 : memref<128xi32, #tpu.memory_space<vmem>>)
      %dma_wait3A_219 = arith.constant 0 : i32
      %dma_wait3A_220 = arith.constant 0 : i32
      %dma_wait3A_221 = tpu.memref_slice %arg4[%arg1, %dma_wait3A_219, %dma_wait3A_220] : memref<16x80x128xi32, #tpu.memory_space<hbm>> -> memref<1x80x128xi32, #tpu.memory_space<hbm>>
      %dma_wait3A_222 = tpu.memref_squeeze %dma_wait3A_221 : memref<1x80x128xi32, #tpu.memory_space<hbm>> -> memref<80x128xi32, #tpu.memory_space<hbm>>
      %dma_wait3A_223 = arith.constant 0 : i32
      %dma_wait3A_224 = tpu.memref_slice %dma_wait3A_222[%add3A_194, %dma_wait3A_223] : memref<80x128xi32, #tpu.memory_space<hbm>> -> memref<1x128xi32, #tpu.memory_space<hbm>>
      %dma_wait3A_225 = tpu.memref_squeeze %dma_wait3A_224 : memref<1x128xi32, #tpu.memory_space<hbm>> -> memref<128xi32, #tpu.memory_space<hbm>>
      %dma_wait3A_226 = arith.constant 0 : i32
      %dma_wait3A_227 = arith.constant 0 : i32
      %dma_wait3A_228 = tpu.memref_slice %arg4[%arg1, %dma_wait3A_226, %dma_wait3A_227] : memref<16x80x128xi32, #tpu.memory_space<hbm>> -> memref<1x80x128xi32, #tpu.memory_space<hbm>>
      %dma_wait3A_229 = tpu.memref_squeeze %dma_wait3A_228 : memref<1x80x128xi32, #tpu.memory_space<hbm>> -> memref<80x128xi32, #tpu.memory_space<hbm>>
      %dma_wait3A_230 = arith.constant 0 : i32
      %dma_wait3A_231 = tpu.memref_slice %dma_wait3A_229[%add3A_194, %dma_wait3A_230] : memref<80x128xi32, #tpu.memory_space<hbm>> -> memref<1x128xi32, #tpu.memory_space<hbm>>
      %dma_wait3A_232 = tpu.memref_squeeze %dma_wait3A_231 : memref<1x128xi32, #tpu.memory_space<hbm>> -> memref<128xi32, #tpu.memory_space<hbm>>
      tpu.wait_dma2 semaphore(%arg19 : memref<!tpu.dma_semaphore, #tpu.memory_space<semaphore_mem>>) src(%dma_wait3A_232 : memref<128xi32, #tpu.memory_space<hbm>>) dst(%arg12 : memref<128xi32, #tpu.memory_space<vmem>>)
      %dma_start3A_233 = arith.constant 0 : i32
      %dma_start3A_234 = arith.constant 0 : i32
      %dma_start3A_235 = tpu.memref_slice %arg2[%arg0, %dma_start3A_233, %dma_start3A_234] : memref<2x10240x128xf32, #tpu.memory_space<hbm>> -> memref<1x10240x128xf32, #tpu.memory_space<hbm>>
      %dma_start3A_236 = tpu.memref_squeeze %dma_start3A_235 : memref<1x10240x128xf32, #tpu.memory_space<hbm>> -> memref<10240x128xf32, #tpu.memory_space<hbm>>
      %dma_start3A_237 = arith.constant 0 : i32
      %dma_start3A_238 = arith.constant 0 : i32
      %dma_start3A_239 = tpu.memref_slice %dma_start3A_236[%dma_start3A_237, %dma_start3A_238] : memref<10240x128xf32, #tpu.memory_space<hbm>> -> memref<10240x128xf32, #tpu.memory_space<hbm>>
      tpu.enqueue_indirect_dma source(%dma_start3A_239 : memref<10240x128xf32, #tpu.memory_space<hbm>>) target(%arg14 : memref<128x128xf32, #tpu.memory_space<vmem>>) offsets(%arg8 : memref<128xi32, #tpu.memory_space<vmem>>) semaphore(%arg21 : memref<!tpu.dma_semaphore, #tpu.memory_space<semaphore_mem>>)
      %dma_wait3A_240 = arith.constant 0 : i32
      %dma_wait3A_241 = arith.constant 0 : i32
      %dma_wait3A_242 = tpu.memref_slice %arg2[%arg0, %dma_wait3A_240, %dma_wait3A_241] : memref<2x10240x128xf32, #tpu.memory_space<hbm>> -> memref<1x10240x128xf32, #tpu.memory_space<hbm>>
      %dma_wait3A_243 = tpu.memref_squeeze %dma_wait3A_242 : memref<1x10240x128xf32, #tpu.memory_space<hbm>> -> memref<10240x128xf32, #tpu.memory_space<hbm>>
      %dma_wait3A_244 = arith.constant 0 : i32
      %dma_wait3A_245 = arith.constant 0 : i32
      %dma_wait3A_246 = tpu.memref_slice %dma_wait3A_243[%dma_wait3A_244, %dma_wait3A_245] : memref<10240x128xf32, #tpu.memory_space<hbm>> -> memref<10240x128xf32, #tpu.memory_space<hbm>>
      tpu.wait_indirect_dma semaphore(%arg22 : memref<!tpu.dma_semaphore, #tpu.memory_space<semaphore_mem>>) src(%dma_wait3A_246 : memref<10240x128xf32, #tpu.memory_space<hbm>>) dst(%arg15 : memref<128x128xf32, #tpu.memory_space<vmem>>)
      %dma_start3A_247 = arith.constant 0 : i32
      %dma_start3A_248 = arith.constant 0 : i32
      %dma_start3A_249 = tpu.memref_slice %arg16[%dma_start3A_247, %dma_start3A_248] : memref<10240x128xf32, #tpu.memory_space<vmem_shared>> -> memref<10240x128xf32, #tpu.memory_space<vmem_shared>>
      tpu.enqueue_indirect_dma source(%arg15 : memref<128x128xf32, #tpu.memory_space<vmem>>) target(%dma_start3A_249 : memref<10240x128xf32, #tpu.memory_space<vmem_shared>>) offsets(%arg11 : memref<128xi32, #tpu.memory_space<vmem>>) semaphore(%arg24 : memref<!tpu.dma_semaphore, #tpu.memory_space<semaphore_mem>>) {add = true}
      %add3A_250 = arith.constant 3 : i32
      %add3A_251 = arith.addi %add3A_83, %add3A_250 : i32
      %dma_wait3A_252 = arith.constant 0 : i32
      %dma_wait3A_253 = arith.constant 0 : i32
      %dma_wait3A_254 = tpu.memref_slice %arg16[%dma_wait3A_252, %dma_wait3A_253] : memref<10240x128xf32, #tpu.memory_space<vmem_shared>> -> memref<10240x128xf32, #tpu.memory_space<vmem_shared>>
      tpu.wait_indirect_dma semaphore(%arg24 : memref<!tpu.dma_semaphore, #tpu.memory_space<semaphore_mem>>) src(%arg15 : memref<128x128xf32, #tpu.memory_space<vmem>>) dst(%dma_wait3A_254 : memref<10240x128xf32, #tpu.memory_space<vmem_shared>>)
      %add3A_255 = arith.constant 2 : i32
      %add3A_256 = arith.addi %add3A_251, %add3A_255 : i32
      %lt3A_257 = arith.constant 80 : i32
      %lt3A_258 = arith.cmpi slt, %add3A_256, %lt3A_257 : i32
      %convert_element_type3A_259 = arith.extui %lt3A_258 : i1 to i32
      %cond3A_260 = arith.constant 0 : i32
      %cond3A_261 = arith.cmpi ne, %convert_element_type3A_259, %cond3A_260 : i32
      scf.if %cond3A_261 {
        %add3A_307 = arith.constant 2 : i32
        %add3A_308 = arith.addi %add3A_251, %add3A_307 : i32
        %dma_start3A_309 = arith.constant 0 : i32
        %dma_start3A_310 = arith.constant 0 : i32
        %dma_start3A_311 = tpu.memref_slice %arg3[%arg1, %dma_start3A_309, %dma_start3A_310] : memref<16x80x128xi32, #tpu.memory_space<hbm>> -> memref<1x80x128xi32, #tpu.memory_space<hbm>>
        %dma_start3A_312 = tpu.memref_squeeze %dma_start3A_311 : memref<1x80x128xi32, #tpu.memory_space<hbm>> -> memref<80x128xi32, #tpu.memory_space<hbm>>
        %dma_start3A_313 = arith.constant 0 : i32
        %dma_start3A_314 = tpu.memref_slice %dma_start3A_312[%add3A_308, %dma_start3A_313] : memref<80x128xi32, #tpu.memory_space<hbm>> -> memref<1x128xi32, #tpu.memory_space<hbm>>
        %dma_start3A_315 = tpu.memref_squeeze %dma_start3A_314 : memref<1x128xi32, #tpu.memory_space<hbm>> -> memref<128xi32, #tpu.memory_space<hbm>>
        %dma_start3A_316 = arith.constant 0 : i32
        %dma_start3A_317 = arith.constant 0 : i32
        %dma_start3A_318 = tpu.memref_slice %arg3[%arg1, %dma_start3A_316, %dma_start3A_317] : memref<16x80x128xi32, #tpu.memory_space<hbm>> -> memref<1x80x128xi32, #tpu.memory_space<hbm>>
        %dma_start3A_319 = tpu.memref_squeeze %dma_start3A_318 : memref<1x80x128xi32, #tpu.memory_space<hbm>> -> memref<80x128xi32, #tpu.memory_space<hbm>>
        %dma_start3A_320 = arith.constant 0 : i32
        %dma_start3A_321 = tpu.memref_slice %dma_start3A_319[%add3A_308, %dma_start3A_320] : memref<80x128xi32, #tpu.memory_space<hbm>> -> memref<1x128xi32, #tpu.memory_space<hbm>>
        %dma_start3A_322 = tpu.memref_squeeze %dma_start3A_321 : memref<1x128xi32, #tpu.memory_space<hbm>> -> memref<128xi32, #tpu.memory_space<hbm>>
        tpu.enqueue_dma source(%dma_start3A_322 : memref<128xi32, #tpu.memory_space<hbm>>) target(%arg7 : memref<128xi32, #tpu.memory_space<vmem>>) target_semaphore(%arg18 : memref<!tpu.dma_semaphore, #tpu.memory_space<semaphore_mem>>)
        %add3A_323 = arith.constant 2 : i32
        %add3A_324 = arith.addi %add3A_251, %add3A_323 : i32
        %dma_start3A_325 = arith.constant 0 : i32
        %dma_start3A_326 = arith.constant 0 : i32
        %dma_start3A_327 = tpu.memref_slice %arg4[%arg1, %dma_start3A_325, %dma_start3A_326] : memref<16x80x128xi32, #tpu.memory_space<hbm>> -> memref<1x80x128xi32, #tpu.memory_space<hbm>>
        %dma_start3A_328 = tpu.memref_squeeze %dma_start3A_327 : memref<1x80x128xi32, #tpu.memory_space<hbm>> -> memref<80x128xi32, #tpu.memory_space<hbm>>
        %dma_start3A_329 = arith.constant 0 : i32
        %dma_start3A_330 = tpu.memref_slice %dma_start3A_328[%add3A_324, %dma_start3A_329] : memref<80x128xi32, #tpu.memory_space<hbm>> -> memref<1x128xi32, #tpu.memory_space<hbm>>
        %dma_start3A_331 = tpu.memref_squeeze %dma_start3A_330 : memref<1x128xi32, #tpu.memory_space<hbm>> -> memref<128xi32, #tpu.memory_space<hbm>>
        %dma_start3A_332 = arith.constant 0 : i32
        %dma_start3A_333 = arith.constant 0 : i32
        %dma_start3A_334 = tpu.memref_slice %arg4[%arg1, %dma_start3A_332, %dma_start3A_333] : memref<16x80x128xi32, #tpu.memory_space<hbm>> -> memref<1x80x128xi32, #tpu.memory_space<hbm>>
        %dma_start3A_335 = tpu.memref_squeeze %dma_start3A_334 : memref<1x80x128xi32, #tpu.memory_space<hbm>> -> memref<80x128xi32, #tpu.memory_space<hbm>>
        %dma_start3A_336 = arith.constant 0 : i32
        %dma_start3A_337 = tpu.memref_slice %dma_start3A_335[%add3A_324, %dma_start3A_336] : memref<80x128xi32, #tpu.memory_space<hbm>> -> memref<1x128xi32, #tpu.memory_space<hbm>>
        %dma_start3A_338 = tpu.memref_squeeze %dma_start3A_337 : memref<1x128xi32, #tpu.memory_space<hbm>> -> memref<128xi32, #tpu.memory_space<hbm>>
        tpu.enqueue_dma source(%dma_start3A_338 : memref<128xi32, #tpu.memory_space<hbm>>) target(%arg11 : memref<128xi32, #tpu.memory_space<vmem>>) target_semaphore(%arg18 : memref<!tpu.dma_semaphore, #tpu.memory_space<semaphore_mem>>)
      } else {
      }
      %dma_wait3A_262 = arith.constant 0 : i32
      %dma_wait3A_263 = arith.constant 0 : i32
      %dma_wait3A_264 = tpu.memref_slice %arg3[%arg1, %dma_wait3A_262, %dma_wait3A_263] : memref<16x80x128xi32, #tpu.memory_space<hbm>> -> memref<1x80x128xi32, #tpu.memory_space<hbm>>
      %dma_wait3A_265 = tpu.memref_squeeze %dma_wait3A_264 : memref<1x80x128xi32, #tpu.memory_space<hbm>> -> memref<80x128xi32, #tpu.memory_space<hbm>>
      %dma_wait3A_266 = arith.constant 0 : i32
      %dma_wait3A_267 = tpu.memref_slice %dma_wait3A_265[%add3A_251, %dma_wait3A_266] : memref<80x128xi32, #tpu.memory_space<hbm>> -> memref<1x128xi32, #tpu.memory_space<hbm>>
      %dma_wait3A_268 = tpu.memref_squeeze %dma_wait3A_267 : memref<1x128xi32, #tpu.memory_space<hbm>> -> memref<128xi32, #tpu.memory_space<hbm>>
      %dma_wait3A_269 = arith.constant 0 : i32
      %dma_wait3A_270 = arith.constant 0 : i32
      %dma_wait3A_271 = tpu.memref_slice %arg3[%arg1, %dma_wait3A_269, %dma_wait3A_270] : memref<16x80x128xi32, #tpu.memory_space<hbm>> -> memref<1x80x128xi32, #tpu.memory_space<hbm>>
      %dma_wait3A_272 = tpu.memref_squeeze %dma_wait3A_271 : memref<1x80x128xi32, #tpu.memory_space<hbm>> -> memref<80x128xi32, #tpu.memory_space<hbm>>
      %dma_wait3A_273 = arith.constant 0 : i32
      %dma_wait3A_274 = tpu.memref_slice %dma_wait3A_272[%add3A_251, %dma_wait3A_273] : memref<80x128xi32, #tpu.memory_space<hbm>> -> memref<1x128xi32, #tpu.memory_space<hbm>>
      %dma_wait3A_275 = tpu.memref_squeeze %dma_wait3A_274 : memref<1x128xi32, #tpu.memory_space<hbm>> -> memref<128xi32, #tpu.memory_space<hbm>>
      tpu.wait_dma2 semaphore(%arg20 : memref<!tpu.dma_semaphore, #tpu.memory_space<semaphore_mem>>) src(%dma_wait3A_275 : memref<128xi32, #tpu.memory_space<hbm>>) dst(%arg9 : memref<128xi32, #tpu.memory_space<vmem>>)
      %dma_wait3A_276 = arith.constant 0 : i32
      %dma_wait3A_277 = arith.constant 0 : i32
      %dma_wait3A_278 = tpu.memref_slice %arg4[%arg1, %dma_wait3A_276, %dma_wait3A_277] : memref<16x80x128xi32, #tpu.memory_space<hbm>> -> memref<1x80x128xi32, #tpu.memory_space<hbm>>
      %dma_wait3A_279 = tpu.memref_squeeze %dma_wait3A_278 : memref<1x80x128xi32, #tpu.memory_space<hbm>> -> memref<80x128xi32, #tpu.memory_space<hbm>>
      %dma_wait3A_280 = arith.constant 0 : i32
      %dma_wait3A_281 = tpu.memref_slice %dma_wait3A_279[%add3A_251, %dma_wait3A_280] : memref<80x128xi32, #tpu.memory_space<hbm>> -> memref<1x128xi32, #tpu.memory_space<hbm>>
      %dma_wait3A_282 = tpu.memref_squeeze %dma_wait3A_281 : memref<1x128xi32, #tpu.memory_space<hbm>> -> memref<128xi32, #tpu.memory_space<hbm>>
      %dma_wait3A_283 = arith.constant 0 : i32
      %dma_wait3A_284 = arith.constant 0 : i32
      %dma_wait3A_285 = tpu.memref_slice %arg4[%arg1, %dma_wait3A_283, %dma_wait3A_284] : memref<16x80x128xi32, #tpu.memory_space<hbm>> -> memref<1x80x128xi32, #tpu.memory_space<hbm>>
      %dma_wait3A_286 = tpu.memref_squeeze %dma_wait3A_285 : memref<1x80x128xi32, #tpu.memory_space<hbm>> -> memref<80x128xi32, #tpu.memory_space<hbm>>
      %dma_wait3A_287 = arith.constant 0 : i32
      %dma_wait3A_288 = tpu.memref_slice %dma_wait3A_286[%add3A_251, %dma_wait3A_287] : memref<80x128xi32, #tpu.memory_space<hbm>> -> memref<1x128xi32, #tpu.memory_space<hbm>>
      %dma_wait3A_289 = tpu.memref_squeeze %dma_wait3A_288 : memref<1x128xi32, #tpu.memory_space<hbm>> -> memref<128xi32, #tpu.memory_space<hbm>>
      tpu.wait_dma2 semaphore(%arg20 : memref<!tpu.dma_semaphore, #tpu.memory_space<semaphore_mem>>) src(%dma_wait3A_289 : memref<128xi32, #tpu.memory_space<hbm>>) dst(%arg13 : memref<128xi32, #tpu.memory_space<vmem>>)
      %dma_start3A_290 = arith.constant 0 : i32
      %dma_start3A_291 = arith.constant 0 : i32
      %dma_start3A_292 = tpu.memref_slice %arg2[%arg0, %dma_start3A_290, %dma_start3A_291] : memref<2x10240x128xf32, #tpu.memory_space<hbm>> -> memref<1x10240x128xf32, #tpu.memory_space<hbm>>
      %dma_start3A_293 = tpu.memref_squeeze %dma_start3A_292 : memref<1x10240x128xf32, #tpu.memory_space<hbm>> -> memref<10240x128xf32, #tpu.memory_space<hbm>>
      %dma_start3A_294 = arith.constant 0 : i32
      %dma_start3A_295 = arith.constant 0 : i32
      %dma_start3A_296 = tpu.memref_slice %dma_start3A_293[%dma_start3A_294, %dma_start3A_295] : memref<10240x128xf32, #tpu.memory_space<hbm>> -> memref<10240x128xf32, #tpu.memory_space<hbm>>
      tpu.enqueue_indirect_dma source(%dma_start3A_296 : memref<10240x128xf32, #tpu.memory_space<hbm>>) target(%arg15 : memref<128x128xf32, #tpu.memory_space<vmem>>) offsets(%arg9 : memref<128xi32, #tpu.memory_space<vmem>>) semaphore(%arg22 : memref<!tpu.dma_semaphore, #tpu.memory_space<semaphore_mem>>)
      %dma_wait3A_297 = arith.constant 0 : i32
      %dma_wait3A_298 = arith.constant 0 : i32
      %dma_wait3A_299 = tpu.memref_slice %arg2[%arg0, %dma_wait3A_297, %dma_wait3A_298] : memref<2x10240x128xf32, #tpu.memory_space<hbm>> -> memref<1x10240x128xf32, #tpu.memory_space<hbm>>
      %dma_wait3A_300 = tpu.memref_squeeze %dma_wait3A_299 : memref<1x10240x128xf32, #tpu.memory_space<hbm>> -> memref<10240x128xf32, #tpu.memory_space<hbm>>
      %dma_wait3A_301 = arith.constant 0 : i32
      %dma_wait3A_302 = arith.constant 0 : i32
      %dma_wait3A_303 = tpu.memref_slice %dma_wait3A_300[%dma_wait3A_301, %dma_wait3A_302] : memref<10240x128xf32, #tpu.memory_space<hbm>> -> memref<10240x128xf32, #tpu.memory_space<hbm>>
      tpu.wait_indirect_dma semaphore(%arg21 : memref<!tpu.dma_semaphore, #tpu.memory_space<semaphore_mem>>) src(%dma_wait3A_303 : memref<10240x128xf32, #tpu.memory_space<hbm>>) dst(%arg14 : memref<128x128xf32, #tpu.memory_space<vmem>>)
      %dma_start3A_304 = arith.constant 0 : i32
      %dma_start3A_305 = arith.constant 0 : i32
      %dma_start3A_306 = tpu.memref_slice %arg16[%dma_start3A_304, %dma_start3A_305] : memref<10240x128xf32, #tpu.memory_space<vmem_shared>> -> memref<10240x128xf32, #tpu.memory_space<vmem_shared>>
      tpu.enqueue_indirect_dma source(%arg14 : memref<128x128xf32, #tpu.memory_space<vmem>>) target(%dma_start3A_306 : memref<10240x128xf32, #tpu.memory_space<vmem_shared>>) offsets(%arg12 : memref<128xi32, #tpu.memory_space<vmem>>) semaphore(%arg23 : memref<!tpu.dma_semaphore, #tpu.memory_space<semaphore_mem>>) {add = true}
    }
    %scan3A_63 = arith.constant 20 : i32
    %dma_wait3A = arith.constant 0 : i32
    %dma_wait3A_64 = arith.constant 0 : i32
    %dma_wait3A_65 = tpu.memref_slice %arg2[%arg0, %dma_wait3A, %dma_wait3A_64] : memref<2x10240x128xf32, #tpu.memory_space<hbm>> -> memref<1x10240x128xf32, #tpu.memory_space<hbm>>
    %dma_wait3A_66 = tpu.memref_squeeze %dma_wait3A_65 : memref<1x10240x128xf32, #tpu.memory_space<hbm>> -> memref<10240x128xf32, #tpu.memory_space<hbm>>
    %dma_wait3A_67 = arith.constant 0 : i32
    %dma_wait3A_68 = arith.constant 0 : i32
    %dma_wait3A_69 = tpu.memref_slice %dma_wait3A_66[%dma_wait3A_67, %dma_wait3A_68] : memref<10240x128xf32, #tpu.memory_space<hbm>> -> memref<10240x128xf32, #tpu.memory_space<hbm>>
    tpu.wait_indirect_dma semaphore(%arg22 : memref<!tpu.dma_semaphore, #tpu.memory_space<semaphore_mem>>) src(%dma_wait3A_69 : memref<10240x128xf32, #tpu.memory_space<hbm>>) dst(%arg15 : memref<128x128xf32, #tpu.memory_space<vmem>>)
    %dma_start3A_70 = arith.constant 0 : i32
    %dma_start3A_71 = arith.constant 0 : i32
    %dma_start3A_72 = tpu.memref_slice %arg16[%dma_start3A_70, %dma_start3A_71] : memref<10240x128xf32, #tpu.memory_space<vmem_shared>> -> memref<10240x128xf32, #tpu.memory_space<vmem_shared>>
    tpu.enqueue_indirect_dma source(%arg15 : memref<128x128xf32, #tpu.memory_space<vmem>>) target(%dma_start3A_72 : memref<10240x128xf32, #tpu.memory_space<vmem_shared>>) offsets(%arg13 : memref<128xi32, #tpu.memory_space<vmem>>) semaphore(%arg24 : memref<!tpu.dma_semaphore, #tpu.memory_space<semaphore_mem>>) {add = true}
    %dma_wait3A_73 = arith.constant 0 : i32
    %dma_wait3A_74 = arith.constant 0 : i32
    %dma_wait3A_75 = tpu.memref_slice %arg16[%dma_wait3A_73, %dma_wait3A_74] : memref<10240x128xf32, #tpu.memory_space<vmem_shared>> -> memref<10240x128xf32, #tpu.memory_space<vmem_shared>>
    tpu.wait_indirect_dma semaphore(%arg23 : memref<!tpu.dma_semaphore, #tpu.memory_space<semaphore_mem>>) src(%arg14 : memref<128x128xf32, #tpu.memory_space<vmem>>) dst(%dma_wait3A_75 : memref<10240x128xf32, #tpu.memory_space<vmem_shared>>)
    %dma_wait3A_76 = arith.constant 0 : i32
    %dma_wait3A_77 = arith.constant 0 : i32
    %dma_wait3A_78 = tpu.memref_slice %arg16[%dma_wait3A_76, %dma_wait3A_77] : memref<10240x128xf32, #tpu.memory_space<vmem_shared>> -> memref<10240x128xf32, #tpu.memory_space<vmem_shared>>
    tpu.wait_indirect_dma semaphore(%arg24 : memref<!tpu.dma_semaphore, #tpu.memory_space<semaphore_mem>>) src(%arg15 : memref<128x128xf32, #tpu.memory_space<vmem>>) dst(%dma_wait3A_78 : memref<10240x128xf32, #tpu.memory_space<vmem_shared>>)
    %barrier3A_79 = arith.constant 0 : index
    tpu.barrier barrier_id(%barrier3A_79)
    "tpu.region"() ({
      %run_scoped3A = tpu.sem_alloc : memref<!tpu.dma_semaphore, #tpu.memory_space<semaphore_mem>>
      %dma_start3A_80 = arith.constant 0 : i32
      %dma_start3A_81 = arith.constant 0 : i32
      %dma_start3A_82 = tpu.memref_slice %arg5[%arg0, %dma_start3A_80, %dma_start3A_81] : memref<2x10240x128xf32, #tpu.memory_space<hbm>> -> memref<1x10240x128xf32, #tpu.memory_space<hbm>>
      %dma_start3A_83 = tpu.memref_squeeze %dma_start3A_82 : memref<1x10240x128xf32, #tpu.memory_space<hbm>> -> memref<10240x128xf32, #tpu.memory_space<hbm>>
      %dma_start3A_84 = arith.constant 0 : i32
      %dma_start3A_85 = tpu.memref_slice %dma_start3A_83[%mul3A_0, %dma_start3A_84] : memref<10240x128xf32, #tpu.memory_space<hbm>> -> memref<640x128xf32, #tpu.memory_space<hbm>>
      %dma_start3A_86 = arith.constant 0 : i32
      %dma_start3A_87 = tpu.memref_slice %arg16[%mul3A_0, %dma_start3A_86] : memref<10240x128xf32, #tpu.memory_space<vmem_shared>> -> memref<640x128xf32, #tpu.memory_space<vmem_shared>>
      tpu.enqueue_dma source(%dma_start3A_87 : memref<640x128xf32, #tpu.memory_space<vmem_shared>>) target(%dma_start3A_85 : memref<640x128xf32, #tpu.memory_space<hbm>>) target_semaphore(%run_scoped3A : memref<!tpu.dma_semaphore, #tpu.memory_space<semaphore_mem>>)
      %dma_wait3A_88 = arith.constant 0 : i32
      %dma_wait3A_89 = arith.constant 0 : i32
      %dma_wait3A_90 = tpu.memref_slice %arg5[%arg0, %dma_wait3A_88, %dma_wait3A_89] : memref<2x10240x128xf32, #tpu.memory_space<hbm>> -> memref<1x10240x128xf32, #tpu.memory_space<hbm>>
      %dma_wait3A_91 = tpu.memref_squeeze %dma_wait3A_90 : memref<1x10240x128xf32, #tpu.memory_space<hbm>> -> memref<10240x128xf32, #tpu.memory_space<hbm>>
      %dma_wait3A_92 = arith.constant 0 : i32
      %dma_wait3A_93 = tpu.memref_slice %dma_wait3A_91[%mul3A_0, %dma_wait3A_92] : memref<10240x128xf32, #tpu.memory_space<hbm>> -> memref<640x128xf32, #tpu.memory_space<hbm>>
      %dma_wait3A_94 = arith.constant 0 : i32
      %dma_wait3A_95 = tpu.memref_slice %arg16[%mul3A_0, %dma_wait3A_94] : memref<10240x128xf32, #tpu.memory_space<vmem_shared>> -> memref<640x128xf32, #tpu.memory_space<vmem_shared>>
      tpu.wait_dma2 semaphore(%run_scoped3A : memref<!tpu.dma_semaphore, #tpu.memory_space<semaphore_mem>>) src(%dma_wait3A_95 : memref<640x128xf32, #tpu.memory_space<vmem_shared>>) dst(%dma_wait3A_93 : memref<640x128xf32, #tpu.memory_space<hbm>>)
      tpu.yield
    }) : () -> ()
    return
  }
}

module attributes {stable_mosaic.version = 14 : i64} {
  func.func @_tc_matmul_body(%arg0: i32, %arg1: i32, %arg2: memref<1024x256xf32, #tpu.memory_space<vmem>>, %arg3: memref<1x256x128xf32, #tpu.memory_space<vmem>>, %arg4: memref<1x1024x128xf32, #tpu.memory_space<vmem>>) attributes {dimension_semantics = [#tpu.dimension_semantics<arbitrary>, #tpu.dimension_semantics<arbitrary>], iteration_bounds = array<i64: 2, 10>, scalar_prefetch = 0 : i64, scratch_operands = 0 : i64, tpu.core_type = #tpu.core_type<tc>, window_params = [{transform_indices = @transform_0, window_bounds = array<i64: 1024, 256>}, {transform_indices = @transform_1, window_bounds = array<i64: 1, 256, 128>}, {transform_indices = @transform_2, window_bounds = array<i64: 1, 1024, 128>}]} {
    %get3A = arith.constant 0 : index
    %get3A_0 = arith.constant 0 : index
    %get3A_1 = vector.load %arg2[%get3A, %get3A_0] : memref<1024x256xf32, #tpu.memory_space<vmem>>, vector<1024x256xf32>
    %get3A_2 = arith.constant 0 : index
    %get3A_3 = arith.constant 0 : index
    %get3A_4 = arith.constant 0 : index
    %get3A_5 = vector.load %arg3[%get3A_2, %get3A_3, %get3A_4] : memref<1x256x128xf32, #tpu.memory_space<vmem>>, vector<1x256x128xf32>
    %get3A_6 = vector.shape_cast %get3A_5 : vector<1x256x128xf32> to vector<256x128xf32>
    %dot_general3A = arith.constant dense<0.000000e+00> : vector<1024x128xf32>
    %dot_general3A_7 = tpu.matmul %get3A_1, %get3A_6, %dot_general3A {dimension_numbers = #tpu.dot_dimension_numbers<[1], [0], [0], [1], [0, 0, 1, 1], [], []>, transpose_lhs_hint = false} : vector<1024x256xf32>, vector<256x128xf32>, vector<1024x128xf32> -> vector<1024x128xf32>
    %swap3A = arith.constant 0 : index
    %swap3A_8 = arith.constant 0 : index
    %swap3A_9 = arith.constant 0 : index
    %swap3A_10 = vector.load %arg4[%swap3A, %swap3A_8, %swap3A_9] : memref<1x1024x128xf32, #tpu.memory_space<vmem>>, vector<1x1024x128xf32>
    %swap3A_11 = vector.shape_cast %swap3A_10 : vector<1x1024x128xf32> to vector<1024x128xf32>
    %swap3A_12 = vector.shape_cast %dot_general3A_7 : vector<1024x128xf32> to vector<1x1024x128xf32>
    tpu.vector_store %arg4[%swap3A, %swap3A_8, %swap3A_9], %swap3A_12 {strides = array<i32>} : memref<1x1024x128xf32, #tpu.memory_space<vmem>>, vector<1x1024x128xf32>,
    return
  }
  func.func @transform_0(%arg0: i32, %arg1: i32) -> (i32, i32) {
    %c0_i32 = arith.constant 0 : i32
    %c0_i32_0 = arith.constant 0 : i32
    return %arg1, %c0_i32 : i32, i32
  }
  func.func @transform_1(%arg0: i32, %arg1: i32) -> (i32, i32, i32) {
    %c0_i32 = arith.constant 0 : i32
    %c0_i32_0 = arith.constant 0 : i32
    %c0_i32_1 = arith.constant 0 : i32
    return %arg0, %c0_i32, %c0_i32_0 : i32, i32, i32
  }
  func.func @transform_2(%arg0: i32, %arg1: i32) -> (i32, i32, i32) {
    %c0_i32 = arith.constant 0 : i32
    %c0_i32_0 = arith.constant 0 : i32
    return %arg0, %arg1, %c0_i32 : i32, i32, i32
  }
}

module attributes {stable_mosaic.version = 14 : i64} {
  func.func @_tc_deg_finalize_body(%arg0: memref<2x10240xf32, #tpu.memory_space<vmem>>, %arg1: memref<10240xf32, #tpu.memory_space<vmem>>, %arg2: memref<10240xf32, #tpu.memory_space<vmem>>) attributes {dimension_semantics = [], scalar_prefetch = 0 : i64, scratch_operands = 0 : i64, tpu.core_type = #tpu.core_type<tc>} {
    %get3A = arith.constant 0 : index
    %get3A_0 = arith.constant 0 : index
    %get3A_1 = vector.load %arg0[%get3A, %get3A_0] : memref<2x10240xf32, #tpu.memory_space<vmem>>, vector<1x10240xf32>
    %get3A_2 = vector.shape_cast %get3A_1 : vector<1x10240xf32> to vector<10240xf32>
    %get3A_3 = arith.constant 1 : index
    %get3A_4 = arith.constant 0 : index
    %get3A_5 = vector.load %arg0[%get3A_3, %get3A_4] : memref<2x10240xf32, #tpu.memory_space<vmem>>, vector<1x10240xf32>
    %get3A_6 = vector.shape_cast %get3A_5 : vector<1x10240xf32> to vector<10240xf32>
    %add3A = arith.addf %get3A_2, %get3A_6 : vector<10240xf32>
    %add3A_7 = arith.constant 1.000000e+00 : f32
    %add3A_8 = vector.broadcast %add3A_7 : f32 to vector<10240xf32>
    %add3A_9 = arith.addf %add3A, %add3A_8 : vector<10240xf32>
    %rsqrt3A = math.rsqrt %add3A_9 : vector<10240xf32>
    %swap3A = arith.constant 0 : index
    %swap3A_10 = vector.load %arg1[%swap3A] : memref<10240xf32, #tpu.memory_space<vmem>>, vector<10240xf32>
    tpu.vector_store %arg1[%swap3A], %rsqrt3A {strides = array<i32>} : memref<10240xf32, #tpu.memory_space<vmem>>, vector<10240xf32>,
    %div3A = arith.constant 1.000000e+00 : f32
    %div3A_11 = vector.broadcast %div3A : f32 to vector<10240xf32>
    %div3A_12 = arith.divf %div3A_11, %add3A_9 : vector<10240xf32>
    %swap3A_13 = arith.constant 0 : index
    %swap3A_14 = vector.load %arg2[%swap3A_13] : memref<10240xf32, #tpu.memory_space<vmem>>, vector<10240xf32>
    tpu.vector_store %arg2[%swap3A_13], %div3A_12 {strides = array<i32>} : memref<10240xf32, #tpu.memory_space<vmem>>, vector<10240xf32>,
    return
  }
}

module attributes {stable_mosaic.version = 14 : i64} {
  func.func @_tc_scale_body(%arg0: i32, %arg1: i32, %arg2: memref<1x1024x128xf32, #tpu.memory_space<vmem>>, %arg3: memref<1024x1xf32, #tpu.memory_space<vmem>>, %arg4: memref<1x1024x128xf32, #tpu.memory_space<vmem>>) attributes {dimension_semantics = [#tpu.dimension_semantics<arbitrary>, #tpu.dimension_semantics<arbitrary>], iteration_bounds = array<i64: 2, 10>, scalar_prefetch = 0 : i64, scratch_operands = 0 : i64, tpu.core_type = #tpu.core_type<tc>, window_params = [{transform_indices = @transform_0, window_bounds = array<i64: 1, 1024, 128>}, {transform_indices = @transform_1, window_bounds = array<i64: 1024, 1>}, {transform_indices = @transform_2, window_bounds = array<i64: 1, 1024, 128>}]} {
    %get3A = arith.constant 0 : index
    %get3A_0 = arith.constant 0 : index
    %get3A_1 = arith.constant 0 : index
    %get3A_2 = vector.load %arg2[%get3A, %get3A_0, %get3A_1] : memref<1x1024x128xf32, #tpu.memory_space<vmem>>, vector<1x1024x128xf32>
    %get3A_3 = vector.shape_cast %get3A_2 : vector<1x1024x128xf32> to vector<1024x128xf32>
    %get3A_4 = arith.constant 0 : index
    %get3A_5 = arith.constant 0 : index
    %get3A_6 = vector.load %arg3[%get3A_4, %get3A_5] : memref<1024x1xf32, #tpu.memory_space<vmem>>, vector<1024x1xf32>
    %mul3A = vector.broadcast %get3A_6 : vector<1024x1xf32> to vector<1024x128xf32>
    %mul3A_7 = arith.mulf %get3A_3, %mul3A : vector<1024x128xf32>
    %swap3A = arith.constant 0 : index
    %swap3A_8 = arith.constant 0 : index
    %swap3A_9 = arith.constant 0 : index
    %swap3A_10 = vector.load %arg4[%swap3A, %swap3A_8, %swap3A_9] : memref<1x1024x128xf32, #tpu.memory_space<vmem>>, vector<1x1024x128xf32>
    %swap3A_11 = vector.shape_cast %swap3A_10 : vector<1x1024x128xf32> to vector<1024x128xf32>
    %swap3A_12 = vector.shape_cast %mul3A_7 : vector<1024x128xf32> to vector<1x1024x128xf32>
    tpu.vector_store %arg4[%swap3A, %swap3A_8, %swap3A_9], %swap3A_12 {strides = array<i32>} : memref<1x1024x128xf32, #tpu.memory_space<vmem>>, vector<1x1024x128xf32>,
    return
  }
  func.func @transform_0(%arg0: i32, %arg1: i32) -> (i32, i32, i32) {
    %c0_i32 = arith.constant 0 : i32
    %c0_i32_0 = arith.constant 0 : i32
    return %arg0, %arg1, %c0_i32 : i32, i32, i32
  }
  func.func @transform_1(%arg0: i32, %arg1: i32) -> (i32, i32) {
    %c0_i32 = arith.constant 0 : i32
    %c0_i32_0 = arith.constant 0 : i32
    return %arg1, %c0_i32 : i32, i32
  }
  func.func @transform_2(%arg0: i32, %arg1: i32) -> (i32, i32, i32) {
    %c0_i32 = arith.constant 0 : i32
    %c0_i32_0 = arith.constant 0 : i32
    return %arg0, %arg1, %c0_i32 : i32, i32, i32
  }
}

module attributes {stable_mosaic.version = 14 : i64} {
  func.func @_tc_final_body(%arg0: i32, %arg1: memref<2x1000x128xf32, #tpu.memory_space<vmem>>, %arg2: memref<1000x1xf32, #tpu.memory_space<vmem>>, %arg3: memref<256xf32, #tpu.memory_space<vmem>>, %arg4: memref<1000x256xf32, #tpu.memory_space<vmem>>) attributes {dimension_semantics = [#tpu.dimension_semantics<arbitrary>], iteration_bounds = array<i64: 10>, scalar_prefetch = 0 : i64, scratch_operands = 0 : i64, tpu.core_type = #tpu.core_type<tc>, window_params = [{transform_indices = @transform_0, window_bounds = array<i64: 2, 1000, 128>}, {transform_indices = @transform_1, window_bounds = array<i64: 1000, 1>}, {pipeline_mode = #tpu.pipeline_mode<synchronous>, transform_indices = @transform_2, window_bounds = array<i64: 256>}, {transform_indices = @transform_3, window_bounds = array<i64: 1000, 256>}]} {
    %get3A = arith.constant 0 : index
    %get3A_0 = arith.constant 0 : index
    %get3A_1 = vector.load %arg2[%get3A, %get3A_0] : memref<1000x1xf32, #tpu.memory_space<vmem>>, vector<1000x1xf32>
    %get3A_2 = arith.constant 0 : index
    %get3A_3 = arith.constant 0 : index
    %get3A_4 = arith.constant 0 : index
    %get3A_5 = vector.load %arg1[%get3A_2, %get3A_3, %get3A_4] : memref<2x1000x128xf32, #tpu.memory_space<vmem>>, vector<1x1000x128xf32>
    %get3A_6 = vector.shape_cast %get3A_5 : vector<1x1000x128xf32> to vector<1000x128xf32>
    %mul3A = vector.broadcast %get3A_1 : vector<1000x1xf32> to vector<1000x128xf32>
    %mul3A_7 = arith.mulf %get3A_6, %mul3A : vector<1000x128xf32>
    %get3A_8 = arith.constant 1 : index
    %get3A_9 = arith.constant 0 : index
    %get3A_10 = arith.constant 0 : index
    %get3A_11 = vector.load %arg1[%get3A_8, %get3A_9, %get3A_10] : memref<2x1000x128xf32, #tpu.memory_space<vmem>>, vector<1x1000x128xf32>
    %get3A_12 = vector.shape_cast %get3A_11 : vector<1x1000x128xf32> to vector<1000x128xf32>
    %mul3A_13 = vector.broadcast %get3A_1 : vector<1000x1xf32> to vector<1000x128xf32>
    %mul3A_14 = arith.mulf %get3A_12, %mul3A_13 : vector<1000x128xf32>
    %concatenate3A = tpu.concatenate %mul3A_7, %mul3A_14 in 1 : vector<1000x128xf32>, vector<1000x128xf32> -> vector<1000x256xf32>
    %get3A_15 = arith.constant 0 : index
    %get3A_16 = vector.load %arg3[%get3A_15] : memref<256xf32, #tpu.memory_space<vmem>>, vector<256xf32>
    %broadcast_in_dim3A = vector.shape_cast %get3A_16 : vector<256xf32> to vector<1x256xf32>
    %add3A = vector.broadcast %broadcast_in_dim3A : vector<1x256xf32> to vector<1000x256xf32>
    %add3A_17 = arith.addf %concatenate3A, %add3A : vector<1000x256xf32>
    %reduce_max3A = arith.constant dense<0xFF800000> : vector<1000xf32>
    %reduce_max3A_18 = vector.multi_reduction <maximumf>, %add3A_17, %reduce_max3A [1] : vector<1000x256xf32> to vector<1000xf32>
    %broadcast_in_dim3A_19 = vector.shape_cast %reduce_max3A_18 : vector<1000xf32> to vector<1000x1xf32>
    %sub3A = vector.broadcast %broadcast_in_dim3A_19 : vector<1000x1xf32> to vector<1000x256xf32>
    %sub3A_20 = arith.subf %add3A_17, %sub3A : vector<1000x256xf32>
    %exp3A = math.exp %sub3A_20 : vector<1000x256xf32>
    %reduce_sum3A = arith.constant dense<0.000000e+00> : vector<1000xf32>
    %reduce_sum3A_21 = vector.multi_reduction <add>, %exp3A, %reduce_sum3A [1] : vector<1000x256xf32> to vector<1000xf32>
    %broadcast_in_dim3A_22 = vector.shape_cast %reduce_sum3A_21 : vector<1000xf32> to vector<1000x1xf32>
    %log3A = math.log %broadcast_in_dim3A_22 : vector<1000x1xf32>
    %add3A_23 = arith.addf %log3A, %broadcast_in_dim3A_19 : vector<1000x1xf32>
    %sub3A_24 = vector.broadcast %add3A_23 : vector<1000x1xf32> to vector<1000x256xf32>
    %sub3A_25 = arith.subf %add3A_17, %sub3A_24 : vector<1000x256xf32>
    %swap3A = arith.constant 0 : index
    %swap3A_26 = arith.constant 0 : index
    %swap3A_27 = vector.load %arg4[%swap3A, %swap3A_26] : memref<1000x256xf32, #tpu.memory_space<vmem>>, vector<1000x256xf32>
    tpu.vector_store %arg4[%swap3A, %swap3A_26], %sub3A_25 {strides = array<i32>} : memref<1000x256xf32, #tpu.memory_space<vmem>>, vector<1000x256xf32>,
    return
  }
  func.func @transform_0(%arg0: i32) -> (i32, i32, i32) {
    %c0_i32 = arith.constant 0 : i32
    %c0_i32_0 = arith.constant 0 : i32
    %c0_i32_1 = arith.constant 0 : i32
    return %c0_i32, %arg0, %c0_i32_0 : i32, i32, i32
  }
  func.func @transform_1(%arg0: i32) -> (i32, i32) {
    %c0_i32 = arith.constant 0 : i32
    %c0_i32_0 = arith.constant 0 : i32
    return %arg0, %c0_i32 : i32, i32
  }
  func.func @transform_2(%arg0: i32) -> i32 {
    %c0_i32 = arith.constant 0 : i32
    %c0_i32_0 = arith.constant 0 : i32
    return %c0_i32 : i32
  }
  func.func @transform_3(%arg0: i32) -> (i32, i32) {
    %c0_i32 = arith.constant 0 : i32
    %c0_i32_0 = arith.constant 0 : i32
    return %arg0, %c0_i32 : i32, i32
  }
}

</mosaic_0001>

<sc_bundles>
// kernel: kernel.10.cloned.1.call-start
scs
__scs_entry_jumppad:
0x0: {  	(pc) =	sbr.rel $0x88, $3  }
0x1: {  	(tag) =	ssettag $0x0;
	lr =	simm.s32 $0x1  }
0x2: {  	[smem:$0x3F9D] =	sst lr;
	_ =	strace $0xD0000000  }
0x3: {  	_ = 	snop  }
0x4: {  	_ = 	snop  }
0x5: {  	_ = 	snop  }
0x6: {  	_ = 	snop  }
0x7: {  	_ = 	snop  }
__scs_overlays_trampoline_lowered:
0x8: {  	[smem:$0x3FAC] =	sst s0  }
0x9: {  	[smem:$0x3FAD] =	sst s1  }
0xa: {  	[smem:$0x3FAE] =	sst s2  }
0xb: {  	[smem:$0x3FAF] =	sst s3  }
0xc: {  	[smem:$0x3FB0] =	sst s4  }
0xd: {  	[smem:$0x3FB1] =	sst s5  }
0xe: {  	[smem:$0x3FB2] =	sst s6  }
0xf: {  	[smem:$0x3FB3] =	sst s7  }
0x10: {  	[smem:$0x3FB4] =	sst s8  }
0x11: {  	[smem:$0x3FB5] =	sst s9;
	s0 =	simm.s32 @!p0 $0x0  }
0x12: {  	s1 =	sld [smem:$0x3F9B];
	s0 =	simm.s32 @p0 $0x1  }
0x13: {  	[smem:$0x3FB6] =	sst s0;
	s0 =	simm.s32 @!p1 $0x0  }
0x14: {  	s2 =	sld [smem:$0x3F9A];
	s0 =	simm.s32 @p1 $0x1  }
0x15: {  	[smem:$0x3FB7] =	sst s0;
	s0 =	simm.s32 @!p2 $0x0  }
0x16: {  	s3 =	sld [smem:$0x3FDB];
	s0 =	simm.s32 @p2 $0x1  }
0x17: {  	s4 =	simm.s32 $0x1BF5;
	[smem:$0x3FB9] =	sst s0  }
0x18: {  	s0 =	sld [smem:$0x3F9C];
	_ =	swait.ge [sflag:s4], $0x0  }
0x19: {  	s7 =	sld [smem:$0x3F9D]  }
0x1a: {  	s8 =	sadd.s32 $0xFFFFE003, lr  }
0x1b: {  	s9 =	sadd.s32 $0xFFFFFEF7, lr;
	s5 =	simm.s32 $0xFFFFFFFF;
	p2 =	slt.u32 s8, $0xFFFFF086  }
0x1c: {  	p1 =	slt.u32 s9, $0xF7A;
	s5 =	simm.s32 @!p2 $0x0  }
0x1d: {  	s5 =	simm.s32 @p1 $0x1;
	p0 =	seq.s32 s7, s2  }
0x1e: {  	s7 =	smul.u32 @!p0 $0xF7A, s2;
	p2 =	seq.s32 @!p0 s5, $0x0  }
0x1f: {  	s9 =	smul.u32 $0xF7A, s1;
	s8 =	simm.s32 @!p0 $0x1BF5;
	p2 =	por !p2, p0  }
0x20: {  	[sflag:s8] =	ssyncset.s32 @!p0 $0xFFFFF086;
	s6 =	sadd.s32 @!p0 s3, s7;
	s7 =	simm.s32 @!p0 $0x108  }
0x21: {  	s3 =	sadd.s32 s3, s9;
	s6 =	sadd.s32 @!p0 $0x88, s6;
	s7 =	simm.s32 @p2 $0x1082  }
0x22: {  	[simem:s7], [sflag:s8] =	dma.local @!p0 [hbm:s6], $0xF7A  }
0x23: {  	s9 =	sor.u32 $0xD0000000, s2;
	s6 =	simm.s32 $0x108;
	_ =	swait.ge @!p0 [sflag:s8], $0x0  }
0x24: {  	s3 =	sadd.s32 $0x88, s3;
	s6 =	simm.s32 @!p1 $0x1082;
	[sflag:s4] =	ssyncset.s32 $0xFFFFF086  }
0x25: {  	[simem:s6], [sflag:s4] =	dma.local [hbm:s3], $0xF7A  }
0x26: {  	[smem:$0x3F9D] =	sst s1;
	(tag) =	ssettag s2;
	_ =	strace s9  }
0x27: {  	s1 =	sld [smem:$0x3FAD]  }
0x28: {  	s2 =	sld [smem:$0x3FAE]  }
0x29: {  	s4 =	sld [smem:$0x3FB0]  }
0x2a: {  	p0 =	seq.s32 s5, $0x0;
	s5 =	sld [smem:$0x3FB1]  }
0x2b: {  	s6 =	sld [smem:$0x3FB2]  }
0x2c: {  	s7 =	sld [smem:$0x3FB3]  }
0x2d: {  	s3 =	simm.s32 $0x108;
	s8 =	sld [smem:$0x3FB4]  }
0x2e: {  	s3 =	simm.s32 @!p0 $0x1082;
	s9 =	sld [smem:$0x3FB5]  }
0x2f: {  	lr =	sadd.s32 s0, s3;
	s0 =	sld [smem:$0x3FAC]  }
0x30: {  	s3 =	sld [smem:$0x3FAF]  }
0x31: {  	[smem:$0x3FB8] =	sst s10  }
0x32: {  	s10 =	sld [smem:$0x3FB6];
	_ =	sdelay $0x3  }
0x33: {  	p0 =	seq.s32 s10, $0x1;
	s10 =	sld [smem:$0x3FB8];
	_ =	sdelay $0x3  }
0x34: {  	[smem:$0x3FB8] =	sst s10  }
0x35: {  	s10 =	sld [smem:$0x3FB7];
	_ =	sdelay $0x3  }
0x36: {  	p1 =	seq.s32 s10, $0x1;
	s10 =	sld [smem:$0x3FB8];
	_ =	sdelay $0x3  }
0x37: {  	[smem:$0x3FB8] =	sst s10  }
0x38: {  	s10 =	sld [smem:$0x3FB9]  }
0x39: {  	_ = 	snop;
	(pc) =	sbr.ind lr, $3  }
0x3a: {  	_ = 	snop  }
0x3b: {  	_ = 	snop  }
0x3c: {  	p2 =	seq.s32 s10, $0x1;
	s10 =	sld [smem:$0x3FB8]  }
0x3d: {  	_ =	shalt  }
0x3e: {  	_ =	shalt  }
0x3f: {  	_ =	shalt  }
0x40: {  	_ =	shalt  }
0x41: {  	_ =	shalt  }
0x42: {  	_ =	shalt  }
0x43: {  	_ =	shalt  }
0x44: {  	_ =	shalt  }
0x45: {  	_ =	shalt  }
0x46: {  	_ =	shalt  }
0x47: {  	_ =	shalt  }
0x48: {  	_ =	shalt  }
0x49: {  	_ =	shalt  }
0x4a: {  	_ =	shalt  }
0x4b: {  	_ =	shalt  }
0x4c: {  	_ =	shalt  }
0x4d: {  	_ =	shalt  }
0x4e: {  	_ =	shalt  }
0x4f: {  	_ =	shalt  }
0x50: {  	_ =	shalt  }
0x51: {  	_ =	shalt  }
0x52: {  	_ =	shalt  }
0x53: {  	_ =	shalt  }
0x54: {  	_ =	shalt  }
0x55: {  	_ =	shalt  }
0x56: {  	_ =	shalt  }
0x57: {  	_ =	shalt  }
0x58: {  	_ =	shalt  }
0x59: {  	_ =	shalt  }
0x5a: {  	_ =	shalt  }
0x5b: {  	_ =	shalt  }
0x5c: {  	_ =	shalt  }
0x5d: {  	_ =	shalt  }
0x5e: {  	_ =	shalt  }
0x5f: {  	_ =	shalt  }
0x60: {  	_ =	shalt  }
0x61: {  	_ =	shalt  }
0x62: {  	_ =	shalt  }
0x63: {  	_ =	shalt  }
0x64: {  	_ =	shalt  }
0x65: {  	_ =	shalt  }
0x66: {  	_ =	shalt  }
0x67: {  	_ =	shalt  }
0x68: {  	_ =	shalt  }
0x69: {  	_ =	shalt  }
0x6a: {  	_ =	shalt  }
0x6b: {  	_ =	shalt  }
0x6c: {  	_ =	shalt  }
0x6d: {  	_ =	shalt  }
0x6e: {  	_ =	shalt  }
0x6f: {  	_ =	shalt  }
0x70: {  	_ =	shalt  }
0x71: {  	_ =	shalt  }
0x72: {  	_ =	shalt  }
0x73: {  	_ =	shalt  }
0x74: {  	_ =	shalt  }
0x75: {  	_ =	shalt  }
0x76: {  	_ =	shalt  }
0x77: {  	_ =	shalt  }
0x78: {  	_ =	shalt  }
0x79: {  	_ =	shalt  }
0x7a: {  	_ =	shalt  }
0x7b: {  	_ =	shalt  }
0x7c: {  	_ =	shalt  }
0x7d: {  	_ =	shalt  }
0x7e: {  	_ =	shalt  }
0x7f: {  	_ =	shalt  }
0x80: {  	_ =	shalt  }
0x81: {  	_ =	shalt  }
0x82: {  	_ =	shalt  }
0x83: {  	_ =	shalt  }
0x84: {  	_ =	shalt  }
0x85: {  	_ =	shalt  }
0x86: {  	_ =	shalt  }
0x87: {  	_ =	shalt  }
.Lfunc_end0:
.L_simem_size_0:
called_computation_lowered:
.L_overlay_start_0:
0x88: {  	s2 =	sld [smem:$0x3FD9]  }
0x89: {  	s3 =	sld [smem:$0x3FFE];
	_ =	sdelay $0x1  }
0x8a: {  	s1 =	srdreg.scid  }
0x8b: {  	s0 =	sand.u32 $0x1, s1  }
0x8c: {  	s17 =	sshll.u32 s0, $0xA;
	s2 =	sadd.s32 s3, s2  }
0x8d: {  	s2 =	sadd.s32 s2, s17  }
0x8e: {  	[smem:$0x3FC4] =	sst s2  }
0x8f: {  	_ = 	snop  }
0x90: {  	s2 =	sld [smem:$0x3FD0];
	(tm) =	ssettm $0x1  }
0x91: {  	s18 =	sld [smem:$0x3FFB];
	_ =	sdelay $0x3  }
0x92: {  	_ =	strace s18  }
0x93: {  	s3 =	sld [smem:$0x3FFC];
	_ =	sdelay $0x3  }
0x94: {  	_ =	strace s3  }
0x95: {  	s3 =	sld [smem:$0x3FFD];
	_ =	sdelay $0x3  }
0x96: {  	_ =	strace s3  }
0x97: {  	_ =	strace $0x8FFFFFFF  }
0x98: {  	s19 =	sld [smem:$0x3FDB];
	_ =	sdelay $0x1  }
0x99: {  	s4 =	simm.s32 $_scs_section_size  }
0x9a: {  	s5 =	simm.s32 $_size__tile_overlayer_lowered;
	s6 =	simm.s32 $_tile_overlayer_lowered  }
0x9b: {  	s22 =	simm.s32 $0x1BFF;
	s21 =	sshll.u32 s6, $0x1;
	s3 =	sadd.s32 s4, s19  }
0x9c: {  	s7 =	simm.s32 $0x0;
	s20 =	sshll.u32 s5, $0x1;
	s5 =	sadd.s32 s21, s3  }
0x9d: {  	[timem:s7], [sflag:s22] =	dma.local [hbm:s5], s20  }
0x9e: {  	_ =	swait.ge [sflag:s22], s20  }
0x9f: {  	s4 =	ssub.s32 $0x0, s20;
	[sflag:s22] =	ssyncset.done $0x0  }
0xa0: {  	[sflag:s22] =	ssyncadd.s32 s4;
	_ =	sdelay $0x1  }
0xa1: {  	s23 =	simm.s32 $0x1B8B  }
0xa2: {  	_ =	swait.ge [sflag:s23], $0x1  }
0xa3: {  	[sflag:s23] =	ssyncset.done $0x0  }
0xa4: {  	s25 =	simm.s32 $0x1B8E;
	s24 =	sld [smem:$0x3FFE];
	[sflag:s23] =	ssyncadd.s32 $0xFFFFFFFF  }
0xa5: {  	s26 =	simm.s32 $execute0_lowered;
	[smem:$0x3FD2] =	sst s25  }
0xa6: {  	s5 =	sshll.u32 s26, $0x1;
	_ =	strace $0x80000046;
	[dreg:$0x1] =	wrdreg $0xFFFFFFFF  }
0xa7: {  	s28 =	simm.s32 $_size_execute0_lowered;
	s3 =	sadd.s32 s3, s5;
	[dreg:$0x0] =	wrdreg $0x0  }
0xa8: {  	s5 =	sshll.u32 s28, $0x1;
	[dreg:$0x2] =	wrdreg s3  }
0xa9: {  	[dreg:$0x3] =	wrdreg s5  }
0xaa: {  	[dreg:$0x4] =	wrdreg $0xC0  }
0xab: {  	_ =	task [dreg:s7], $0x5FFFF  }
0xac: {  	[dreg:$0x1] =	wrdreg $0xFFFFFFFF  }
0xad: {  	[dreg:$0x0] =	wrdreg $0x60  }
0xae: {  	[dreg:$0x2] =	wrdreg s2  }
0xaf: {  	[dreg:$0x3] =	wrdreg s24  }
0xb0: {  	[dreg:$0x4] =	wrdreg $0x4000  }
0xb1: {  	[dreg:$0x5] =	wrdreg $0x9  }
0xb2: {  	_ =	task.clear_ibuf [dreg:s7], $0x6FFFF;
	_ =	strace $0x90000046  }
0xb3: {  	s29 =	simm.s32 $0x9;
	_ =	strace $0x80000048  }
0xb4: {  	_ =	swait.ge [sflag:s29], $0x1  }
0xb5: {  	[sflag:s29] =	ssyncadd.s32 $0xFFFFFFFF  }
0xb6: {  	_ =	strace $0x90000048  }
0xb7: {  	_ =	sfence  }
0xb8: {  	s30 =	sld [smem:$0x0];
	_ =	sdelay $0x2  }
0xb9: {  	s31 =	sshll.u32 s1, $0xD;
	s1 =	sshrl.u32 s1, $0x2  }
0xba: {  	s3 =	sand.u32 $0x4000, s31;
	s1 =	sadd.s32 s1, s30  }
0xbb: {  	s0 =	sor.u32 s3, s0;
	s1 =	sshll.u32 s1, $0x11  }
0xbc: {  	s0 =	sor.u32 s1, s0  }
0xbd: {  	s0 =	sadd.s32 $0x8F2B, s0  }
0xbe: {  	[sflag:s0] =	ssyncadd.remote.s32 $0x1  }
0xbf: {  	_ =	sfence.sel $0xFFFF  }
0xc0: {  	[dreg:$0x0] =	wrdreg $0xFFFFFFFF;
	(pc) =	sbr.abs _section_cstart, $3  }
0xc1: {  	[dreg:$0x1] =	wrdreg $0xFFFFFFFF  }
0xc2: {  	_ =	task.clear_ibuf [dreg:s7], $0x2FFFF;
	_ =	strace $0x9FFFFFFF  }
0xc3: {  	(tm) =	ssettm $0x7FFFFFFF  }
tec
execute0_lowered:
.L_overlay_start_1:
0x0: {  	(tag) =	ssettag $0x1  }
0x1: {  	s10 =	rddreg [dreg:$0x0]  }
0x2: {  	s22 =	rddreg [dreg:$0x1]  }
0x3: {  	s0 =	stileid.u32;
	s2 =	rddreg [dreg:$0x2]  }
0x4: {  	s1 =	rddreg [dreg:$0x3];
	s7 =	smul.u32 $0x280, s0  }
0x5: {  	s3 =	simm.s32 $0x0;
	s9 =	srdreg.scid;
	s6 =	simm.s32 $0x200  }
0x6: {  	s5 =	simm.s32 $0x1;
	[smem:$0x7FF] =	sst s3;
	s4 =	sshrl.u32 s7, $0x3  }
0x7: {  	_ =	strace $0x80000047;
	s8 =	sadd.s32 s4, s22;
	s4 =	sadd.s32 $0x6C00, s22  }
0x8: {  	[tilespmem:s6], [sflag:$0x1] =	stream.linear.gather [hbm4b:s4+s3], $0x200, $0x38;
	[tilespmem:$0x680] =	vst v63  }
0x9: {  	s23 =	sand.u32 $0x1, s9;
	s29 =	sadd.s32 s7, s2;
	_ =	swait.ge [sflag:s5], $0x200  }
0xa: {  	s30 =	sshll.u32 s0, $0x6;
	s9 =	sshrl.u32 s29, $0x3;
	[sflag:s5] =	ssyncset.done $0x0  }
0xb: {  	s7 =	sadd.s32 $0x6600, s8;
	s8 =	sor.u32 $0x1C01, s30;
	[sflag:s5] =	ssyncadd.s32 $0xFFFFFE00  }
0xc: {  	[spmem:s9], [sflag:s8] =	dma.local [hbm:s7], $0x50  }
0xd: {  	_ =	swait.ge [sflag:s5], $0x50  }
0xe: {  	s12 =	sshll.u32 s0, $0xB;
	s11 =	sshll.u32 s23, $0xA;
	[sflag:s5] =	ssyncset.done $0x0  }
0xf: {  	s10 =	sadd.s32 s10, s11;
	s11 =	simm.s32 $0x80;
	[sflag:s5] =	ssyncadd.s32 $0xFFFFFFB0  }
0x10: {  	s10 =	sadd.s32 s12, s10;
	s12 =	simm.s32 $0x400;
	[bflag:$0x0] =	sbarrier.arrive $0xFFFF  }
0x11: {  	[tilespmem:s3], [sflag:$0x1] =	stream.strided.gather [hbm4b:s10+s11], $0x200, s12, s11, $0x38;
	[tilespmem:$0x680] =	vst v63  }
0x12: {  	_ =	swait.ge [sflag:s5], $0x200  }
0x13: {  	[sflag:s5] =	ssyncset.done $0x0  }
0x14: {  	[sflag:s5] =	ssyncadd.s32 $0xFFFFFE00  }
0x15: {  	[spmem:s2] =	stream.indirect.scatter.add.f32 [tilespmem:s6], [sflag:$0x1], $0x1, s3, s6, $0xb8;
	[tilespmem:$0x680] =	vst v63  }
0x16: {  	_ =	swait.ge [sflag:s5], $0x200  }
0x17: {  	[sflag:s5] =	ssyncset.done $0x0  }
0x18: {  	s13 =	sadd.s32 $0x10, s10;
	[sflag:s5] =	ssyncadd.s32 $0xFFFFFE00  }
0x19: {  	[tilespmem:s3], [sflag:$0x1] =	stream.strided.gather [hbm4b:s13+s11], $0x200, s12, s11, $0x38;
	[tilespmem:$0x680] =	vst v63  }
0x1a: {  	_ =	swait.ge [sflag:s5], $0x200  }
0x1b: {  	[sflag:s5] =	ssyncset.done $0x0  }
0x1c: {  	[sflag:s5] =	ssyncadd.s32 $0xFFFFFE00  }
0x1d: {  	[spmem:s2] =	stream.indirect.scatter.add.f32 [tilespmem:s6], [sflag:$0x1], $0x1, s3, s6, $0xb8;
	[tilespmem:$0x680] =	vst v63  }
0x1e: {  	_ =	swait.ge [sflag:s5], $0x200  }
0x1f: {  	[sflag:s5] =	ssyncset.done $0x0  }
0x20: {  	s14 =	sadd.s32 $0x20, s10;
	[sflag:s5] =	ssyncadd.s32 $0xFFFFFE00  }
0x21: {  	[tilespmem:s3], [sflag:$0x1] =	stream.strided.gather [hbm4b:s14+s11], $0x200, s12, s11, $0x38;
	[tilespmem:$0x680] =	vst v63  }
0x22: {  	_ =	swait.ge [sflag:s5], $0x200  }
0x23: {  	[sflag:s5] =	ssyncset.done $0x0  }
0x24: {  	[sflag:s5] =	ssyncadd.s32 $0xFFFFFE00  }
0x25: {  	[spmem:s2] =	stream.indirect.scatter.add.f32 [tilespmem:s6], [sflag:$0x1], $0x1, s3, s6, $0xb8;
	[tilespmem:$0x680] =	vst v63  }
0x26: {  	_ =	swait.ge [sflag:s5], $0x200  }
0x27: {  	[sflag:s5] =	ssyncset.done $0x0  }
0x28: {  	s15 =	sadd.s32 $0x30, s10;
	[sflag:s5] =	ssyncadd.s32 $0xFFFFFE00  }
0x29: {  	[tilespmem:s3], [sflag:$0x1] =	stream.strided.gather [hbm4b:s15+s11], $0x200, s12, s11, $0x38;
	[tilespmem:$0x680] =	vst v63  }
0x2a: {  	_ =	swait.ge [sflag:s5], $0x200  }
0x2b: {  	[sflag:s5] =	ssyncset.done $0x0  }
0x2c: {  	[sflag:s5] =	ssyncadd.s32 $0xFFFFFE00  }
0x2d: {  	[spmem:s2] =	stream.indirect.scatter.add.f32 [tilespmem:s6], [sflag:$0x1], $0x1, s3, s6, $0xb8;
	[tilespmem:$0x680] =	vst v63  }
0x2e: {  	_ =	swait.ge [sflag:s5], $0x200  }
0x2f: {  	[sflag:s5] =	ssyncset.done $0x0  }
0x30: {  	s16 =	sadd.s32 $0x40, s10;
	[sflag:s5] =	ssyncadd.s32 $0xFFFFFE00  }
0x31: {  	[tilespmem:s3], [sflag:$0x1] =	stream.strided.gather [hbm4b:s16+s11], $0x200, s12, s11, $0x38;
	[tilespmem:$0x680] =	vst v63  }
0x32: {  	_ =	swait.ge [sflag:s5], $0x200  }
0x33: {  	[sflag:s5] =	ssyncset.done $0x0  }
0x34: {  	[sflag:s5] =	ssyncadd.s32 $0xFFFFFE00  }
0x35: {  	[spmem:s2] =	stream.indirect.scatter.add.f32 [tilespmem:s6], [sflag:$0x1], $0x1, s3, s6, $0xb8;
	[tilespmem:$0x680] =	vst v63  }
0x36: {  	_ =	swait.ge [sflag:s5], $0x200  }
0x37: {  	[sflag:s5] =	ssyncset.done $0x0  }
0x38: {  	s17 =	sadd.s32 $0x50, s10;
	[sflag:s5] =	ssyncadd.s32 $0xFFFFFE00  }
0x39: {  	[tilespmem:s3], [sflag:$0x1] =	stream.strided.gather [hbm4b:s17+s11], $0x200, s12, s11, $0x38;
	[tilespmem:$0x680] =	vst v63  }
0x3a: {  	_ =	swait.ge [sflag:s5], $0x200  }
0x3b: {  	[sflag:s5] =	ssyncset.done $0x0  }
0x3c: {  	[sflag:s5] =	ssyncadd.s32 $0xFFFFFE00  }
0x3d: {  	[spmem:s2] =	stream.indirect.scatter.add.f32 [tilespmem:s6], [sflag:$0x1], $0x1, s3, s6, $0xb8;
	[tilespmem:$0x680] =	vst v63  }
0x3e: {  	_ =	swait.ge [sflag:s5], $0x200  }
0x3f: {  	[sflag:s5] =	ssyncset.done $0x0  }
0x40: {  	s18 =	sadd.s32 $0x60, s10;
	[sflag:s5] =	ssyncadd.s32 $0xFFFFFE00  }
0x41: {  	[tilespmem:s3], [sflag:$0x1] =	stream.strided.gather [hbm4b:s18+s11], $0x200, s12, s11, $0x38;
	[tilespmem:$0x680] =	vst v63  }
0x42: {  	_ =	swait.ge [sflag:s5], $0x200  }
0x43: {  	[sflag:s5] =	ssyncset.done $0x0  }
0x44: {  	[sflag:s5] =	ssyncadd.s32 $0xFFFFFE00  }
0x45: {  	[spmem:s2] =	stream.indirect.scatter.add.f32 [tilespmem:s6], [sflag:$0x1], $0x1, s3, s6, $0xb8;
	[tilespmem:$0x680] =	vst v63  }
0x46: {  	_ =	swait.ge [sflag:s5], $0x200  }
0x47: {  	[sflag:s5] =	ssyncset.done $0x0  }
0x48: {  	s19 =	sadd.s32 $0x70, s10;
	[sflag:s5] =	ssyncadd.s32 $0xFFFFFE00  }
0x49: {  	[tilespmem:s3], [sflag:$0x1] =	stream.strided.gather [hbm4b:s19+s11], $0x200, s12, s11, $0x38;
	[tilespmem:$0x680] =	vst v63  }
0x4a: {  	_ =	swait.ge [sflag:s5], $0x200  }
0x4b: {  	[sflag:s5] =	ssyncset.done $0x0  }
0x4c: {  	[sflag:s5] =	ssyncadd.s32 $0xFFFFFE00  }
0x4d: {  	[spmem:s2] =	stream.indirect.scatter.add.f32 [tilespmem:s6], [sflag:$0x1], $0x1, s3, s6, $0xb8;
	[tilespmem:$0x680] =	vst v63  }
0x4e: {  	_ =	swait.ge [sflag:s5], $0x200  }
0x4f: {  	[sflag:s5] =	ssyncset.done $0x0  }
0x50: {  	s20 =	sadd.s32 $0x200, s10;
	[sflag:s5] =	ssyncadd.s32 $0xFFFFFE00  }
0x51: {  	[tilespmem:s3], [sflag:$0x1] =	stream.strided.gather [hbm4b:s20+s11], $0x200, s12, s11, $0x38;
	[tilespmem:$0x680] =	vst v63  }
0x52: {  	_ =	swait.ge [sflag:s5], $0x200  }
0x53: {  	[sflag:s5] =	ssyncset.done $0x0  }
0x54: {  	[sflag:s5] =	ssyncadd.s32 $0xFFFFFE00  }
0x55: {  	[spmem:s2] =	stream.indirect.scatter.add.f32 [tilespmem:s6], [sflag:$0x1], $0x1, s3, s6, $0xb8;
	[tilespmem:$0x680] =	vst v63  }
0x56: {  	_ =	swait.ge [sflag:s5], $0x200  }
0x57: {  	[sflag:s5] =	ssyncset.done $0x0  }
0x58: {  	s21 =	sadd.s32 $0x210, s10;
	[sflag:s5] =	ssyncadd.s32 $0xFFFFFE00  }
0x59: {  	[tilespmem:s3], [sflag:$0x1] =	stream.strided.gather [hbm4b:s21+s11], $0x200, s12, s11, $0x38;
	[tilespmem:$0x680] =	vst v63  }
0x5a: {  	s24 =	sshll.u32 s23, $0x4;
	s23 =	ssub.s32 $0x2, s23;
	_ =	swait.ge [sflag:s5], $0x200  }
0x5b: {  	s31 =	sshrl.u32 s23, $0x1;
	[sflag:s5] =	ssyncset.done $0x0  }
0x5c: {  	s25 =	smul.u32 $0xA0, s0;
	s23 =	ssub.s32 s23, s31;
	[sflag:s5] =	ssyncadd.s32 $0xFFFFFE00  }
0x5d: {  	[spmem:s2] =	stream.indirect.scatter.add.f32 [tilespmem:s6], [sflag:$0x1], $0x1, s3, s6, $0xb8;
	[tilespmem:$0x680] =	vst v63  }
0x5e: {  	s22 =	sadd.s32 s24, s22;
	s26 =	smax.u32 s23, $0x1;
	_ =	swait.ge [sflag:s5], $0x200  }
0x5f: {  	s24 =	simm.s32 $0x10;
	p0 =	sne.s32 s26, $0x1;
	[sflag:s5] =	ssyncset.done $0x0  }
.Ltmp0:
0x60: {  	s22 =	sadd.s32 $0x6E00, s22;
	[sflag:s5] =	ssyncadd.s32 $0xFFFFFE00;
	(pc) =	sbr.rel @!p0 .LBB2_2-.Ltmp0, $4  }
0x61: {  	s23 =	simm.s32 $0x20;
	s22 =	sadd.s32 s25, s22;
	[bflag:$0x0] =	sbarrier.arrive $0xFFFF  }
0x62: {  	[hbm:s22@s23], [sflag:s8] =	dma.strided [spmem:s9@s24], $0x50, s5, $0x10   }
0x63: {  	_ =	swait.ge [sflag:s5], $0x50  }
0x64: {  	s25 =	sadd.s32 $0xFFFFFFFF, s26;
	[sflag:s5] =	ssyncset.done $0x0  }
.LBB2_1:
0x65: {  	p0 =	sne.s32 s25, $0x1;
	s25 =	sadd.s32 $0xFFFFFFFF, s25;
	[sflag:s5] =	ssyncadd.s32 $0xFFFFFFB0  }
0x66: {  	[tilespmem:s6], [sflag:$0x1] =	stream.linear.gather [hbm4b:s4+s3], $0x200, $0x38;
	[tilespmem:$0x680] =	vst v63  }
0x67: {  	_ =	swait.ge [sflag:s5], $0x200  }
0x68: {  	[sflag:s5] =	ssyncset.done $0x0  }
0x69: {  	[sflag:s5] =	ssyncadd.s32 $0xFFFFFE00  }
0x6a: {  	[spmem:s9], [sflag:s8] =	dma.local [hbm:s7], $0x50  }
0x6b: {  	_ =	swait.ge [sflag:s5], $0x50  }
0x6c: {  	[sflag:s5] =	ssyncset.done $0x0  }
0x6d: {  	[sflag:s5] =	ssyncadd.s32 $0xFFFFFFB0  }
0x6e: {  	[bflag:$0x0] =	sbarrier.arrive $0xFFFF  }
0x6f: {  	[tilespmem:s3], [sflag:$0x1] =	stream.strided.gather [hbm4b:s10+s11], $0x200, s12, s11, $0x38;
	[tilespmem:$0x680] =	vst v63  }
0x70: {  	_ =	swait.ge [sflag:s5], $0x200  }
0x71: {  	[sflag:s5] =	ssyncset.done $0x0  }
0x72: {  	[sflag:s5] =	ssyncadd.s32 $0xFFFFFE00  }
0x73: {  	[spmem:s2] =	stream.indirect.scatter.add.f32 [tilespmem:s6], [sflag:$0x1], $0x1, s3, s6, $0xb8;
	[tilespmem:$0x680] =	vst v63  }
0x74: {  	_ =	swait.ge [sflag:s5], $0x200  }
0x75: {  	[sflag:s5] =	ssyncset.done $0x0  }
0x76: {  	[sflag:s5] =	ssyncadd.s32 $0xFFFFFE00  }
0x77: {  	[tilespmem:s3], [sflag:$0x1] =	stream.strided.gather [hbm4b:s13+s11], $0x200, s12, s11, $0x38;
	[tilespmem:$0x680] =	vst v63  }
0x78: {  	_ =	swait.ge [sflag:s5], $0x200  }
0x79: {  	[sflag:s5] =	ssyncset.done $0x0  }
0x7a: {  	[sflag:s5] =	ssyncadd.s32 $0xFFFFFE00  }
0x7b: {  	[spmem:s2] =	stream.indirect.scatter.add.f32 [tilespmem:s6], [sflag:$0x1], $0x1, s3, s6, $0xb8;
	[tilespmem:$0x680] =	vst v63  }
0x7c: {  	_ =	swait.ge [sflag:s5], $0x200  }
0x7d: {  	[sflag:s5] =	ssyncset.done $0x0  }
0x7e: {  	[sflag:s5] =	ssyncadd.s32 $0xFFFFFE00  }
0x7f: {  	[tilespmem:s3], [sflag:$0x1] =	stream.strided.gather [hbm4b:s14+s11], $0x200, s12, s11, $0x38;
	[tilespmem:$0x680] =	vst v63  }
0x80: {  	_ =	swait.ge [sflag:s5], $0x200  }
0x81: {  	[sflag:s5] =	ssyncset.done $0x0  }
0x82: {  	[sflag:s5] =	ssyncadd.s32 $0xFFFFFE00  }
0x83: {  	[spmem:s2] =	stream.indirect.scatter.add.f32 [tilespmem:s6], [sflag:$0x1], $0x1, s3, s6, $0xb8;
	[tilespmem:$0x680] =	vst v63  }
0x84: {  	_ =	swait.ge [sflag:s5], $0x200  }
0x85: {  	[sflag:s5] =	ssyncset.done $0x0  }
0x86: {  	[sflag:s5] =	ssyncadd.s32 $0xFFFFFE00  }
0x87: {  	[tilespmem:s3], [sflag:$0x1] =	stream.strided.gather [hbm4b:s15+s11], $0x200, s12, s11, $0x38;
	[tilespmem:$0x680] =	vst v63  }
0x88: {  	_ =	swait.ge [sflag:s5], $0x200  }
0x89: {  	[sflag:s5] =	ssyncset.done $0x0  }
0x8a: {  	[sflag:s5] =	ssyncadd.s32 $0xFFFFFE00  }
0x8b: {  	[spmem:s2] =	stream.indirect.scatter.add.f32 [tilespmem:s6], [sflag:$0x1], $0x1, s3, s6, $0xb8;
	[tilespmem:$0x680] =	vst v63  }
0x8c: {  	_ =	swait.ge [sflag:s5], $0x200  }
0x8d: {  	[sflag:s5] =	ssyncset.done $0x0  }
0x8e: {  	[sflag:s5] =	ssyncadd.s32 $0xFFFFFE00  }
0x8f: {  	[tilespmem:s3], [sflag:$0x1] =	stream.strided.gather [hbm4b:s16+s11], $0x200, s12, s11, $0x38;
	[tilespmem:$0x680] =	vst v63  }
0x90: {  	_ =	swait.ge [sflag:s5], $0x200  }
0x91: {  	[sflag:s5] =	ssyncset.done $0x0  }
0x92: {  	[sflag:s5] =	ssyncadd.s32 $0xFFFFFE00  }
0x93: {  	[spmem:s2] =	stream.indirect.scatter.add.f32 [tilespmem:s6], [sflag:$0x1], $0x1, s3, s6, $0xb8;
	[tilespmem:$0x680] =	vst v63  }
0x94: {  	_ =	swait.ge [sflag:s5], $0x200  }
0x95: {  	[sflag:s5] =	ssyncset.done $0x0  }
0x96: {  	[sflag:s5] =	ssyncadd.s32 $0xFFFFFE00  }
0x97: {  	[tilespmem:s3], [sflag:$0x1] =	stream.strided.gather [hbm4b:s17+s11], $0x200, s12, s11, $0x38;
	[tilespmem:$0x680] =	vst v63  }
0x98: {  	_ =	swait.ge [sflag:s5], $0x200  }
0x99: {  	[sflag:s5] =	ssyncset.done $0x0  }
0x9a: {  	[sflag:s5] =	ssyncadd.s32 $0xFFFFFE00  }
0x9b: {  	[spmem:s2] =	stream.indirect.scatter.add.f32 [tilespmem:s6], [sflag:$0x1], $0x1, s3, s6, $0xb8;
	[tilespmem:$0x680] =	vst v63  }
0x9c: {  	_ =	swait.ge [sflag:s5], $0x200  }
0x9d: {  	[sflag:s5] =	ssyncset.done $0x0  }
0x9e: {  	[sflag:s5] =	ssyncadd.s32 $0xFFFFFE00  }
0x9f: {  	[tilespmem:s3], [sflag:$0x1] =	stream.strided.gather [hbm4b:s18+s11], $0x200, s12, s11, $0x38;
	[tilespmem:$0x680] =	vst v63  }
0xa0: {  	_ =	swait.ge [sflag:s5], $0x200  }
0xa1: {  	[sflag:s5] =	ssyncset.done $0x0  }
0xa2: {  	[sflag:s5] =	ssyncadd.s32 $0xFFFFFE00  }
0xa3: {  	[spmem:s2] =	stream.indirect.scatter.add.f32 [tilespmem:s6], [sflag:$0x1], $0x1, s3, s6, $0xb8;
	[tilespmem:$0x680] =	vst v63  }
0xa4: {  	_ =	swait.ge [sflag:s5], $0x200  }
0xa5: {  	[sflag:s5] =	ssyncset.done $0x0  }
0xa6: {  	[sflag:s5] =	ssyncadd.s32 $0xFFFFFE00  }
0xa7: {  	[tilespmem:s3], [sflag:$0x1] =	stream.strided.gather [hbm4b:s19+s11], $0x200, s12, s11, $0x38;
	[tilespmem:$0x680] =	vst v63  }
0xa8: {  	_ =	swait.ge [sflag:s5], $0x200  }
0xa9: {  	[sflag:s5] =	ssyncset.done $0x0  }
0xaa: {  	[sflag:s5] =	ssyncadd.s32 $0xFFFFFE00  }
0xab: {  	[spmem:s2] =	stream.indirect.scatter.add.f32 [tilespmem:s6], [sflag:$0x1], $0x1, s3, s6, $0xb8;
	[tilespmem:$0x680] =	vst v63  }
0xac: {  	_ =	swait.ge [sflag:s5], $0x200  }
0xad: {  	[sflag:s5] =	ssyncset.done $0x0  }
0xae: {  	[sflag:s5] =	ssyncadd.s32 $0xFFFFFE00  }
0xaf: {  	[tilespmem:s3], [sflag:$0x1] =	stream.strided.gather [hbm4b:s20+s11], $0x200, s12, s11, $0x38;
	[tilespmem:$0x680] =	vst v63  }
0xb0: {  	_ =	swait.ge [sflag:s5], $0x200  }
0xb1: {  	[sflag:s5] =	ssyncset.done $0x0  }
0xb2: {  	[sflag:s5] =	ssyncadd.s32 $0xFFFFFE00  }
0xb3: {  	[spmem:s2] =	stream.indirect.scatter.add.f32 [tilespmem:s6], [sflag:$0x1], $0x1, s3, s6, $0xb8;
	[tilespmem:$0x680] =	vst v63  }
0xb4: {  	_ =	swait.ge [sflag:s5], $0x200  }
0xb5: {  	[sflag:s5] =	ssyncset.done $0x0  }
0xb6: {  	[sflag:s5] =	ssyncadd.s32 $0xFFFFFE00  }
0xb7: {  	[tilespmem:s3], [sflag:$0x1] =	stream.strided.gather [hbm4b:s21+s11], $0x200, s12, s11, $0x38;
	[tilespmem:$0x680] =	vst v63  }
0xb8: {  	_ =	swait.ge [sflag:s5], $0x200  }
0xb9: {  	[sflag:s5] =	ssyncset.done $0x0  }
0xba: {  	[sflag:s5] =	ssyncadd.s32 $0xFFFFFE00  }
0xbb: {  	[spmem:s2] =	stream.indirect.scatter.add.f32 [tilespmem:s6], [sflag:$0x1], $0x1, s3, s6, $0xb8;
	[tilespmem:$0x680] =	vst v63  }
0xbc: {  	_ =	swait.ge [sflag:s5], $0x200  }
0xbd: {  	[sflag:s5] =	ssyncset.done $0x0  }
.Ltmp1:
0xbe: {  	[sflag:s5] =	ssyncadd.s32 $0xFFFFFE00;
	(pc) =	sbr.rel @p0 .LBB2_1-.Ltmp1, $4  }
0xbf: {  	[bflag:$0x0] =	sbarrier.arrive $0xFFFF  }
0xc0: {  	[hbm:s22@s23], [sflag:s8] =	dma.strided [spmem:s9@s24], $0x50, s5, $0x10   }
0xc1: {  	_ =	swait.ge [sflag:s5], $0x50  }
0xc2: {  	[sflag:s5] =	ssyncset.done $0x0  }
.LBB2_2:
0xc3: {  	[sflag:s5] =	ssyncadd.s32 $0xFFFFFFB0  }
0xc4: {  	_ =	sfence.sel $0x180000  }
0xc5: {  	[bflag:$0x0] =	sbarrier.arrive $0xFFFF  }
0xc6: {  	p0 =	sne.s32 s0, $0x0;
	_ =	strace $0x90000047  }
0xc7: {  	s0 =	sadd.s32 @!p0 $0x100000, s1;
	[bflag:$0x2] =	sbarrier.arrive $0xFFFF  }
0xc8: {  	[sflag:s0] =	ssyncadd.tile.s32 @!p0 $0x1;
	_ =	shalt  }
.Lfunc_end2:
_tile_overlayer_lowered:
.L_overlay_start_2:
0xc9: {  	(tag) =	ssettag $0x2  }
0xca: {  	s0 =	rddreg [dreg:$0x0];
	s2 =	stileid.u32  }
0xcb: {  	s1 =	rddreg [dreg:$0x1];
	p0 =	sne.s32 s2, $0x0  }
0xcc: {  	s3 =	rddreg [dreg:$0x2];
	[bflag:$0x3] =	sbarrier.arrive $0xFFFF;
	s2 =	simm.s32 @!p0 $0x1C01  }
0xcd: {  	[timem:s3], [sflag:s2] =	dma.local @!p0 [hbm:s0], s1  }
0xce: {  	s0 =	simm.s32 @!p0 $0x1  }
0xcf: {  	_ =	swait.ge @!p0 [sflag:s0], s1  }
0xd0: {  	s1 =	ssub.s32 @!p0 $0x0, s1;
	[sflag:s0] =	ssyncset.done @!p0 $0x0  }
0xd1: {  	[sflag:s0] =	ssyncadd.s32 @!p0 s1  }
0xd2: {  	[bflag:$0x3] =	sbarrier.arrive $0xFFFF  }
0xd3: {  	_ =	shalt  }

// kernel: kernel.13.cloned.1.call-start
scs
__scs_entry_jumppad:
0x0: {  	(pc) =	sbr.rel $0x88, $3  }
0x1: {  	(tag) =	ssettag $0x0;
	lr =	simm.s32 $0x1  }
0x2: {  	[smem:$0x3F9D] =	sst lr;
	_ =	strace $0xD0000000  }
0x3: {  	_ = 	snop  }
0x4: {  	_ = 	snop  }
0x5: {  	_ = 	snop  }
0x6: {  	_ = 	snop  }
0x7: {  	_ = 	snop  }
__scs_overlays_trampoline_lowered:
0x8: {  	[smem:$0x3FAC] =	sst s0  }
0x9: {  	[smem:$0x3FAD] =	sst s1  }
0xa: {  	[smem:$0x3FAE] =	sst s2  }
0xb: {  	[smem:$0x3FAF] =	sst s3  }
0xc: {  	[smem:$0x3FB0] =	sst s4  }
0xd: {  	[smem:$0x3FB1] =	sst s5  }
0xe: {  	[smem:$0x3FB2] =	sst s6  }
0xf: {  	[smem:$0x3FB3] =	sst s7  }
0x10: {  	[smem:$0x3FB4] =	sst s8  }
0x11: {  	[smem:$0x3FB5] =	sst s9;
	s0 =	simm.s32 @!p0 $0x0  }
0x12: {  	s1 =	sld [smem:$0x3F9B];
	s0 =	simm.s32 @p0 $0x1  }
0x13: {  	[smem:$0x3FB6] =	sst s0;
	s0 =	simm.s32 @!p1 $0x0  }
0x14: {  	s2 =	sld [smem:$0x3F9A];
	s0 =	simm.s32 @p1 $0x1  }
0x15: {  	[smem:$0x3FB7] =	sst s0;
	s0 =	simm.s32 @!p2 $0x0  }
0x16: {  	s3 =	sld [smem:$0x3FDB];
	s0 =	simm.s32 @p2 $0x1  }
0x17: {  	s4 =	simm.s32 $0x1BF5;
	[smem:$0x3FB9] =	sst s0  }
0x18: {  	s0 =	sld [smem:$0x3F9C];
	_ =	swait.ge [sflag:s4], $0x0  }
0x19: {  	s7 =	sld [smem:$0x3F9D]  }
0x1a: {  	s8 =	sadd.s32 $0xFFFFE003, lr  }
0x1b: {  	s9 =	sadd.s32 $0xFFFFFEF7, lr;
	s5 =	simm.s32 $0xFFFFFFFF;
	p2 =	slt.u32 s8, $0xFFFFF086  }
0x1c: {  	p1 =	slt.u32 s9, $0xF7A;
	s5 =	simm.s32 @!p2 $0x0  }
0x1d: {  	s5 =	simm.s32 @p1 $0x1;
	p0 =	seq.s32 s7, s2  }
0x1e: {  	s7 =	smul.u32 @!p0 $0xF7A, s2;
	p2 =	seq.s32 @!p0 s5, $0x0  }
0x1f: {  	s9 =	smul.u32 $0xF7A, s1;
	s8 =	simm.s32 @!p0 $0x1BF5;
	p2 =	por !p2, p0  }
0x20: {  	[sflag:s8] =	ssyncset.s32 @!p0 $0xFFFFF086;
	s6 =	sadd.s32 @!p0 s3, s7;
	s7 =	simm.s32 @!p0 $0x108  }
0x21: {  	s3 =	sadd.s32 s3, s9;
	s6 =	sadd.s32 @!p0 $0x88, s6;
	s7 =	simm.s32 @p2 $0x1082  }
0x22: {  	[simem:s7], [sflag:s8] =	dma.local @!p0 [hbm:s6], $0xF7A  }
0x23: {  	s9 =	sor.u32 $0xD0000000, s2;
	s6 =	simm.s32 $0x108;
	_ =	swait.ge @!p0 [sflag:s8], $0x0  }
0x24: {  	s3 =	sadd.s32 $0x88, s3;
	s6 =	simm.s32 @!p1 $0x1082;
	[sflag:s4] =	ssyncset.s32 $0xFFFFF086  }
0x25: {  	[simem:s6], [sflag:s4] =	dma.local [hbm:s3], $0xF7A  }
0x26: {  	[smem:$0x3F9D] =	sst s1;
	(tag) =	ssettag s2;
	_ =	strace s9  }
0x27: {  	s1 =	sld [smem:$0x3FAD]  }
0x28: {  	s2 =	sld [smem:$0x3FAE]  }
0x29: {  	s4 =	sld [smem:$0x3FB0]  }
0x2a: {  	p0 =	seq.s32 s5, $0x0;
	s5 =	sld [smem:$0x3FB1]  }
0x2b: {  	s6 =	sld [smem:$0x3FB2]  }
0x2c: {  	s7 =	sld [smem:$0x3FB3]  }
0x2d: {  	s3 =	simm.s32 $0x108;
	s8 =	sld [smem:$0x3FB4]  }
0x2e: {  	s3 =	simm.s32 @!p0 $0x1082;
	s9 =	sld [smem:$0x3FB5]  }
0x2f: {  	lr =	sadd.s32 s0, s3;
	s0 =	sld [smem:$0x3FAC]  }
0x30: {  	s3 =	sld [smem:$0x3FAF]  }
0x31: {  	[smem:$0x3FB8] =	sst s10  }
0x32: {  	s10 =	sld [smem:$0x3FB6];
	_ =	sdelay $0x3  }
0x33: {  	p0 =	seq.s32 s10, $0x1;
	s10 =	sld [smem:$0x3FB8];
	_ =	sdelay $0x3  }
0x34: {  	[smem:$0x3FB8] =	sst s10  }
0x35: {  	s10 =	sld [smem:$0x3FB7];
	_ =	sdelay $0x3  }
0x36: {  	p1 =	seq.s32 s10, $0x1;
	s10 =	sld [smem:$0x3FB8];
	_ =	sdelay $0x3  }
0x37: {  	[smem:$0x3FB8] =	sst s10  }
0x38: {  	s10 =	sld [smem:$0x3FB9]  }
0x39: {  	_ = 	snop;
	(pc) =	sbr.ind lr, $3  }
0x3a: {  	_ = 	snop  }
0x3b: {  	_ = 	snop  }
0x3c: {  	p2 =	seq.s32 s10, $0x1;
	s10 =	sld [smem:$0x3FB8]  }
0x3d: {  	_ =	shalt  }
0x3e: {  	_ =	shalt  }
0x3f: {  	_ =	shalt  }
0x40: {  	_ =	shalt  }
0x41: {  	_ =	shalt  }
0x42: {  	_ =	shalt  }
0x43: {  	_ =	shalt  }
0x44: {  	_ =	shalt  }
0x45: {  	_ =	shalt  }
0x46: {  	_ =	shalt  }
0x47: {  	_ =	shalt  }
0x48: {  	_ =	shalt  }
0x49: {  	_ =	shalt  }
0x4a: {  	_ =	shalt  }
0x4b: {  	_ =	shalt  }
0x4c: {  	_ =	shalt  }
0x4d: {  	_ =	shalt  }
0x4e: {  	_ =	shalt  }
0x4f: {  	_ =	shalt  }
0x50: {  	_ =	shalt  }
0x51: {  	_ =	shalt  }
0x52: {  	_ =	shalt  }
0x53: {  	_ =	shalt  }
0x54: {  	_ =	shalt  }
0x55: {  	_ =	shalt  }
0x56: {  	_ =	shalt  }
0x57: {  	_ =	shalt  }
0x58: {  	_ =	shalt  }
0x59: {  	_ =	shalt  }
0x5a: {  	_ =	shalt  }
0x5b: {  	_ =	shalt  }
0x5c: {  	_ =	shalt  }
0x5d: {  	_ =	shalt  }
0x5e: {  	_ =	shalt  }
0x5f: {  	_ =	shalt  }
0x60: {  	_ =	shalt  }
0x61: {  	_ =	shalt  }
0x62: {  	_ =	shalt  }
0x63: {  	_ =	shalt  }
0x64: {  	_ =	shalt  }
0x65: {  	_ =	shalt  }
0x66: {  	_ =	shalt  }
0x67: {  	_ =	shalt  }
0x68: {  	_ =	shalt  }
0x69: {  	_ =	shalt  }
0x6a: {  	_ =	shalt  }
0x6b: {  	_ =	shalt  }
0x6c: {  	_ =	shalt  }
0x6d: {  	_ =	shalt  }
0x6e: {  	_ =	shalt  }
0x6f: {  	_ =	shalt  }
0x70: {  	_ =	shalt  }
0x71: {  	_ =	shalt  }
0x72: {  	_ =	shalt  }
0x73: {  	_ =	shalt  }
0x74: {  	_ =	shalt  }
0x75: {  	_ =	shalt  }
0x76: {  	_ =	shalt  }
0x77: {  	_ =	shalt  }
0x78: {  	_ =	shalt  }
0x79: {  	_ =	shalt  }
0x7a: {  	_ =	shalt  }
0x7b: {  	_ =	shalt  }
0x7c: {  	_ =	shalt  }
0x7d: {  	_ =	shalt  }
0x7e: {  	_ =	shalt  }
0x7f: {  	_ =	shalt  }
0x80: {  	_ =	shalt  }
0x81: {  	_ =	shalt  }
0x82: {  	_ =	shalt  }
0x83: {  	_ =	shalt  }
0x84: {  	_ =	shalt  }
0x85: {  	_ =	shalt  }
0x86: {  	_ =	shalt  }
0x87: {  	_ =	shalt  }
.Lfunc_end0:
.L_simem_size_0:
called_computation.1_lowered:
.L_overlay_start_0:
0x88: {  	s2 =	sld [smem:$0x3FD9]  }
0x89: {  	s3 =	sld [smem:$0x3FFE];
	_ =	sdelay $0x1  }
0x8a: {  	s1 =	srdreg.scid  }
0x8b: {  	s0 =	sand.u32 $0x1, s1  }
0x8c: {  	s16 =	sshll.u32 s0, $0xA;
	s2 =	sadd.s32 s3, s2  }
0x8d: {  	s2 =	sadd.s32 s2, s16  }
0x8e: {  	[smem:$0x3FC4] =	sst s2  }
0x8f: {  	_ = 	snop  }
0x90: {  	(tm) =	ssettm $0x1  }
0x91: {  	s17 =	sld [smem:$0x3FFB];
	_ =	sdelay $0x3  }
0x92: {  	_ =	strace s17  }
0x93: {  	s2 =	sld [smem:$0x3FFC];
	_ =	sdelay $0x3  }
0x94: {  	_ =	strace s2  }
0x95: {  	s2 =	sld [smem:$0x3FFD];
	_ =	sdelay $0x3  }
0x96: {  	_ =	strace s2  }
0x97: {  	_ =	strace $0x8FFFFFFF  }
0x98: {  	s18 =	sld [smem:$0x3FDB];
	_ =	sdelay $0x1  }
0x99: {  	s19 =	simm.s32 $_scs_section_size  }
0x9a: {  	s4 =	simm.s32 $_size__tile_overlayer_lowered;
	s5 =	simm.s32 $_tile_overlayer_lowered  }
0x9b: {  	s22 =	simm.s32 $0x1BFF;
	s21 =	sshll.u32 s5, $0x1;
	s2 =	sadd.s32 s19, s18  }
0x9c: {  	s6 =	simm.s32 $0x0;
	s20 =	sshll.u32 s4, $0x1;
	s4 =	sadd.s32 s21, s2  }
0x9d: {  	[timem:s6], [sflag:s22] =	dma.local [hbm:s4], s20  }
0x9e: {  	_ =	swait.ge [sflag:s22], s20  }
0x9f: {  	s3 =	ssub.s32 $0x0, s20;
	[sflag:s22] =	ssyncset.done $0x0  }
0xa0: {  	[sflag:s22] =	ssyncadd.s32 s3;
	_ =	sdelay $0x1  }
0xa1: {  	s23 =	simm.s32 $0x1B8B  }
0xa2: {  	_ =	swait.ge [sflag:s23], $0x1  }
0xa3: {  	[sflag:s23] =	ssyncset.done $0x0  }
0xa4: {  	s25 =	simm.s32 $0x1B8E;
	s24 =	sld [smem:$0x3FFE];
	[sflag:s23] =	ssyncadd.s32 $0xFFFFFFFF  }
0xa5: {  	s26 =	simm.s32 $execute0_lowered;
	[smem:$0x3FD2] =	sst s25  }
0xa6: {  	s4 =	sshll.u32 s26, $0x1;
	_ =	strace $0x80000049;
	[dreg:$0x1] =	wrdreg $0xFFFFFFFF  }
0xa7: {  	s28 =	simm.s32 $_size_execute0_lowered;
	s2 =	sadd.s32 s2, s4;
	[dreg:$0x0] =	wrdreg $0x0  }
0xa8: {  	s4 =	sshll.u32 s28, $0x1;
	[dreg:$0x2] =	wrdreg s2  }
0xa9: {  	[dreg:$0x3] =	wrdreg s4  }
0xaa: {  	[dreg:$0x4] =	wrdreg $0xC0  }
0xab: {  	_ =	task [dreg:s6], $0x5FFFF  }
0xac: {  	[dreg:$0x1] =	wrdreg $0xFFFFFFFF  }
0xad: {  	[dreg:$0x0] =	wrdreg $0x60  }
0xae: {  	[dreg:$0x2] =	wrdreg s24  }
0xaf: {  	[dreg:$0x3] =	wrdreg $0x84000  }
0xb0: {  	[dreg:$0x4] =	wrdreg $0x9  }
0xb1: {  	_ =	task.clear_ibuf [dreg:s6], $0x5FFFF;
	_ =	strace $0x90000049  }
0xb2: {  	s29 =	simm.s32 $0x9;
	_ =	strace $0x8000004B  }
0xb3: {  	_ =	swait.ge [sflag:s29], $0x1  }
0xb4: {  	[sflag:s29] =	ssyncadd.s32 $0xFFFFFFFF  }
0xb5: {  	_ =	strace $0x9000004B  }
0xb6: {  	_ =	sfence  }
0xb7: {  	s30 =	sld [smem:$0x0];
	_ =	sdelay $0x2  }
0xb8: {  	s31 =	sshll.u32 s1, $0xD;
	s1 =	sshrl.u32 s1, $0x2  }
0xb9: {  	s3 =	sand.u32 $0x4000, s31;
	s1 =	sadd.s32 s1, s30  }
0xba: {  	s0 =	sor.u32 s3, s0;
	s1 =	sshll.u32 s1, $0x11  }
0xbb: {  	s0 =	sor.u32 s1, s0  }
0xbc: {  	s0 =	sadd.s32 $0x8F2B, s0  }
0xbd: {  	[sflag:s0] =	ssyncadd.remote.s32 $0x1  }
0xbe: {  	_ =	sfence.sel $0xFFFF  }
0xbf: {  	[dreg:$0x0] =	wrdreg $0xFFFFFFFF;
	(pc) =	sbr.abs _section_cstart, $3  }
0xc0: {  	[dreg:$0x1] =	wrdreg $0xFFFFFFFF  }
0xc1: {  	_ =	task.clear_ibuf [dreg:s6], $0x2FFFF;
	_ =	strace $0x9FFFFFFF  }
0xc2: {  	(tm) =	ssettm $0x7FFFFFFF  }
0xc3: {  	_ =	shalt  }
tec
execute0_lowered:
.L_overlay_start_1:
0x0: {  	(tag) =	ssettag $0x1  }
0x1: {  	s0 =	rddreg [dreg:$0x0]  }
0x2: {  	s2 =	rddreg [dreg:$0x1];
	s10 =	stileid.u32  }
0x3: {  	s1 =	srdreg.scid;
	s3 =	simm.s32 $0x0;
	s12 =	simm.s32 $0x200  }
0x4: {  	s13 =	simm.s32 $0x80;
	s14 =	simm.s32 $0x280;
	s17 =	simm.s32 $0x100  }
0x5: {  	s18 =	simm.s32 $0x300;
	s19 =	simm.s32 $0x1;
	s20 =	simm.s32 $0x400  }
0x6: {  	s21 =	simm.s32 $0x180;
	s22 =	simm.s32 $0x380;
	s28 =	simm.s32 $0x7  }
0x7: {  	s29 =	simm.s32 $0x3;
	s30 =	simm.s32 $0x6;
	s4 =	smul.u32 $0x500, s10  }
0x8: {  	s31 =	simm.s32 $0x8;
	s1 =	sand.u32 $0x1, s1;
	s7 =	smul.u32 $0x50000, s10  }
0x9: {  	[smem:$0x7FF] =	sst s3;
	s9 =	smul.u32 $0x2800, s10;
	s26 =	sshll.u32 s10, $0x6  }
0xa: {  	s10 =	simm.s32 $0x9;
	s5 =	smul.u32 $0x28000, s1;
	s1 =	ssub.s32 $0x2, s1  }
0xb: {  	_ =	strace $0x8000004A;
	s6 =	sadd.s32 s4, s0;
	s23 =	sshrl.u32 s1, $0x1  }
0xc: {  	s24 =	sshrl.u32 s7, $0x2;
	s7 =	sor.u32 $0x1C09, s26;
	s26 =	simm.s32 $0x5  }
0xd: {  	s0 =	sadd.s32 s5, s0;
	s1 =	ssub.s32 s1, s23;
	s4 =	sadd.s32 $0x7800, s6  }
0xe: {  	s5 =	sadd.s32 $0x1600, s6;
	s8 =	sadd.s32 $0x7810, s6;
	[dreg:$0x6] =	wrdreg s7  }
0xf: {  	s6 =	sadd.s32 $0x1610, s6;
	s23 =	simm.s32 $0x2;
	[dreg:$0x3] =	wrdreg s8  }
0x10: {  	[dreg:$0x4] =	wrdreg s6;
	s8 =	sadd.s32 $0xC800, s0;
	s1 =	smax.u32 s1, $0x1  }
0x11: {  	s0 =	sadd.s32 $0x5C800, s0;
	s25 =	sadd.s32 s9, s8;
	[dreg:$0x7] =	wrdreg s1  }
0x12: {  	s6 =	sadd.s32 s24, s2;
	s0 =	sadd.s32 s9, s0;
	[dreg:$0x5] =	wrdreg s25  }
0x13: {  	s6 =	sshrl.u32 s6, $0x3;
	s9 =	simm.s32 $0x0;
	[dreg:$0x9] =	wrdreg s0  }
0x14: {  	s25 =	simm.s32 $0x4400;
	s0 =	simm.s32 $0x4;
	[dreg:$0x8] =	wrdreg s6  }
.LBB2_1:
0x15: {  	[dreg:$0xa] =	wrdreg s9  }
0x16: {  	[tilespmem:s3], [sflag:$0x1] =	stream.linear.gather [hbm4b:s4+s3], $0x80, $0x38;
	[tilespmem:$0x1C400] =	vst v63  }
0x17: {  	s1 =	rddreg [dreg:$0x3]  }
0x18: {  	[tilespmem:s12], [sflag:$0x1] =	stream.linear.gather [hbm4b:s5+s3], $0x80, $0x38;
	[tilespmem:$0x1C400] =	vst v63  }
0x19: {  	s16 =	rddreg [dreg:$0x4]  }
0x1a: {  	[tilespmem:s13], [sflag:$0x2] =	stream.linear.gather [hbm4b:s1+s3], $0x80, $0x38;
	[tilespmem:$0x1C400] =	vst v63  }
0x1b: {  	s24 =	rddreg [dreg:$0x5]  }
0x1c: {  	[tilespmem:s14], [sflag:$0x2] =	stream.linear.gather [hbm4b:s16+s3], $0x80, $0x38;
	[tilespmem:$0x1C400] =	vst v63  }
0x1d: {  	[spmem:s6], [sflag:s7] =	dma.local [hbm:s24], $0x2800  }
0x1e: {  	_ =	swait.ge [sflag:s10], $0x2800  }
0x1f: {  	[sflag:s10] =	ssyncset.done $0x0  }
0x20: {  	p0 =	por $0x1, $0x1;
	[sflag:s10] =	ssyncadd.s32 $0xFFFFD800  }
0x21: {  	s6 =	simm.s32 @!p0 $0x7;
	[bflag:$0x0] =	sbarrier.arrive $0xFFFF  }
0x22: {  	_ =	swait.ge @!p0 [sflag:s6], $0x4000  }
0x23: {  	s1 =	sadd.s32 $0x0, s4;
	[sflag:s6] =	ssyncset.done @!p0 $0x0  }
0x24: {  	s9 =	sadd.s32 $0x20, s1;
	s10 =	sadd.s32 $0x0, s5;
	[sflag:s6] =	ssyncadd.s32 @!p0 $0xFFFFC000  }
0x25: {  	[tilespmem:s17], [sflag:$0x3] =	stream.linear.gather [hbm4b:s9+s3], $0x80, $0x38;
	[tilespmem:$0x1C400] =	vst v63  }
0x26: {  	s15 =	sadd.s32 $0x20, s10  }
0x27: {  	[tilespmem:s18], [sflag:$0x3] =	stream.linear.gather [hbm4b:s15+s3], $0x80, $0x38;
	[tilespmem:$0x1C400] =	vst v63  }
0x28: {  	_ =	swait.ge [sflag:s19], $0x80  }
0x29: {  	[sflag:s19] =	ssyncset.done $0x0  }
0x2a: {  	[sflag:s19] =	ssyncadd.s32 $0xFFFFFF80  }
0x2b: {  	_ =	swait.ge [sflag:s19], $0x80  }
0x2c: {  	[sflag:s19] =	ssyncset.done $0x0  }
0x2d: {  	s6 =	simm.s32 @!p0 $0x6;
	[sflag:s19] =	ssyncadd.s32 $0xFFFFFF80  }
0x2e: {  	[tilespmem:s20], [sflag:$0x5] =	stream.indirect.gather [hbm4b:s8+s13], $0x80, s3, s13, $0xb8;
	[tilespmem:$0x1C400] =	vst v63  }
0x2f: {  	_ =	swait.ge @!p0 [sflag:s6], $0x4000  }
0x30: {  	s11 =	simm.s32 @!p0 $0x4400;
	[sflag:s6] =	ssyncset.done @!p0 $0x0  }
0x31: {  	s24 =	simm.s32 @!p0 $0x380;
	[sflag:s6] =	ssyncadd.s32 @!p0 $0xFFFFC000;
	s6 =	simm.s32 @!p0 $0x80  }
0x32: {  	[spmem:s2] =	stream.indirect.scatter.add.f32 @!p0 [tilespmem:s11], [sflag:$0x8], $0x80, s24, s6, $0xb8;
	[tilespmem:$0x1C400] =	vst v63  }
0x33: {  	s6 =	simm.s32 @!p0 $0x8  }
0x34: {  	_ =	swait.ge @!p0 [sflag:s6], $0x4000  }
0x35: {  	[sflag:s6] =	ssyncset.done @!p0 $0x0  }
0x36: {  	s16 =	sadd.s32 $0x30, s1;
	[sflag:s6] =	ssyncadd.s32 @!p0 $0xFFFFC000  }
0x37: {  	[tilespmem:s21], [sflag:$0x4] =	stream.linear.gather [hbm4b:s16+s3], $0x80, $0x38;
	[tilespmem:$0x1C400] =	vst v63  }
0x38: {  	s24 =	sadd.s32 $0x30, s10  }
0x39: {  	[tilespmem:s22], [sflag:$0x4] =	stream.linear.gather [hbm4b:s24+s3], $0x80, $0x38;
	[tilespmem:$0x1C400] =	vst v63  }
0x3a: {  	_ =	swait.ge [sflag:s23], $0x80  }
0x3b: {  	[sflag:s23] =	ssyncset.done $0x0  }
0x3c: {  	[sflag:s23] =	ssyncadd.s32 $0xFFFFFF80  }
0x3d: {  	_ =	swait.ge [sflag:s23], $0x80  }
0x3e: {  	[sflag:s23] =	ssyncset.done $0x0  }
0x3f: {  	[sflag:s23] =	ssyncadd.s32 $0xFFFFFF80  }
0x40: {  	[tilespmem:s25], [sflag:$0x6] =	stream.indirect.gather [hbm4b:s8+s13], $0x80, s13, s13, $0xb8;
	[tilespmem:$0x1C400] =	vst v63  }
0x41: {  	_ =	swait.ge [sflag:s26], $0x4000  }
0x42: {  	[sflag:s26] =	ssyncset.done $0x0  }
0x43: {  	[sflag:s26] =	ssyncadd.s32 $0xFFFFC000  }
0x44: {  	[spmem:s2] =	stream.indirect.scatter.add.f32 [tilespmem:s20], [sflag:$0x7], $0x80, s12, s13, $0xb8;
	[tilespmem:$0x1C400] =	vst v63  }
0x45: {  	p0 =	por $0x0, $0x0;
	_ =	swait.ge [sflag:s28], $0x4000  }
0x46: {  	s6 =	sadd.s32 @!p0 $0x0, s4;
	s7 =	sadd.s32 @!p0 $0x0, s5;
	[sflag:s28] =	ssyncset.done $0x0  }
0x47: {  	s11 =	simm.s32 @!p0 $0x0;
	s9 =	sadd.s32 @!p0 $0x40, s6;
	[sflag:s28] =	ssyncadd.s32 $0xFFFFC000  }
0x48: {  	[tilespmem:s11], [sflag:$0x1] =	stream.linear.gather @!p0 [hbm4b:s9+s11], $0x80, $0x38;
	[tilespmem:$0x1C400] =	vst v63  }
0x49: {  	s24 =	simm.s32 @!p0 $0x200;
	s9 =	sadd.s32 @!p0 $0x40, s7  }
0x4a: {  	[tilespmem:s24], [sflag:$0x1] =	stream.linear.gather @!p0 [hbm4b:s9+s11], $0x80, $0x38;
	[tilespmem:$0x1C400] =	vst v63  }
0x4b: {  	_ =	swait.ge [sflag:s29], $0x80  }
0x4c: {  	[sflag:s29] =	ssyncset.done $0x0  }
0x4d: {  	[sflag:s29] =	ssyncadd.s32 $0xFFFFFF80  }
0x4e: {  	_ =	swait.ge [sflag:s29], $0x80  }
0x4f: {  	[sflag:s29] =	ssyncset.done $0x0  }
0x50: {  	[sflag:s29] =	ssyncadd.s32 $0xFFFFFF80  }
0x51: {  	[tilespmem:s20], [sflag:$0x5] =	stream.indirect.gather [hbm4b:s8+s13], $0x80, s17, s13, $0xb8;
	[tilespmem:$0x1C400] =	vst v63  }
0x52: {  	_ =	swait.ge [sflag:s30], $0x4000  }
0x53: {  	[sflag:s30] =	ssyncset.done $0x0  }
0x54: {  	[sflag:s30] =	ssyncadd.s32 $0xFFFFC000  }
0x55: {  	[spmem:s2] =	stream.indirect.scatter.add.f32 [tilespmem:s25], [sflag:$0x8], $0x80, s14, s13, $0xb8;
	[tilespmem:$0x1C400] =	vst v63  }
0x56: {  	_ =	swait.ge [sflag:s31], $0x4000  }
0x57: {  	[sflag:s31] =	ssyncset.done $0x0  }
0x58: {  	s6 =	sadd.s32 @!p0 $0x50, s6;
	s9 =	simm.s32 @!p0 $0x80;
	[sflag:s31] =	ssyncadd.s32 $0xFFFFC000  }
0x59: {  	[tilespmem:s9], [sflag:$0x2] =	stream.linear.gather @!p0 [hbm4b:s6+s11], $0x80, $0x38;
	[tilespmem:$0x1C400] =	vst v63  }
0x5a: {  	s6 =	sadd.s32 @!p0 $0x50, s7;
	s7 =	simm.s32 @!p0 $0x280  }
0x5b: {  	[tilespmem:s7], [sflag:$0x2] =	stream.linear.gather @!p0 [hbm4b:s6+s11], $0x80, $0x38;
	[tilespmem:$0x1C400] =	vst v63  }
0x5c: {  	_ =	swait.ge [sflag:s0], $0x80  }
0x5d: {  	[sflag:s0] =	ssyncset.done $0x0  }
0x5e: {  	[sflag:s0] =	ssyncadd.s32 $0xFFFFFF80  }
0x5f: {  	_ =	swait.ge [sflag:s0], $0x80  }
0x60: {  	[sflag:s0] =	ssyncset.done $0x0  }
0x61: {  	[sflag:s0] =	ssyncadd.s32 $0xFFFFFF80  }
0x62: {  	[tilespmem:s25], [sflag:$0x6] =	stream.indirect.gather [hbm4b:s8+s13], $0x80, s21, s13, $0xb8;
	[tilespmem:$0x1C400] =	vst v63  }
0x63: {  	p1 =	por $0x0, $0x0;
	_ =	swait.ge [sflag:s26], $0x4000  }
0x64: {  	s6 =	simm.s32 $0x40;
	s7 =	simm.s32 $0x80;
	[sflag:s26] =	ssyncset.done $0x0  }
.LBB2_2:
0x65: {  	s11 =	simm.s32 @!p1 $0x7  }
0x66: {  	[sflag:s26] =	ssyncadd.s32 $0xFFFFC000;
	s9 =	smov.u32 s7;
	s7 =	sadd.s32 $0x40, s7  }
0x67: {  	[spmem:s2] =	stream.indirect.scatter.add.f32 [tilespmem:s20], [sflag:$0x7], $0x80, s18, s13, $0xb8;
	[tilespmem:$0x1C400] =	vst v63  }
0x68: {  	p0 =	sne.s32 s7, $0x500;
	_ =	swait.ge @!p1 [sflag:s11], $0x4000  }
0x69: {  	s24 =	sadd.s32 s6, s4;
	[sflag:s11] =	ssyncset.done @!p1 $0x0  }
0x6a: {  	s10 =	sadd.s32 s6, s5;
	[sflag:s11] =	ssyncadd.s32 @!p1 $0xFFFFC000;
	s11 =	sadd.s32 $0x20, s24  }
0x6b: {  	[tilespmem:s17], [sflag:$0x3] =	stream.linear.gather [hbm4b:s11+s3], $0x80, $0x38;
	[tilespmem:$0x1C400] =	vst v63  }
0x6c: {  	s11 =	sadd.s32 $0x20, s10  }
0x6d: {  	[tilespmem:s18], [sflag:$0x3] =	stream.linear.gather [hbm4b:s11+s3], $0x80, $0x38;
	[tilespmem:$0x1C400] =	vst v63  }
0x6e: {  	_ =	swait.ge [sflag:s19], $0x80  }
0x6f: {  	[sflag:s19] =	ssyncset.done $0x0  }
0x70: {  	[sflag:s19] =	ssyncadd.s32 $0xFFFFFF80  }
0x71: {  	_ =	swait.ge [sflag:s19], $0x80  }
0x72: {  	[sflag:s19] =	ssyncset.done $0x0  }
0x73: {  	s11 =	simm.s32 @!p1 $0x6;
	[sflag:s19] =	ssyncadd.s32 $0xFFFFFF80  }
0x74: {  	[tilespmem:s20], [sflag:$0x5] =	stream.indirect.gather [hbm4b:s8+s13], $0x80, s3, s13, $0xb8;
	[tilespmem:$0x1C400] =	vst v63  }
0x75: {  	_ =	swait.ge @!p1 [sflag:s11], $0x4000  }
0x76: {  	s15 =	simm.s32 @!p1 $0x4400;
	s16 =	simm.s32 @!p1 $0x8;
	[sflag:s11] =	ssyncset.done @!p1 $0x0  }
0x77: {  	s1 =	simm.s32 @!p1 $0x380;
	[sflag:s11] =	ssyncadd.s32 @!p1 $0xFFFFC000;
	s11 =	simm.s32 @!p1 $0x80  }
0x78: {  	[spmem:s2] =	stream.indirect.scatter.add.f32 @!p1 [tilespmem:s15], [sflag:$0x8], $0x80, s1, s11, $0xb8;
	[tilespmem:$0x1C400] =	vst v63  }
0x79: {  	_ =	swait.ge @!p1 [sflag:s16], $0x4000  }
0x7a: {  	[sflag:s16] =	ssyncset.done @!p1 $0x0  }
0x7b: {  	s1 =	sadd.s32 $0x30, s24;
	[sflag:s16] =	ssyncadd.s32 @!p1 $0xFFFFC000  }
0x7c: {  	[tilespmem:s21], [sflag:$0x4] =	stream.linear.gather [hbm4b:s1+s3], $0x80, $0x38;
	[tilespmem:$0x1C400] =	vst v63  }
0x7d: {  	s1 =	sadd.s32 $0x30, s10  }
0x7e: {  	[tilespmem:s22], [sflag:$0x4] =	stream.linear.gather [hbm4b:s1+s3], $0x80, $0x38;
	[tilespmem:$0x1C400] =	vst v63  }
0x7f: {  	_ =	swait.ge [sflag:s23], $0x80  }
0x80: {  	[sflag:s23] =	ssyncset.done $0x0  }
0x81: {  	[sflag:s23] =	ssyncadd.s32 $0xFFFFFF80  }
0x82: {  	_ =	swait.ge [sflag:s23], $0x80  }
0x83: {  	[sflag:s23] =	ssyncset.done $0x0  }
0x84: {  	[sflag:s23] =	ssyncadd.s32 $0xFFFFFF80  }
0x85: {  	[tilespmem:s25], [sflag:$0x6] =	stream.indirect.gather [hbm4b:s8+s13], $0x80, s13, s13, $0xb8;
	[tilespmem:$0x1C400] =	vst v63  }
0x86: {  	_ =	swait.ge [sflag:s26], $0x4000  }
0x87: {  	[sflag:s26] =	ssyncset.done $0x0  }
0x88: {  	[sflag:s26] =	ssyncadd.s32 $0xFFFFC000  }
0x89: {  	[spmem:s2] =	stream.indirect.scatter.add.f32 [tilespmem:s20], [sflag:$0x7], $0x80, s12, s13, $0xb8;
	[tilespmem:$0x1C400] =	vst v63  }
0x8a: {  	p1 =	seq.s32 s6, $0x4C0;
	_ =	swait.ge [sflag:s28], $0x4000  }
0x8b: {  	s1 =	sadd.s32 @!p1 s6, s4;
	s6 =	sadd.s32 @!p1 s6, s5;
	[sflag:s28] =	ssyncset.done $0x0  }
0x8c: {  	s11 =	simm.s32 @!p1 $0x0;
	s10 =	sadd.s32 @!p1 $0x40, s1;
	[sflag:s28] =	ssyncadd.s32 $0xFFFFC000  }
0x8d: {  	[tilespmem:s11], [sflag:$0x1] =	stream.linear.gather @!p1 [hbm4b:s10+s11], $0x80, $0x38;
	[tilespmem:$0x1C400] =	vst v63  }
0x8e: {  	s15 =	simm.s32 @!p1 $0x200;
	s1 =	sadd.s32 @!p1 $0x50, s1;
	s10 =	sadd.s32 @!p1 $0x40, s6  }
0x8f: {  	[tilespmem:s15], [sflag:$0x1] =	stream.linear.gather @!p1 [hbm4b:s10+s11], $0x80, $0x38;
	[tilespmem:$0x1C400] =	vst v63  }
0x90: {  	s10 =	sadd.s32 @!p1 $0x50, s6;
	s6 =	smov.u32 s9;
	_ =	swait.ge [sflag:s29], $0x80  }
0x91: {  	[sflag:s29] =	ssyncset.done $0x0  }
0x92: {  	[sflag:s29] =	ssyncadd.s32 $0xFFFFFF80  }
0x93: {  	_ =	swait.ge [sflag:s29], $0x80  }
0x94: {  	[sflag:s29] =	ssyncset.done $0x0  }
0x95: {  	[sflag:s29] =	ssyncadd.s32 $0xFFFFFF80  }
0x96: {  	[tilespmem:s20], [sflag:$0x5] =	stream.indirect.gather [hbm4b:s8+s13], $0x80, s17, s13, $0xb8;
	[tilespmem:$0x1C400] =	vst v63  }
0x97: {  	_ =	swait.ge [sflag:s30], $0x4000  }
0x98: {  	[sflag:s30] =	ssyncset.done $0x0  }
0x99: {  	[sflag:s30] =	ssyncadd.s32 $0xFFFFC000  }
0x9a: {  	[spmem:s2] =	stream.indirect.scatter.add.f32 [tilespmem:s25], [sflag:$0x8], $0x80, s14, s13, $0xb8;
	[tilespmem:$0x1C400] =	vst v63  }
0x9b: {  	_ =	swait.ge [sflag:s31], $0x4000  }
0x9c: {  	[sflag:s31] =	ssyncset.done $0x0  }
0x9d: {  	s9 =	simm.s32 @!p1 $0x80;
	[sflag:s31] =	ssyncadd.s32 $0xFFFFC000  }
0x9e: {  	[tilespmem:s9], [sflag:$0x2] =	stream.linear.gather @!p1 [hbm4b:s1+s11], $0x80, $0x38;
	[tilespmem:$0x1C400] =	vst v63  }
0x9f: {  	s1 =	simm.s32 @!p1 $0x280  }
0xa0: {  	[tilespmem:s1], [sflag:$0x2] =	stream.linear.gather @!p1 [hbm4b:s10+s11], $0x80, $0x38;
	[tilespmem:$0x1C400] =	vst v63  }
0xa1: {  	_ =	swait.ge [sflag:s0], $0x80  }
0xa2: {  	[sflag:s0] =	ssyncset.done $0x0  }
0xa3: {  	[sflag:s0] =	ssyncadd.s32 $0xFFFFFF80  }
0xa4: {  	_ =	swait.ge [sflag:s0], $0x80  }
.Ltmp0:
0xa5: {  	[sflag:s0] =	ssyncset.done $0x0;
	(pc) =	sbr.rel @p0 .LBB2_2-.Ltmp0, $4  }
0xa6: {  	[sflag:s0] =	ssyncadd.s32 $0xFFFFFF80  }
0xa7: {  	[tilespmem:s25], [sflag:$0x6] =	stream.indirect.gather [hbm4b:s8+s13], $0x80, s21, s13, $0xb8;
	[tilespmem:$0x1C400] =	vst v63  }
0xa8: {  	_ =	swait.ge [sflag:s26], $0x4000  }
0xa9: {  	p1 =	seq.s32 s6, $0x0;
	[sflag:s26] =	ssyncset.done $0x0  }
0xaa: {  	s1 =	simm.s32 @!p1 $0x7;
	[sflag:s26] =	ssyncadd.s32 $0xFFFFC000  }
0xab: {  	[spmem:s2] =	stream.indirect.scatter.add.f32 [tilespmem:s20], [sflag:$0x7], $0x80, s18, s13, $0xb8;
	[tilespmem:$0x1C400] =	vst v63  }
0xac: {  	_ =	swait.ge @!p1 [sflag:s1], $0x4000  }
0xad: {  	s7 =	sadd.s32 s6, s4;
	[sflag:s1] =	ssyncset.done @!p1 $0x0  }
0xae: {  	s9 =	sadd.s32 s6, s5;
	s16 =	sadd.s32 $0x20, s7;
	[sflag:s1] =	ssyncadd.s32 @!p1 $0xFFFFC000  }
0xaf: {  	[tilespmem:s17], [sflag:$0x3] =	stream.linear.gather [hbm4b:s16+s3], $0x80, $0x38;
	[tilespmem:$0x1C400] =	vst v63  }
0xb0: {  	s24 =	sadd.s32 $0x20, s9  }
0xb1: {  	[tilespmem:s18], [sflag:$0x3] =	stream.linear.gather [hbm4b:s24+s3], $0x80, $0x38;
	[tilespmem:$0x1C400] =	vst v63  }
0xb2: {  	_ =	swait.ge [sflag:s19], $0x80  }
0xb3: {  	[sflag:s19] =	ssyncset.done $0x0  }
0xb4: {  	[sflag:s19] =	ssyncadd.s32 $0xFFFFFF80  }
0xb5: {  	_ =	swait.ge [sflag:s19], $0x80  }
0xb6: {  	[sflag:s19] =	ssyncset.done $0x0  }
0xb7: {  	s1 =	simm.s32 @!p1 $0x6;
	[sflag:s19] =	ssyncadd.s32 $0xFFFFFF80  }
0xb8: {  	[tilespmem:s20], [sflag:$0x5] =	stream.indirect.gather [hbm4b:s8+s13], $0x80, s3, s13, $0xb8;
	[tilespmem:$0x1C400] =	vst v63  }
0xb9: {  	_ =	swait.ge @!p1 [sflag:s1], $0x4000  }
0xba: {  	s10 =	simm.s32 @!p1 $0x4400;
	[sflag:s1] =	ssyncset.done @!p1 $0x0  }
0xbb: {  	s11 =	simm.s32 @!p1 $0x380;
	[sflag:s1] =	ssyncadd.s32 @!p1 $0xFFFFC000;
	s1 =	simm.s32 @!p1 $0x80  }
0xbc: {  	[spmem:s2] =	stream.indirect.scatter.add.f32 @!p1 [tilespmem:s10], [sflag:$0x8], $0x80, s11, s1, $0xb8;
	[tilespmem:$0x1C400] =	vst v63  }
0xbd: {  	s1 =	simm.s32 @!p1 $0x8  }
0xbe: {  	_ =	swait.ge @!p1 [sflag:s1], $0x4000  }
0xbf: {  	[sflag:s1] =	ssyncset.done @!p1 $0x0  }
0xc0: {  	s10 =	sadd.s32 $0x30, s7;
	[sflag:s1] =	ssyncadd.s32 @!p1 $0xFFFFC000  }
0xc1: {  	[tilespmem:s21], [sflag:$0x4] =	stream.linear.gather [hbm4b:s10+s3], $0x80, $0x38;
	[tilespmem:$0x1C400] =	vst v63  }
0xc2: {  	s11 =	sadd.s32 $0x30, s9  }
0xc3: {  	[tilespmem:s22], [sflag:$0x4] =	stream.linear.gather [hbm4b:s11+s3], $0x80, $0x38;
	[tilespmem:$0x1C400] =	vst v63  }
0xc4: {  	_ =	swait.ge [sflag:s23], $0x80  }
0xc5: {  	[sflag:s23] =	ssyncset.done $0x0  }
0xc6: {  	[sflag:s23] =	ssyncadd.s32 $0xFFFFFF80  }
0xc7: {  	_ =	swait.ge [sflag:s23], $0x80  }
0xc8: {  	[sflag:s23] =	ssyncset.done $0x0  }
0xc9: {  	[sflag:s23] =	ssyncadd.s32 $0xFFFFFF80  }
0xca: {  	[tilespmem:s25], [sflag:$0x6] =	stream.indirect.gather [hbm4b:s8+s13], $0x80, s13, s13, $0xb8;
	[tilespmem:$0x1C400] =	vst v63  }
0xcb: {  	_ =	swait.ge [sflag:s26], $0x4000  }
0xcc: {  	[sflag:s26] =	ssyncset.done $0x0  }
0xcd: {  	[sflag:s26] =	ssyncadd.s32 $0xFFFFC000  }
0xce: {  	[spmem:s2] =	stream.indirect.scatter.add.f32 [tilespmem:s20], [sflag:$0x7], $0x80, s12, s13, $0xb8;
	[tilespmem:$0x1C400] =	vst v63  }
0xcf: {  	p0 =	seq.s32 s6, $0x4C0;
	_ =	swait.ge [sflag:s28], $0x4000  }
0xd0: {  	s9 =	simm.s32 @!p0 $0x0;
	s1 =	sadd.s32 @!p0 s6, s4;
	[sflag:s28] =	ssyncset.done $0x0  }
0xd1: {  	s6 =	sadd.s32 @!p0 s6, s5;
	s7 =	sadd.s32 @!p0 $0x40, s1;
	[sflag:s28] =	ssyncadd.s32 $0xFFFFC000  }
0xd2: {  	[tilespmem:s9], [sflag:$0x1] =	stream.linear.gather @!p0 [hbm4b:s7+s9], $0x80, $0x38;
	[tilespmem:$0x1C400] =	vst v63  }
0xd3: {  	s10 =	simm.s32 @!p0 $0x200;
	s7 =	sadd.s32 @!p0 $0x40, s6  }
0xd4: {  	[tilespmem:s10], [sflag:$0x1] =	stream.linear.gather @!p0 [hbm4b:s7+s9], $0x80, $0x38;
	[tilespmem:$0x1C400] =	vst v63  }
0xd5: {  	_ =	swait.ge [sflag:s29], $0x80  }
0xd6: {  	[sflag:s29] =	ssyncset.done $0x0  }
0xd7: {  	[sflag:s29] =	ssyncadd.s32 $0xFFFFFF80  }
0xd8: {  	_ =	swait.ge [sflag:s29], $0x80  }
0xd9: {  	[sflag:s29] =	ssyncset.done $0x0  }
0xda: {  	[sflag:s29] =	ssyncadd.s32 $0xFFFFFF80  }
0xdb: {  	[tilespmem:s20], [sflag:$0x5] =	stream.indirect.gather [hbm4b:s8+s13], $0x80, s17, s13, $0xb8;
	[tilespmem:$0x1C400] =	vst v63  }
0xdc: {  	_ =	swait.ge [sflag:s30], $0x4000  }
0xdd: {  	[sflag:s30] =	ssyncset.done $0x0  }
0xde: {  	[sflag:s30] =	ssyncadd.s32 $0xFFFFC000  }
0xdf: {  	[spmem:s2] =	stream.indirect.scatter.add.f32 [tilespmem:s25], [sflag:$0x8], $0x80, s14, s13, $0xb8;
	[tilespmem:$0x1C400] =	vst v63  }
0xe0: {  	_ =	swait.ge [sflag:s31], $0x4000  }
0xe1: {  	[sflag:s31] =	ssyncset.done $0x0  }
0xe2: {  	s1 =	sadd.s32 @!p0 $0x50, s1;
	s7 =	simm.s32 @!p0 $0x80;
	[sflag:s31] =	ssyncadd.s32 $0xFFFFC000  }
0xe3: {  	[tilespmem:s7], [sflag:$0x2] =	stream.linear.gather @!p0 [hbm4b:s1+s9], $0x80, $0x38;
	[tilespmem:$0x1C400] =	vst v63  }
0xe4: {  	s1 =	sadd.s32 @!p0 $0x50, s6;
	s6 =	simm.s32 @!p0 $0x280  }
0xe5: {  	[tilespmem:s6], [sflag:$0x2] =	stream.linear.gather @!p0 [hbm4b:s1+s9], $0x80, $0x38;
	[tilespmem:$0x1C400] =	vst v63  }
0xe6: {  	_ =	swait.ge [sflag:s0], $0x80  }
0xe7: {  	[sflag:s0] =	ssyncset.done $0x0  }
0xe8: {  	[sflag:s0] =	ssyncadd.s32 $0xFFFFFF80  }
0xe9: {  	_ =	swait.ge [sflag:s0], $0x80  }
0xea: {  	[sflag:s0] =	ssyncset.done $0x0  }
0xeb: {  	[sflag:s0] =	ssyncadd.s32 $0xFFFFFF80  }
0xec: {  	[tilespmem:s25], [sflag:$0x6] =	stream.indirect.gather [hbm4b:s8+s13], $0x80, s21, s13, $0xb8;
	[tilespmem:$0x1C400] =	vst v63  }
0xed: {  	_ =	swait.ge [sflag:s26], $0x4000  }
0xee: {  	[sflag:s26] =	ssyncset.done $0x0  }
0xef: {  	[sflag:s26] =	ssyncadd.s32 $0xFFFFC000  }
0xf0: {  	[spmem:s2] =	stream.indirect.scatter.add.f32 [tilespmem:s20], [sflag:$0x7], $0x80, s18, s13, $0xb8;
	[tilespmem:$0x1C400] =	vst v63  }
0xf1: {  	_ =	swait.ge [sflag:s30], $0x4000  }
0xf2: {  	[sflag:s30] =	ssyncset.done $0x0  }
0xf3: {  	[sflag:s30] =	ssyncadd.s32 $0xFFFFC000  }
0xf4: {  	[spmem:s2] =	stream.indirect.scatter.add.f32 [tilespmem:s25], [sflag:$0x8], $0x80, s22, s13, $0xb8;
	[tilespmem:$0x1C400] =	vst v63  }
0xf5: {  	_ =	swait.ge [sflag:s28], $0x4000  }
0xf6: {  	[sflag:s28] =	ssyncset.done $0x0  }
0xf7: {  	[sflag:s28] =	ssyncadd.s32 $0xFFFFC000  }
0xf8: {  	_ =	swait.ge [sflag:s31], $0x4000  }
0xf9: {  	[sflag:s31] =	ssyncset.done $0x0  }
0xfa: {  	[sflag:s31] =	ssyncadd.s32 $0xFFFFC000  }
0xfb: {  	[bflag:$0x0] =	sbarrier.arrive $0xFFFF  }
0xfc: {  	s7 =	rddreg [dreg:$0x6]  }
0xfd: {  	s6 =	rddreg [dreg:$0x8]  }
0xfe: {  	s10 =	simm.s32 $0x9;
	s15 =	rddreg [dreg:$0x9]  }
0xff: {  	[hbm:s15], [sflag:s7] =	dma.local [spmem:s6], $0x2800  }
0x100: {  	_ =	swait.ge [sflag:s10], $0x2800  }
0x101: {  	s16 =	rddreg [dreg:$0xa]  }
0x102: {  	s24 =	rddreg [dreg:$0x7];
	s9 =	sadd.s32 $0x1, s16  }
0x103: {  	p0 =	sne.s32 s9, s24  }
.Ltmp1:
0x104: {  	_ = 	snop;
	(pc) =	sbr.rel @p0 .LBB2_1-.Ltmp1, $3  }
0x105: {  	_ =	sdelay $0x1  }
0x106: {  	[sflag:s10] =	ssyncset.done $0x0  }
0x107: {  	[sflag:s10] =	ssyncadd.s32 $0xFFFFD800  }
0x108: {  	_ =	sfence.sel $0x180000  }
0x109: {  	[bflag:$0x0] =	sbarrier.arrive $0xFFFF  }
0x10a: {  	_ =	strace $0x9000004A  }
0x10b: {  	s0 =	stileid.u32;
	[bflag:$0x2] =	sbarrier.arrive $0xFFFF  }
0x10c: {  	p0 =	sne.s32 s0, $0x0;
	s0 =	rddreg [dreg:$0x2]  }
0x10d: {  	s0 =	sadd.s32 @!p0 $0x100000, s0  }
0x10e: {  	[sflag:s0] =	ssyncadd.tile.s32 @!p0 $0x1;
	_ =	shalt  }
.Lfunc_end2:
_tile_overlayer_lowered:
.L_overlay_start_2:
0x10f: {  	(tag) =	ssettag $0x2  }
0x110: {  	s0 =	rddreg [dreg:$0x0];
	s2 =	stileid.u32  }
0x111: {  	s1 =	rddreg [dreg:$0x1];
	p0 =	sne.s32 s2, $0x0  }
0x112: {  	s3 =	rddreg [dreg:$0x2];
	[bflag:$0x3] =	sbarrier.arrive $0xFFFF;
	s2 =	simm.s32 @!p0 $0x1C09  }
0x113: {  	[timem:s3], [sflag:s2] =	dma.local @!p0 [hbm:s0], s1  }
0x114: {  	s0 =	simm.s32 @!p0 $0x9  }
0x115: {  	_ =	swait.ge @!p0 [sflag:s0], s1  }
0x116: {  	s1 =	ssub.s32 @!p0 $0x0, s1;
	[sflag:s0] =	ssyncset.done @!p0 $0x0  }
0x117: {  	[sflag:s0] =	ssyncadd.s32 @!p0 s1  }
0x118: {  	[bflag:$0x3] =	sbarrier.arrive $0xFFFF  }
0x119: {  	_ =	shalt  }

// kernel: kernel.16.cloned.1.call-start
scs
__scs_entry_jumppad:
0x0: {  	(pc) =	sbr.rel $0x88, $3  }
0x1: {  	(tag) =	ssettag $0x0;
	lr =	simm.s32 $0x1  }
0x2: {  	[smem:$0x3F9D] =	sst lr;
	_ =	strace $0xD0000000  }
0x3: {  	_ = 	snop  }
0x4: {  	_ = 	snop  }
0x5: {  	_ = 	snop  }
0x6: {  	_ = 	snop  }
0x7: {  	_ = 	snop  }
__scs_overlays_trampoline_lowered:
0x8: {  	[smem:$0x3FAC] =	sst s0  }
0x9: {  	[smem:$0x3FAD] =	sst s1  }
0xa: {  	[smem:$0x3FAE] =	sst s2  }
0xb: {  	[smem:$0x3FAF] =	sst s3  }
0xc: {  	[smem:$0x3FB0] =	sst s4  }
0xd: {  	[smem:$0x3FB1] =	sst s5  }
0xe: {  	[smem:$0x3FB2] =	sst s6  }
0xf: {  	[smem:$0x3FB3] =	sst s7  }
0x10: {  	[smem:$0x3FB4] =	sst s8  }
0x11: {  	[smem:$0x3FB5] =	sst s9;
	s0 =	simm.s32 @!p0 $0x0  }
0x12: {  	s1 =	sld [smem:$0x3F9B];
	s0 =	simm.s32 @p0 $0x1  }
0x13: {  	[smem:$0x3FB6] =	sst s0;
	s0 =	simm.s32 @!p1 $0x0  }
0x14: {  	s2 =	sld [smem:$0x3F9A];
	s0 =	simm.s32 @p1 $0x1  }
0x15: {  	[smem:$0x3FB7] =	sst s0;
	s0 =	simm.s32 @!p2 $0x0  }
0x16: {  	s3 =	sld [smem:$0x3FDB];
	s0 =	simm.s32 @p2 $0x1  }
0x17: {  	s4 =	simm.s32 $0x1BF5;
	[smem:$0x3FB9] =	sst s0  }
0x18: {  	s0 =	sld [smem:$0x3F9C];
	_ =	swait.ge [sflag:s4], $0x0  }
0x19: {  	s7 =	sld [smem:$0x3F9D]  }
0x1a: {  	s8 =	sadd.s32 $0xFFFFE003, lr  }
0x1b: {  	s9 =	sadd.s32 $0xFFFFFEF7, lr;
	s5 =	simm.s32 $0xFFFFFFFF;
	p2 =	slt.u32 s8, $0xFFFFF086  }
0x1c: {  	p1 =	slt.u32 s9, $0xF7A;
	s5 =	simm.s32 @!p2 $0x0  }
0x1d: {  	s5 =	simm.s32 @p1 $0x1;
	p0 =	seq.s32 s7, s2  }
0x1e: {  	s7 =	smul.u32 @!p0 $0xF7A, s2;
	p2 =	seq.s32 @!p0 s5, $0x0  }
0x1f: {  	s9 =	smul.u32 $0xF7A, s1;
	s8 =	simm.s32 @!p0 $0x1BF5;
	p2 =	por !p2, p0  }
0x20: {  	[sflag:s8] =	ssyncset.s32 @!p0 $0xFFFFF086;
	s6 =	sadd.s32 @!p0 s3, s7;
	s7 =	simm.s32 @!p0 $0x108  }
0x21: {  	s3 =	sadd.s32 s3, s9;
	s6 =	sadd.s32 @!p0 $0x88, s6;
	s7 =	simm.s32 @p2 $0x1082  }
0x22: {  	[simem:s7], [sflag:s8] =	dma.local @!p0 [hbm:s6], $0xF7A  }
0x23: {  	s9 =	sor.u32 $0xD0000000, s2;
	s6 =	simm.s32 $0x108;
	_ =	swait.ge @!p0 [sflag:s8], $0x0  }
0x24: {  	s3 =	sadd.s32 $0x88, s3;
	s6 =	simm.s32 @!p1 $0x1082;
	[sflag:s4] =	ssyncset.s32 $0xFFFFF086  }
0x25: {  	[simem:s6], [sflag:s4] =	dma.local [hbm:s3], $0xF7A  }
0x26: {  	[smem:$0x3F9D] =	sst s1;
	(tag) =	ssettag s2;
	_ =	strace s9  }
0x27: {  	s1 =	sld [smem:$0x3FAD]  }
0x28: {  	s2 =	sld [smem:$0x3FAE]  }
0x29: {  	s4 =	sld [smem:$0x3FB0]  }
0x2a: {  	p0 =	seq.s32 s5, $0x0;
	s5 =	sld [smem:$0x3FB1]  }
0x2b: {  	s6 =	sld [smem:$0x3FB2]  }
0x2c: {  	s7 =	sld [smem:$0x3FB3]  }
0x2d: {  	s3 =	simm.s32 $0x108;
	s8 =	sld [smem:$0x3FB4]  }
0x2e: {  	s3 =	simm.s32 @!p0 $0x1082;
	s9 =	sld [smem:$0x3FB5]  }
0x2f: {  	lr =	sadd.s32 s0, s3;
	s0 =	sld [smem:$0x3FAC]  }
0x30: {  	s3 =	sld [smem:$0x3FAF]  }
0x31: {  	[smem:$0x3FB8] =	sst s10  }
0x32: {  	s10 =	sld [smem:$0x3FB6];
	_ =	sdelay $0x3  }
0x33: {  	p0 =	seq.s32 s10, $0x1;
	s10 =	sld [smem:$0x3FB8];
	_ =	sdelay $0x3  }
0x34: {  	[smem:$0x3FB8] =	sst s10  }
0x35: {  	s10 =	sld [smem:$0x3FB7];
	_ =	sdelay $0x3  }
0x36: {  	p1 =	seq.s32 s10, $0x1;
	s10 =	sld [smem:$0x3FB8];
	_ =	sdelay $0x3  }
0x37: {  	[smem:$0x3FB8] =	sst s10  }
0x38: {  	s10 =	sld [smem:$0x3FB9]  }
0x39: {  	_ = 	snop;
	(pc) =	sbr.ind lr, $3  }
0x3a: {  	_ = 	snop  }
0x3b: {  	_ = 	snop  }
0x3c: {  	p2 =	seq.s32 s10, $0x1;
	s10 =	sld [smem:$0x3FB8]  }
0x3d: {  	_ =	shalt  }
0x3e: {  	_ =	shalt  }
0x3f: {  	_ =	shalt  }
0x40: {  	_ =	shalt  }
0x41: {  	_ =	shalt  }
0x42: {  	_ =	shalt  }
0x43: {  	_ =	shalt  }
0x44: {  	_ =	shalt  }
0x45: {  	_ =	shalt  }
0x46: {  	_ =	shalt  }
0x47: {  	_ =	shalt  }
0x48: {  	_ =	shalt  }
0x49: {  	_ =	shalt  }
0x4a: {  	_ =	shalt  }
0x4b: {  	_ =	shalt  }
0x4c: {  	_ =	shalt  }
0x4d: {  	_ =	shalt  }
0x4e: {  	_ =	shalt  }
0x4f: {  	_ =	shalt  }
0x50: {  	_ =	shalt  }
0x51: {  	_ =	shalt  }
0x52: {  	_ =	shalt  }
0x53: {  	_ =	shalt  }
0x54: {  	_ =	shalt  }
0x55: {  	_ =	shalt  }
0x56: {  	_ =	shalt  }
0x57: {  	_ =	shalt  }
0x58: {  	_ =	shalt  }
0x59: {  	_ =	shalt  }
0x5a: {  	_ =	shalt  }
0x5b: {  	_ =	shalt  }
0x5c: {  	_ =	shalt  }
0x5d: {  	_ =	shalt  }
0x5e: {  	_ =	shalt  }
0x5f: {  	_ =	shalt  }
0x60: {  	_ =	shalt  }
0x61: {  	_ =	shalt  }
0x62: {  	_ =	shalt  }
0x63: {  	_ =	shalt  }
0x64: {  	_ =	shalt  }
0x65: {  	_ =	shalt  }
0x66: {  	_ =	shalt  }
0x67: {  	_ =	shalt  }
0x68: {  	_ =	shalt  }
0x69: {  	_ =	shalt  }
0x6a: {  	_ =	shalt  }
0x6b: {  	_ =	shalt  }
0x6c: {  	_ =	shalt  }
0x6d: {  	_ =	shalt  }
0x6e: {  	_ =	shalt  }
0x6f: {  	_ =	shalt  }
0x70: {  	_ =	shalt  }
0x71: {  	_ =	shalt  }
0x72: {  	_ =	shalt  }
0x73: {  	_ =	shalt  }
0x74: {  	_ =	shalt  }
0x75: {  	_ =	shalt  }
0x76: {  	_ =	shalt  }
0x77: {  	_ =	shalt  }
0x78: {  	_ =	shalt  }
0x79: {  	_ =	shalt  }
0x7a: {  	_ =	shalt  }
0x7b: {  	_ =	shalt  }
0x7c: {  	_ =	shalt  }
0x7d: {  	_ =	shalt  }
0x7e: {  	_ =	shalt  }
0x7f: {  	_ =	shalt  }
0x80: {  	_ =	shalt  }
0x81: {  	_ =	shalt  }
0x82: {  	_ =	shalt  }
0x83: {  	_ =	shalt  }
0x84: {  	_ =	shalt  }
0x85: {  	_ =	shalt  }
0x86: {  	_ =	shalt  }
0x87: {  	_ =	shalt  }
.Lfunc_end0:
.L_simem_size_0:
called_computation.2_lowered:
.L_overlay_start_0:
0x88: {  	s2 =	sld [smem:$0x3FD9]  }
0x89: {  	s3 =	sld [smem:$0x3FFE];
	_ =	sdelay $0x1  }
0x8a: {  	s1 =	srdreg.scid  }
0x8b: {  	s0 =	sand.u32 $0x1, s1  }
0x8c: {  	s16 =	sshll.u32 s0, $0xA;
	s2 =	sadd.s32 s3, s2  }
0x8d: {  	s2 =	sadd.s32 s2, s16  }
0x8e: {  	[smem:$0x3FC4] =	sst s2  }
0x8f: {  	_ = 	snop  }
0x90: {  	(tm) =	ssettm $0x1  }
0x91: {  	s17 =	sld [smem:$0x3FFB];
	_ =	sdelay $0x3  }
0x92: {  	_ =	strace s17  }
0x93: {  	s2 =	sld [smem:$0x3FFC];
	_ =	sdelay $0x3  }
0x94: {  	_ =	strace s2  }
0x95: {  	s2 =	sld [smem:$0x3FFD];
	_ =	sdelay $0x3  }
0x96: {  	_ =	strace s2  }
0x97: {  	_ =	strace $0x8FFFFFFF  }
0x98: {  	s18 =	sld [smem:$0x3FDB];
	_ =	sdelay $0x1  }
0x99: {  	s19 =	simm.s32 $_scs_section_size  }
0x9a: {  	s4 =	simm.s32 $_size__tile_overlayer_lowered;
	s5 =	simm.s32 $_tile_overlayer_lowered  }
0x9b: {  	s22 =	simm.s32 $0x1BFF;
	s21 =	sshll.u32 s5, $0x1;
	s2 =	sadd.s32 s19, s18  }
0x9c: {  	s6 =	simm.s32 $0x0;
	s20 =	sshll.u32 s4, $0x1;
	s4 =	sadd.s32 s21, s2  }
0x9d: {  	[timem:s6], [sflag:s22] =	dma.local [hbm:s4], s20  }
0x9e: {  	_ =	swait.ge [sflag:s22], s20  }
0x9f: {  	s3 =	ssub.s32 $0x0, s20;
	[sflag:s22] =	ssyncset.done $0x0  }
0xa0: {  	[sflag:s22] =	ssyncadd.s32 s3;
	_ =	sdelay $0x1  }
0xa1: {  	s23 =	simm.s32 $0x1B8B  }
0xa2: {  	_ =	swait.ge [sflag:s23], $0x1  }
0xa3: {  	[sflag:s23] =	ssyncset.done $0x0  }
0xa4: {  	s25 =	simm.s32 $0x1B8E;
	s24 =	sld [smem:$0x3FFE];
	[sflag:s23] =	ssyncadd.s32 $0xFFFFFFFF  }
0xa5: {  	s26 =	simm.s32 $execute0_lowered;
	[smem:$0x3FD2] =	sst s25  }
0xa6: {  	s4 =	sshll.u32 s26, $0x1;
	_ =	strace $0x8000004C;
	[dreg:$0x1] =	wrdreg $0xFFFFFFFF  }
0xa7: {  	s28 =	simm.s32 $_size_execute0_lowered;
	s2 =	sadd.s32 s2, s4;
	[dreg:$0x0] =	wrdreg $0x0  }
0xa8: {  	s4 =	sshll.u32 s28, $0x1;
	[dreg:$0x2] =	wrdreg s2  }
0xa9: {  	[dreg:$0x3] =	wrdreg s4  }
0xaa: {  	[dreg:$0x4] =	wrdreg $0xC0  }
0xab: {  	_ =	task [dreg:s6], $0x5FFFF  }
0xac: {  	[dreg:$0x1] =	wrdreg $0xFFFFFFFF  }
0xad: {  	[dreg:$0x0] =	wrdreg $0x60  }
0xae: {  	[dreg:$0x2] =	wrdreg s24  }
0xaf: {  	[dreg:$0x3] =	wrdreg $0x84000  }
0xb0: {  	[dreg:$0x4] =	wrdreg $0x9  }
0xb1: {  	_ =	task.clear_ibuf [dreg:s6], $0x5FFFF;
	_ =	strace $0x9000004C  }
0xb2: {  	s29 =	simm.s32 $0x9;
	_ =	strace $0x8000004E  }
0xb3: {  	_ =	swait.ge [sflag:s29], $0x1  }
0xb4: {  	[sflag:s29] =	ssyncadd.s32 $0xFFFFFFFF  }
0xb5: {  	_ =	strace $0x9000004E  }
0xb6: {  	_ =	sfence  }
0xb7: {  	s30 =	sld [smem:$0x0];
	_ =	sdelay $0x2  }
0xb8: {  	s31 =	sshll.u32 s1, $0xD;
	s1 =	sshrl.u32 s1, $0x2  }
0xb9: {  	s3 =	sand.u32 $0x4000, s31;
	s1 =	sadd.s32 s1, s30  }
0xba: {  	s0 =	sor.u32 s3, s0;
	s1 =	sshll.u32 s1, $0x11  }
0xbb: {  	s0 =	sor.u32 s1, s0  }
0xbc: {  	s0 =	sadd.s32 $0x8F2B, s0  }
0xbd: {  	[sflag:s0] =	ssyncadd.remote.s32 $0x1  }
0xbe: {  	_ =	sfence.sel $0xFFFF  }
0xbf: {  	[dreg:$0x0] =	wrdreg $0xFFFFFFFF;
	(pc) =	sbr.abs _section_cstart, $3  }
0xc0: {  	[dreg:$0x1] =	wrdreg $0xFFFFFFFF  }
0xc1: {  	_ =	task.clear_ibuf [dreg:s6], $0x2FFFF;
	_ =	strace $0x9FFFFFFF  }
0xc2: {  	(tm) =	ssettm $0x7FFFFFFF  }
0xc3: {  	_ =	shalt  }
tec
execute0_lowered:
.L_overlay_start_1:
0x0: {  	(tag) =	ssettag $0x1  }
0x1: {  	s0 =	rddreg [dreg:$0x0]  }
0x2: {  	s2 =	rddreg [dreg:$0x1];
	s10 =	stileid.u32  }
0x3: {  	s1 =	srdreg.scid;
	s3 =	simm.s32 $0x0;
	s12 =	simm.s32 $0x200  }
0x4: {  	s13 =	simm.s32 $0x80;
	s14 =	simm.s32 $0x280;
	s17 =	simm.s32 $0x100  }
0x5: {  	s18 =	simm.s32 $0x300;
	s19 =	simm.s32 $0x1;
	s20 =	simm.s32 $0x400  }
0x6: {  	s21 =	simm.s32 $0x180;
	s22 =	simm.s32 $0x380;
	s28 =	simm.s32 $0x7  }
0x7: {  	s29 =	simm.s32 $0x3;
	s30 =	simm.s32 $0x6;
	s4 =	smul.u32 $0x500, s10  }
0x8: {  	s31 =	simm.s32 $0x8;
	s1 =	sand.u32 $0x1, s1;
	s7 =	smul.u32 $0x50000, s10  }
0x9: {  	[smem:$0x7FF] =	sst s3;
	s9 =	smul.u32 $0x2800, s10;
	s26 =	sshll.u32 s10, $0x6  }
0xa: {  	s10 =	simm.s32 $0x9;
	s5 =	smul.u32 $0x28000, s1;
	s1 =	ssub.s32 $0x2, s1  }
0xb: {  	_ =	strace $0x8000004D;
	s6 =	sadd.s32 s4, s0;
	s23 =	sshrl.u32 s1, $0x1  }
0xc: {  	s24 =	sshrl.u32 s7, $0x2;
	s7 =	sor.u32 $0x1C09, s26;
	s26 =	simm.s32 $0x5  }
0xd: {  	s0 =	sadd.s32 s5, s0;
	s1 =	ssub.s32 s1, s23;
	s4 =	sadd.s32 $0x7800, s6  }
0xe: {  	s5 =	sadd.s32 $0x1600, s6;
	s8 =	sadd.s32 $0x7810, s6;
	[dreg:$0x6] =	wrdreg s7  }
0xf: {  	s6 =	sadd.s32 $0x1610, s6;
	s23 =	simm.s32 $0x2;
	[dreg:$0x3] =	wrdreg s8  }
0x10: {  	[dreg:$0x4] =	wrdreg s6;
	s8 =	sadd.s32 $0xC800, s0;
	s1 =	smax.u32 s1, $0x1  }
0x11: {  	s0 =	sadd.s32 $0x5C800, s0;
	s25 =	sadd.s32 s9, s8;
	[dreg:$0x7] =	wrdreg s1  }
0x12: {  	s6 =	sadd.s32 s24, s2;
	s0 =	sadd.s32 s9, s0;
	[dreg:$0x5] =	wrdreg s25  }
0x13: {  	s6 =	sshrl.u32 s6, $0x3;
	s9 =	simm.s32 $0x0;
	[dreg:$0x9] =	wrdreg s0  }
0x14: {  	s25 =	simm.s32 $0x4400;
	s0 =	simm.s32 $0x4;
	[dreg:$0x8] =	wrdreg s6  }
.LBB2_1:
0x15: {  	[dreg:$0xa] =	wrdreg s9  }
0x16: {  	[tilespmem:s3], [sflag:$0x1] =	stream.linear.gather [hbm4b:s4+s3], $0x80, $0x38;
	[tilespmem:$0x1C400] =	vst v63  }
0x17: {  	s1 =	rddreg [dreg:$0x3]  }
0x18: {  	[tilespmem:s12], [sflag:$0x1] =	stream.linear.gather [hbm4b:s5+s3], $0x80, $0x38;
	[tilespmem:$0x1C400] =	vst v63  }
0x19: {  	s16 =	rddreg [dreg:$0x4]  }
0x1a: {  	[tilespmem:s13], [sflag:$0x2] =	stream.linear.gather [hbm4b:s1+s3], $0x80, $0x38;
	[tilespmem:$0x1C400] =	vst v63  }
0x1b: {  	s24 =	rddreg [dreg:$0x5]  }
0x1c: {  	[tilespmem:s14], [sflag:$0x2] =	stream.linear.gather [hbm4b:s16+s3], $0x80, $0x38;
	[tilespmem:$0x1C400] =	vst v63  }
0x1d: {  	[spmem:s6], [sflag:s7] =	dma.local [hbm:s24], $0x2800  }
0x1e: {  	_ =	swait.ge [sflag:s10], $0x2800  }
0x1f: {  	[sflag:s10] =	ssyncset.done $0x0  }
0x20: {  	p0 =	por $0x1, $0x1;
	[sflag:s10] =	ssyncadd.s32 $0xFFFFD800  }
0x21: {  	s6 =	simm.s32 @!p0 $0x7;
	[bflag:$0x0] =	sbarrier.arrive $0xFFFF  }
0x22: {  	_ =	swait.ge @!p0 [sflag:s6], $0x4000  }
0x23: {  	s1 =	sadd.s32 $0x0, s4;
	[sflag:s6] =	ssyncset.done @!p0 $0x0  }
0x24: {  	s9 =	sadd.s32 $0x20, s1;
	s10 =	sadd.s32 $0x0, s5;
	[sflag:s6] =	ssyncadd.s32 @!p0 $0xFFFFC000  }
0x25: {  	[tilespmem:s17], [sflag:$0x3] =	stream.linear.gather [hbm4b:s9+s3], $0x80, $0x38;
	[tilespmem:$0x1C400] =	vst v63  }
0x26: {  	s15 =	sadd.s32 $0x20, s10  }
0x27: {  	[tilespmem:s18], [sflag:$0x3] =	stream.linear.gather [hbm4b:s15+s3], $0x80, $0x38;
	[tilespmem:$0x1C400] =	vst v63  }
0x28: {  	_ =	swait.ge [sflag:s19], $0x80  }
0x29: {  	[sflag:s19] =	ssyncset.done $0x0  }
0x2a: {  	[sflag:s19] =	ssyncadd.s32 $0xFFFFFF80  }
0x2b: {  	_ =	swait.ge [sflag:s19], $0x80  }
0x2c: {  	[sflag:s19] =	ssyncset.done $0x0  }
0x2d: {  	s6 =	simm.s32 @!p0 $0x6;
	[sflag:s19] =	ssyncadd.s32 $0xFFFFFF80  }
0x2e: {  	[tilespmem:s20], [sflag:$0x5] =	stream.indirect.gather [hbm4b:s8+s13], $0x80, s3, s13, $0xb8;
	[tilespmem:$0x1C400] =	vst v63  }
0x2f: {  	_ =	swait.ge @!p0 [sflag:s6], $0x4000  }
0x30: {  	s11 =	simm.s32 @!p0 $0x4400;
	[sflag:s6] =	ssyncset.done @!p0 $0x0  }
0x31: {  	s24 =	simm.s32 @!p0 $0x380;
	[sflag:s6] =	ssyncadd.s32 @!p0 $0xFFFFC000;
	s6 =	simm.s32 @!p0 $0x80  }
0x32: {  	[spmem:s2] =	stream.indirect.scatter.add.f32 @!p0 [tilespmem:s11], [sflag:$0x8], $0x80, s24, s6, $0xb8;
	[tilespmem:$0x1C400] =	vst v63  }
0x33: {  	s6 =	simm.s32 @!p0 $0x8  }
0x34: {  	_ =	swait.ge @!p0 [sflag:s6], $0x4000  }
0x35: {  	[sflag:s6] =	ssyncset.done @!p0 $0x0  }
0x36: {  	s16 =	sadd.s32 $0x30, s1;
	[sflag:s6] =	ssyncadd.s32 @!p0 $0xFFFFC000  }
0x37: {  	[tilespmem:s21], [sflag:$0x4] =	stream.linear.gather [hbm4b:s16+s3], $0x80, $0x38;
	[tilespmem:$0x1C400] =	vst v63  }
0x38: {  	s24 =	sadd.s32 $0x30, s10  }
0x39: {  	[tilespmem:s22], [sflag:$0x4] =	stream.linear.gather [hbm4b:s24+s3], $0x80, $0x38;
	[tilespmem:$0x1C400] =	vst v63  }
0x3a: {  	_ =	swait.ge [sflag:s23], $0x80  }
0x3b: {  	[sflag:s23] =	ssyncset.done $0x0  }
0x3c: {  	[sflag:s23] =	ssyncadd.s32 $0xFFFFFF80  }
0x3d: {  	_ =	swait.ge [sflag:s23], $0x80  }
0x3e: {  	[sflag:s23] =	ssyncset.done $0x0  }
0x3f: {  	[sflag:s23] =	ssyncadd.s32 $0xFFFFFF80  }
0x40: {  	[tilespmem:s25], [sflag:$0x6] =	stream.indirect.gather [hbm4b:s8+s13], $0x80, s13, s13, $0xb8;
	[tilespmem:$0x1C400] =	vst v63  }
0x41: {  	_ =	swait.ge [sflag:s26], $0x4000  }
0x42: {  	[sflag:s26] =	ssyncset.done $0x0  }
0x43: {  	[sflag:s26] =	ssyncadd.s32 $0xFFFFC000  }
0x44: {  	[spmem:s2] =	stream.indirect.scatter.add.f32 [tilespmem:s20], [sflag:$0x7], $0x80, s12, s13, $0xb8;
	[tilespmem:$0x1C400] =	vst v63  }
0x45: {  	p0 =	por $0x0, $0x0;
	_ =	swait.ge [sflag:s28], $0x4000  }
0x46: {  	s6 =	sadd.s32 @!p0 $0x0, s4;
	s7 =	sadd.s32 @!p0 $0x0, s5;
	[sflag:s28] =	ssyncset.done $0x0  }
0x47: {  	s11 =	simm.s32 @!p0 $0x0;
	s9 =	sadd.s32 @!p0 $0x40, s6;
	[sflag:s28] =	ssyncadd.s32 $0xFFFFC000  }
0x48: {  	[tilespmem:s11], [sflag:$0x1] =	stream.linear.gather @!p0 [hbm4b:s9+s11], $0x80, $0x38;
	[tilespmem:$0x1C400] =	vst v63  }
0x49: {  	s24 =	simm.s32 @!p0 $0x200;
	s9 =	sadd.s32 @!p0 $0x40, s7  }
0x4a: {  	[tilespmem:s24], [sflag:$0x1] =	stream.linear.gather @!p0 [hbm4b:s9+s11], $0x80, $0x38;
	[tilespmem:$0x1C400] =	vst v63  }
0x4b: {  	_ =	swait.ge [sflag:s29], $0x80  }
0x4c: {  	[sflag:s29] =	ssyncset.done $0x0  }
0x4d: {  	[sflag:s29] =	ssyncadd.s32 $0xFFFFFF80  }
0x4e: {  	_ =	swait.ge [sflag:s29], $0x80  }
0x4f: {  	[sflag:s29] =	ssyncset.done $0x0  }
0x50: {  	[sflag:s29] =	ssyncadd.s32 $0xFFFFFF80  }
0x51: {  	[tilespmem:s20], [sflag:$0x5] =	stream.indirect.gather [hbm4b:s8+s13], $0x80, s17, s13, $0xb8;
	[tilespmem:$0x1C400] =	vst v63  }
0x52: {  	_ =	swait.ge [sflag:s30], $0x4000  }
0x53: {  	[sflag:s30] =	ssyncset.done $0x0  }
0x54: {  	[sflag:s30] =	ssyncadd.s32 $0xFFFFC000  }
0x55: {  	[spmem:s2] =	stream.indirect.scatter.add.f32 [tilespmem:s25], [sflag:$0x8], $0x80, s14, s13, $0xb8;
	[tilespmem:$0x1C400] =	vst v63  }
0x56: {  	_ =	swait.ge [sflag:s31], $0x4000  }
0x57: {  	[sflag:s31] =	ssyncset.done $0x0  }
0x58: {  	s6 =	sadd.s32 @!p0 $0x50, s6;
	s9 =	simm.s32 @!p0 $0x80;
	[sflag:s31] =	ssyncadd.s32 $0xFFFFC000  }
0x59: {  	[tilespmem:s9], [sflag:$0x2] =	stream.linear.gather @!p0 [hbm4b:s6+s11], $0x80, $0x38;
	[tilespmem:$0x1C400] =	vst v63  }
0x5a: {  	s6 =	sadd.s32 @!p0 $0x50, s7;
	s7 =	simm.s32 @!p0 $0x280  }
0x5b: {  	[tilespmem:s7], [sflag:$0x2] =	stream.linear.gather @!p0 [hbm4b:s6+s11], $0x80, $0x38;
	[tilespmem:$0x1C400] =	vst v63  }
0x5c: {  	_ =	swait.ge [sflag:s0], $0x80  }
0x5d: {  	[sflag:s0] =	ssyncset.done $0x0  }
0x5e: {  	[sflag:s0] =	ssyncadd.s32 $0xFFFFFF80  }
0x5f: {  	_ =	swait.ge [sflag:s0], $0x80  }
0x60: {  	[sflag:s0] =	ssyncset.done $0x0  }
0x61: {  	[sflag:s0] =	ssyncadd.s32 $0xFFFFFF80  }
0x62: {  	[tilespmem:s25], [sflag:$0x6] =	stream.indirect.gather [hbm4b:s8+s13], $0x80, s21, s13, $0xb8;
	[tilespmem:$0x1C400] =	vst v63  }
0x63: {  	p1 =	por $0x0, $0x0;
	_ =	swait.ge [sflag:s26], $0x4000  }
0x64: {  	s6 =	simm.s32 $0x40;
	s7 =	simm.s32 $0x80;
	[sflag:s26] =	ssyncset.done $0x0  }
.LBB2_2:
0x65: {  	s11 =	simm.s32 @!p1 $0x7  }
0x66: {  	[sflag:s26] =	ssyncadd.s32 $0xFFFFC000;
	s9 =	smov.u32 s7;
	s7 =	sadd.s32 $0x40, s7  }
0x67: {  	[spmem:s2] =	stream.indirect.scatter.add.f32 [tilespmem:s20], [sflag:$0x7], $0x80, s18, s13, $0xb8;
	[tilespmem:$0x1C400] =	vst v63  }
0x68: {  	p0 =	sne.s32 s7, $0x500;
	_ =	swait.ge @!p1 [sflag:s11], $0x4000  }
0x69: {  	s24 =	sadd.s32 s6, s4;
	[sflag:s11] =	ssyncset.done @!p1 $0x0  }
0x6a: {  	s10 =	sadd.s32 s6, s5;
	[sflag:s11] =	ssyncadd.s32 @!p1 $0xFFFFC000;
	s11 =	sadd.s32 $0x20, s24  }
0x6b: {  	[tilespmem:s17], [sflag:$0x3] =	stream.linear.gather [hbm4b:s11+s3], $0x80, $0x38;
	[tilespmem:$0x1C400] =	vst v63  }
0x6c: {  	s11 =	sadd.s32 $0x20, s10  }
0x6d: {  	[tilespmem:s18], [sflag:$0x3] =	stream.linear.gather [hbm4b:s11+s3], $0x80, $0x38;
	[tilespmem:$0x1C400] =	vst v63  }
0x6e: {  	_ =	swait.ge [sflag:s19], $0x80  }
0x6f: {  	[sflag:s19] =	ssyncset.done $0x0  }
0x70: {  	[sflag:s19] =	ssyncadd.s32 $0xFFFFFF80  }
0x71: {  	_ =	swait.ge [sflag:s19], $0x80  }
0x72: {  	[sflag:s19] =	ssyncset.done $0x0  }
0x73: {  	s11 =	simm.s32 @!p1 $0x6;
	[sflag:s19] =	ssyncadd.s32 $0xFFFFFF80  }
0x74: {  	[tilespmem:s20], [sflag:$0x5] =	stream.indirect.gather [hbm4b:s8+s13], $0x80, s3, s13, $0xb8;
	[tilespmem:$0x1C400] =	vst v63  }
0x75: {  	_ =	swait.ge @!p1 [sflag:s11], $0x4000  }
0x76: {  	s15 =	simm.s32 @!p1 $0x4400;
	s16 =	simm.s32 @!p1 $0x8;
	[sflag:s11] =	ssyncset.done @!p1 $0x0  }
0x77: {  	s1 =	simm.s32 @!p1 $0x380;
	[sflag:s11] =	ssyncadd.s32 @!p1 $0xFFFFC000;
	s11 =	simm.s32 @!p1 $0x80  }
0x78: {  	[spmem:s2] =	stream.indirect.scatter.add.f32 @!p1 [tilespmem:s15], [sflag:$0x8], $0x80, s1, s11, $0xb8;
	[tilespmem:$0x1C400] =	vst v63  }
0x79: {  	_ =	swait.ge @!p1 [sflag:s16], $0x4000  }
0x7a: {  	[sflag:s16] =	ssyncset.done @!p1 $0x0  }
0x7b: {  	s1 =	sadd.s32 $0x30, s24;
	[sflag:s16] =	ssyncadd.s32 @!p1 $0xFFFFC000  }
0x7c: {  	[tilespmem:s21], [sflag:$0x4] =	stream.linear.gather [hbm4b:s1+s3], $0x80, $0x38;
	[tilespmem:$0x1C400] =	vst v63  }
0x7d: {  	s1 =	sadd.s32 $0x30, s10  }
0x7e: {  	[tilespmem:s22], [sflag:$0x4] =	stream.linear.gather [hbm4b:s1+s3], $0x80, $0x38;
	[tilespmem:$0x1C400] =	vst v63  }
0x7f: {  	_ =	swait.ge [sflag:s23], $0x80  }
0x80: {  	[sflag:s23] =	ssyncset.done $0x0  }
0x81: {  	[sflag:s23] =	ssyncadd.s32 $0xFFFFFF80  }
0x82: {  	_ =	swait.ge [sflag:s23], $0x80  }
0x83: {  	[sflag:s23] =	ssyncset.done $0x0  }
0x84: {  	[sflag:s23] =	ssyncadd.s32 $0xFFFFFF80  }
0x85: {  	[tilespmem:s25], [sflag:$0x6] =	stream.indirect.gather [hbm4b:s8+s13], $0x80, s13, s13, $0xb8;
	[tilespmem:$0x1C400] =	vst v63  }
0x86: {  	_ =	swait.ge [sflag:s26], $0x4000  }
0x87: {  	[sflag:s26] =	ssyncset.done $0x0  }
0x88: {  	[sflag:s26] =	ssyncadd.s32 $0xFFFFC000  }
0x89: {  	[spmem:s2] =	stream.indirect.scatter.add.f32 [tilespmem:s20], [sflag:$0x7], $0x80, s12, s13, $0xb8;
	[tilespmem:$0x1C400] =	vst v63  }
0x8a: {  	p1 =	seq.s32 s6, $0x4C0;
	_ =	swait.ge [sflag:s28], $0x4000  }
0x8b: {  	s1 =	sadd.s32 @!p1 s6, s4;
	s6 =	sadd.s32 @!p1 s6, s5;
	[sflag:s28] =	ssyncset.done $0x0  }
0x8c: {  	s11 =	simm.s32 @!p1 $0x0;
	s10 =	sadd.s32 @!p1 $0x40, s1;
	[sflag:s28] =	ssyncadd.s32 $0xFFFFC000  }
0x8d: {  	[tilespmem:s11], [sflag:$0x1] =	stream.linear.gather @!p1 [hbm4b:s10+s11], $0x80, $0x38;
	[tilespmem:$0x1C400] =	vst v63  }
0x8e: {  	s15 =	simm.s32 @!p1 $0x200;
	s1 =	sadd.s32 @!p1 $0x50, s1;
	s10 =	sadd.s32 @!p1 $0x40, s6  }
0x8f: {  	[tilespmem:s15], [sflag:$0x1] =	stream.linear.gather @!p1 [hbm4b:s10+s11], $0x80, $0x38;
	[tilespmem:$0x1C400] =	vst v63  }
0x90: {  	s10 =	sadd.s32 @!p1 $0x50, s6;
	s6 =	smov.u32 s9;
	_ =	swait.ge [sflag:s29], $0x80  }
0x91: {  	[sflag:s29] =	ssyncset.done $0x0  }
0x92: {  	[sflag:s29] =	ssyncadd.s32 $0xFFFFFF80  }
0x93: {  	_ =	swait.ge [sflag:s29], $0x80  }
0x94: {  	[sflag:s29] =	ssyncset.done $0x0  }
0x95: {  	[sflag:s29] =	ssyncadd.s32 $0xFFFFFF80  }
0x96: {  	[tilespmem:s20], [sflag:$0x5] =	stream.indirect.gather [hbm4b:s8+s13], $0x80, s17, s13, $0xb8;
	[tilespmem:$0x1C400] =	vst v63  }
0x97: {  	_ =	swait.ge [sflag:s30], $0x4000  }
0x98: {  	[sflag:s30] =	ssyncset.done $0x0  }
0x99: {  	[sflag:s30] =	ssyncadd.s32 $0xFFFFC000  }
0x9a: {  	[spmem:s2] =	stream.indirect.scatter.add.f32 [tilespmem:s25], [sflag:$0x8], $0x80, s14, s13, $0xb8;
	[tilespmem:$0x1C400] =	vst v63  }
0x9b: {  	_ =	swait.ge [sflag:s31], $0x4000  }
0x9c: {  	[sflag:s31] =	ssyncset.done $0x0  }
0x9d: {  	s9 =	simm.s32 @!p1 $0x80;
	[sflag:s31] =	ssyncadd.s32 $0xFFFFC000  }
0x9e: {  	[tilespmem:s9], [sflag:$0x2] =	stream.linear.gather @!p1 [hbm4b:s1+s11], $0x80, $0x38;
	[tilespmem:$0x1C400] =	vst v63  }
0x9f: {  	s1 =	simm.s32 @!p1 $0x280  }
0xa0: {  	[tilespmem:s1], [sflag:$0x2] =	stream.linear.gather @!p1 [hbm4b:s10+s11], $0x80, $0x38;
	[tilespmem:$0x1C400] =	vst v63  }
0xa1: {  	_ =	swait.ge [sflag:s0], $0x80  }
0xa2: {  	[sflag:s0] =	ssyncset.done $0x0  }
0xa3: {  	[sflag:s0] =	ssyncadd.s32 $0xFFFFFF80  }
0xa4: {  	_ =	swait.ge [sflag:s0], $0x80  }
.Ltmp0:
0xa5: {  	[sflag:s0] =	ssyncset.done $0x0;
	(pc) =	sbr.rel @p0 .LBB2_2-.Ltmp0, $4  }
0xa6: {  	[sflag:s0] =	ssyncadd.s32 $0xFFFFFF80  }
0xa7: {  	[tilespmem:s25], [sflag:$0x6] =	stream.indirect.gather [hbm4b:s8+s13], $0x80, s21, s13, $0xb8;
	[tilespmem:$0x1C400] =	vst v63  }
0xa8: {  	_ =	swait.ge [sflag:s26], $0x4000  }
0xa9: {  	p1 =	seq.s32 s6, $0x0;
	[sflag:s26] =	ssyncset.done $0x0  }
0xaa: {  	s1 =	simm.s32 @!p1 $0x7;
	[sflag:s26] =	ssyncadd.s32 $0xFFFFC000  }
0xab: {  	[spmem:s2] =	stream.indirect.scatter.add.f32 [tilespmem:s20], [sflag:$0x7], $0x80, s18, s13, $0xb8;
	[tilespmem:$0x1C400] =	vst v63  }
0xac: {  	_ =	swait.ge @!p1 [sflag:s1], $0x4000  }
0xad: {  	s7 =	sadd.s32 s6, s4;
	[sflag:s1] =	ssyncset.done @!p1 $0x0  }
0xae: {  	s9 =	sadd.s32 s6, s5;
	s16 =	sadd.s32 $0x20, s7;
	[sflag:s1] =	ssyncadd.s32 @!p1 $0xFFFFC000  }
0xaf: {  	[tilespmem:s17], [sflag:$0x3] =	stream.linear.gather [hbm4b:s16+s3], $0x80, $0x38;
	[tilespmem:$0x1C400] =	vst v63  }
0xb0: {  	s24 =	sadd.s32 $0x20, s9  }
0xb1: {  	[tilespmem:s18], [sflag:$0x3] =	stream.linear.gather [hbm4b:s24+s3], $0x80, $0x38;
	[tilespmem:$0x1C400] =	vst v63  }
0xb2: {  	_ =	swait.ge [sflag:s19], $0x80  }
0xb3: {  	[sflag:s19] =	ssyncset.done $0x0  }
0xb4: {  	[sflag:s19] =	ssyncadd.s32 $0xFFFFFF80  }
0xb5: {  	_ =	swait.ge [sflag:s19], $0x80  }
0xb6: {  	[sflag:s19] =	ssyncset.done $0x0  }
0xb7: {  	s1 =	simm.s32 @!p1 $0x6;
	[sflag:s19] =	ssyncadd.s32 $0xFFFFFF80  }
0xb8: {  	[tilespmem:s20], [sflag:$0x5] =	stream.indirect.gather [hbm4b:s8+s13], $0x80, s3, s13, $0xb8;
	[tilespmem:$0x1C400] =	vst v63  }
0xb9: {  	_ =	swait.ge @!p1 [sflag:s1], $0x4000  }
0xba: {  	s10 =	simm.s32 @!p1 $0x4400;
	[sflag:s1] =	ssyncset.done @!p1 $0x0  }
0xbb: {  	s11 =	simm.s32 @!p1 $0x380;
	[sflag:s1] =	ssyncadd.s32 @!p1 $0xFFFFC000;
	s1 =	simm.s32 @!p1 $0x80  }
0xbc: {  	[spmem:s2] =	stream.indirect.scatter.add.f32 @!p1 [tilespmem:s10], [sflag:$0x8], $0x80, s11, s1, $0xb8;
	[tilespmem:$0x1C400] =	vst v63  }
0xbd: {  	s1 =	simm.s32 @!p1 $0x8  }
0xbe: {  	_ =	swait.ge @!p1 [sflag:s1], $0x4000  }
0xbf: {  	[sflag:s1] =	ssyncset.done @!p1 $0x0  }
0xc0: {  	s10 =	sadd.s32 $0x30, s7;
	[sflag:s1] =	ssyncadd.s32 @!p1 $0xFFFFC000  }
0xc1: {  	[tilespmem:s21], [sflag:$0x4] =	stream.linear.gather [hbm4b:s10+s3], $0x80, $0x38;
	[tilespmem:$0x1C400] =	vst v63  }
0xc2: {  	s11 =	sadd.s32 $0x30, s9  }
0xc3: {  	[tilespmem:s22], [sflag:$0x4] =	stream.linear.gather [hbm4b:s11+s3], $0x80, $0x38;
	[tilespmem:$0x1C400] =	vst v63  }
0xc4: {  	_ =	swait.ge [sflag:s23], $0x80  }
0xc5: {  	[sflag:s23] =	ssyncset.done $0x0  }
0xc6: {  	[sflag:s23] =	ssyncadd.s32 $0xFFFFFF80  }
0xc7: {  	_ =	swait.ge [sflag:s23], $0x80  }
0xc8: {  	[sflag:s23] =	ssyncset.done $0x0  }
0xc9: {  	[sflag:s23] =	ssyncadd.s32 $0xFFFFFF80  }
0xca: {  	[tilespmem:s25], [sflag:$0x6] =	stream.indirect.gather [hbm4b:s8+s13], $0x80, s13, s13, $0xb8;
	[tilespmem:$0x1C400] =	vst v63  }
0xcb: {  	_ =	swait.ge [sflag:s26], $0x4000  }
0xcc: {  	[sflag:s26] =	ssyncset.done $0x0  }
0xcd: {  	[sflag:s26] =	ssyncadd.s32 $0xFFFFC000  }
0xce: {  	[spmem:s2] =	stream.indirect.scatter.add.f32 [tilespmem:s20], [sflag:$0x7], $0x80, s12, s13, $0xb8;
	[tilespmem:$0x1C400] =	vst v63  }
0xcf: {  	p0 =	seq.s32 s6, $0x4C0;
	_ =	swait.ge [sflag:s28], $0x4000  }
0xd0: {  	s9 =	simm.s32 @!p0 $0x0;
	s1 =	sadd.s32 @!p0 s6, s4;
	[sflag:s28] =	ssyncset.done $0x0  }
0xd1: {  	s6 =	sadd.s32 @!p0 s6, s5;
	s7 =	sadd.s32 @!p0 $0x40, s1;
	[sflag:s28] =	ssyncadd.s32 $0xFFFFC000  }
0xd2: {  	[tilespmem:s9], [sflag:$0x1] =	stream.linear.gather @!p0 [hbm4b:s7+s9], $0x80, $0x38;
	[tilespmem:$0x1C400] =	vst v63  }
0xd3: {  	s10 =	simm.s32 @!p0 $0x200;
	s7 =	sadd.s32 @!p0 $0x40, s6  }
0xd4: {  	[tilespmem:s10], [sflag:$0x1] =	stream.linear.gather @!p0 [hbm4b:s7+s9], $0x80, $0x38;
	[tilespmem:$0x1C400] =	vst v63  }
0xd5: {  	_ =	swait.ge [sflag:s29], $0x80  }
0xd6: {  	[sflag:s29] =	ssyncset.done $0x0  }
0xd7: {  	[sflag:s29] =	ssyncadd.s32 $0xFFFFFF80  }
0xd8: {  	_ =	swait.ge [sflag:s29], $0x80  }
0xd9: {  	[sflag:s29] =	ssyncset.done $0x0  }
0xda: {  	[sflag:s29] =	ssyncadd.s32 $0xFFFFFF80  }
0xdb: {  	[tilespmem:s20], [sflag:$0x5] =	stream.indirect.gather [hbm4b:s8+s13], $0x80, s17, s13, $0xb8;
	[tilespmem:$0x1C400] =	vst v63  }
0xdc: {  	_ =	swait.ge [sflag:s30], $0x4000  }
0xdd: {  	[sflag:s30] =	ssyncset.done $0x0  }
0xde: {  	[sflag:s30] =	ssyncadd.s32 $0xFFFFC000  }
0xdf: {  	[spmem:s2] =	stream.indirect.scatter.add.f32 [tilespmem:s25], [sflag:$0x8], $0x80, s14, s13, $0xb8;
	[tilespmem:$0x1C400] =	vst v63  }
0xe0: {  	_ =	swait.ge [sflag:s31], $0x4000  }
0xe1: {  	[sflag:s31] =	ssyncset.done $0x0  }
0xe2: {  	s1 =	sadd.s32 @!p0 $0x50, s1;
	s7 =	simm.s32 @!p0 $0x80;
	[sflag:s31] =	ssyncadd.s32 $0xFFFFC000  }
0xe3: {  	[tilespmem:s7], [sflag:$0x2] =	stream.linear.gather @!p0 [hbm4b:s1+s9], $0x80, $0x38;
	[tilespmem:$0x1C400] =	vst v63  }
0xe4: {  	s1 =	sadd.s32 @!p0 $0x50, s6;
	s6 =	simm.s32 @!p0 $0x280  }
0xe5: {  	[tilespmem:s6], [sflag:$0x2] =	stream.linear.gather @!p0 [hbm4b:s1+s9], $0x80, $0x38;
	[tilespmem:$0x1C400] =	vst v63  }
0xe6: {  	_ =	swait.ge [sflag:s0], $0x80  }
0xe7: {  	[sflag:s0] =	ssyncset.done $0x0  }
0xe8: {  	[sflag:s0] =	ssyncadd.s32 $0xFFFFFF80  }
0xe9: {  	_ =	swait.ge [sflag:s0], $0x80  }
0xea: {  	[sflag:s0] =	ssyncset.done $0x0  }
0xeb: {  	[sflag:s0] =	ssyncadd.s32 $0xFFFFFF80  }
0xec: {  	[tilespmem:s25], [sflag:$0x6] =	stream.indirect.gather [hbm4b:s8+s13], $0x80, s21, s13, $0xb8;
	[tilespmem:$0x1C400] =	vst v63  }
0xed: {  	_ =	swait.ge [sflag:s26], $0x4000  }
0xee: {  	[sflag:s26] =	ssyncset.done $0x0  }
0xef: {  	[sflag:s26] =	ssyncadd.s32 $0xFFFFC000  }
0xf0: {  	[spmem:s2] =	stream.indirect.scatter.add.f32 [tilespmem:s20], [sflag:$0x7], $0x80, s18, s13, $0xb8;
	[tilespmem:$0x1C400] =	vst v63  }
0xf1: {  	_ =	swait.ge [sflag:s30], $0x4000  }
0xf2: {  	[sflag:s30] =	ssyncset.done $0x0  }
0xf3: {  	[sflag:s30] =	ssyncadd.s32 $0xFFFFC000  }
0xf4: {  	[spmem:s2] =	stream.indirect.scatter.add.f32 [tilespmem:s25], [sflag:$0x8], $0x80, s22, s13, $0xb8;
	[tilespmem:$0x1C400] =	vst v63  }
0xf5: {  	_ =	swait.ge [sflag:s28], $0x4000  }
0xf6: {  	[sflag:s28] =	ssyncset.done $0x0  }
0xf7: {  	[sflag:s28] =	ssyncadd.s32 $0xFFFFC000  }
0xf8: {  	_ =	swait.ge [sflag:s31], $0x4000  }
0xf9: {  	[sflag:s31] =	ssyncset.done $0x0  }
0xfa: {  	[sflag:s31] =	ssyncadd.s32 $0xFFFFC000  }
0xfb: {  	[bflag:$0x0] =	sbarrier.arrive $0xFFFF  }
0xfc: {  	s7 =	rddreg [dreg:$0x6]  }
0xfd: {  	s6 =	rddreg [dreg:$0x8]  }
0xfe: {  	s10 =	simm.s32 $0x9;
	s15 =	rddreg [dreg:$0x9]  }
0xff: {  	[hbm:s15], [sflag:s7] =	dma.local [spmem:s6], $0x2800  }
0x100: {  	_ =	swait.ge [sflag:s10], $0x2800  }
0x101: {  	s16 =	rddreg [dreg:$0xa]  }
0x102: {  	s24 =	rddreg [dreg:$0x7];
	s9 =	sadd.s32 $0x1, s16  }
0x103: {  	p0 =	sne.s32 s9, s24  }
.Ltmp1:
0x104: {  	_ = 	snop;
	(pc) =	sbr.rel @p0 .LBB2_1-.Ltmp1, $3  }
0x105: {  	_ =	sdelay $0x1  }
0x106: {  	[sflag:s10] =	ssyncset.done $0x0  }
0x107: {  	[sflag:s10] =	ssyncadd.s32 $0xFFFFD800  }
0x108: {  	_ =	sfence.sel $0x180000  }
0x109: {  	[bflag:$0x0] =	sbarrier.arrive $0xFFFF  }
0x10a: {  	_ =	strace $0x9000004D  }
0x10b: {  	s0 =	stileid.u32;
	[bflag:$0x2] =	sbarrier.arrive $0xFFFF  }
0x10c: {  	p0 =	sne.s32 s0, $0x0;
	s0 =	rddreg [dreg:$0x2]  }
0x10d: {  	s0 =	sadd.s32 @!p0 $0x100000, s0  }
0x10e: {  	[sflag:s0] =	ssyncadd.tile.s32 @!p0 $0x1;
	_ =	shalt  }
.Lfunc_end2:
_tile_overlayer_lowered:
.L_overlay_start_2:
0x10f: {  	(tag) =	ssettag $0x2  }
0x110: {  	s0 =	rddreg [dreg:$0x0];
	s2 =	stileid.u32  }
0x111: {  	s1 =	rddreg [dreg:$0x1];
	p0 =	sne.s32 s2, $0x0  }
0x112: {  	s3 =	rddreg [dreg:$0x2];
	[bflag:$0x3] =	sbarrier.arrive $0xFFFF;
	s2 =	simm.s32 @!p0 $0x1C09  }
0x113: {  	[timem:s3], [sflag:s2] =	dma.local @!p0 [hbm:s0], s1  }
0x114: {  	s0 =	simm.s32 @!p0 $0x9  }
0x115: {  	_ =	swait.ge @!p0 [sflag:s0], s1  }
0x116: {  	s1 =	ssub.s32 @!p0 $0x0, s1;
	[sflag:s0] =	ssyncset.done @!p0 $0x0  }
0x117: {  	[sflag:s0] =	ssyncadd.s32 @!p0 s1  }
0x118: {  	[bflag:$0x3] =	sbarrier.arrive $0xFFFF  }
0x119: {  	_ =	shalt  }

</sc_bundles>
